<compile_context>
chip_gen: v7x
topology: tpu7x:2x2x1
jax: 0.10.2.dev20260603
libtpu: 0.0.44.dev20260713+nightly
codegen_flags: <defaults>
</compile_context>

<pallas_src>
import functools

import jax
import jax.numpy as jnp
from jax import lax
from jax.experimental import pallas as pl
from jax.experimental.pallas import tpu as pltpu
from jax.experimental.pallas import tpu_sc as plsc

N_EDGES_C = 6_400_000
NSEG = 1000
NSEG_PAD = 1024
NC = 2
NS = 16
NLANE = 16
NW = NC * NS
EDGES_PER_W = N_EDGES_C // NW
CHUNK = 20_000
NCHUNK = EDGES_PER_W // CHUNK
VPC = CHUNK // NLANE


def _sc_body(x_hbm, idx_hbm, out_hbm, xbuf0, xbuf1, ibuf0, ibuf1, acc_s,
             rpart, tbuf, shared, semx0, semx1, semi0, semi1):
    cid = lax.axis_index("c")
    sid = lax.axis_index("s")
    wid = cid * NS + sid

    lane = lax.iota(jnp.int32, NLANE)
    kbias = jnp.full((NLANE,), 4096.0, jnp.float32)
    zeros = jnp.zeros((NLANE,), jnp.float32)
    semx = [semx0, semx1]
    semi = [semi0, semi1]
    xbufs = [xbuf0, xbuf1]
    ibufs = [ibuf0, ibuf1]

    base = wid * EDGES_PER_W

    def issue(ch, b):
        off = base + ch * CHUNK
        hx = pltpu.async_copy(x_hbm.at[pl.ds(off, CHUNK)], xbufs[b], semx[b])
        hi = pltpu.async_copy(idx_hbm.at[pl.ds(off, CHUNK)], ibufs[b],
                              semi[b])
        return hx, hi

    pending = [issue(0, 0), None]

    @plsc.parallel_loop(0, NSEG_PAD, unroll=8)
    def _(i):
        acc_s[pl.ds(i * NLANE, NLANE)] = zeros

    for ch in range(NCHUNK):
        b = ch & 1
        hx, hi = pending[b]
        hx.wait()
        hi.wait()
        if ch + 1 < NCHUNK:
            pending[1 - b] = issue(ch + 1, 1 - b)
        ib = ibufs[b]
        xb = xbufs[b]

        @plsc.parallel_loop(0, VPC, unroll=16)
        def _(i):
            o = i * NLANE
            iv = ib[pl.ds(o, NLANE)]
            xv = xb[pl.ds(o, NLANE)]
            addr = iv * NLANE + lane
            plsc.addupdate_scatter(acc_s, [addr], xv + kbias)

    m15 = lane == 15

    @plsc.parallel_loop(0, NSEG_PAD, unroll=8)
    def _(r):
        srow = acc_s[pl.ds(r * NLANE, NLANE)]
        cs = plsc.cumsum(srow)
        cnt = (cs * (1.0 / 4096.0) + 0.5).astype(jnp.int32).astype(jnp.float32)
        sm = cs - cnt * 4096.0
        addr = jnp.full((NLANE,), r, jnp.int32)
        plsc.store_scatter(rpart, [addr], sm, mask=m15)
        plsc.store_scatter(rpart, [addr + NSEG_PAD], cnt, mask=m15)

    pltpu.sync_copy(rpart, shared.at[sid])
    plsc.subcore_barrier()

    sl0 = sid * 128
    handles = [
        pltpu.async_copy(shared.at[j, pl.ds(sl0, 128)],
                         tbuf.at[pl.ds(j * 128, 128)], semx0)
        for j in range(NS)
    ]
    for h in handles:
        h.wait()
    for k in range(8):
        tot = tbuf[pl.ds(k * NLANE, NLANE)]
        for j in range(1, NS):
            tot = tot + tbuf[pl.ds(j * 128 + k * NLANE, NLANE)]
        rpart[pl.ds(k * NLANE, NLANE)] = tot
    pltpu.sync_copy(rpart.at[pl.ds(0, 128)],
                    out_hbm.at[cid, pl.ds(sl0, 128)])


_segment_partials = functools.partial(
    pl.kernel,
    out_type=jax.ShapeDtypeStruct((NC, 2 * NSEG_PAD), jnp.float32),
    mesh=plsc.VectorSubcoreMesh(core_axis_name="c", subcore_axis_name="s"),
    compiler_params=pltpu.CompilerParams(needs_layout_passes=False),
    scratch_types=[
        pltpu.VMEM((CHUNK,), jnp.float32),
        pltpu.VMEM((CHUNK,), jnp.float32),
        pltpu.VMEM((CHUNK,), jnp.int32),
        pltpu.VMEM((CHUNK,), jnp.int32),
        pltpu.VMEM((NSEG_PAD * NLANE,), jnp.float32),
        pltpu.VMEM((2 * NSEG_PAD,), jnp.float32),
        pltpu.VMEM((2 * NSEG_PAD,), jnp.float32),
        pltpu.VMEM_SHARED((NS, 2 * NSEG_PAD), jnp.float32),
        pltpu.SemaphoreType.DMA,
        pltpu.SemaphoreType.DMA,
        pltpu.SemaphoreType.DMA,
        pltpu.SemaphoreType.DMA,
    ],
)(_sc_body)


def _finalize_body(p_ref, t_ref, o_ref):
    p = p_ref[...].reshape(NC, 2, 8, 128)
    s = p[0, 0] + p[1, 0]
    c = p[0, 1] + p[1, 1]
    seg = (lax.broadcasted_iota(jnp.int32, (8, 128), 0) * 128
           + lax.broadcasted_iota(jnp.int32, (8, 128), 1))
    mean = s / c
    t = t_ref[...].reshape(8, 128)
    d = jnp.where(seg < NSEG, mean - t, 0.0)
    loss = jnp.sum(d * d) * jnp.float32(0.01 / NSEG)
    o_ref[...] = jnp.full((1, 1), loss, jnp.float32)


def kernel(x, idx, target_mean_weights):
    partials = _segment_partials(x, idx)
    t = jnp.pad(target_mean_weights, (0, NSEG_PAD - NSEG))
    out = pl.pallas_call(
        _finalize_body,
        out_shape=jax.ShapeDtypeStruct((1, 1), jnp.float32),
    )(partials, t)
    return out[0, 0]

# --- scband reference (transcript-rebuilt; emitter-appended) ---
"""Pipeline reference for scband-stiff-regularizer-79431125172890 (READ-ONLY COPY).

The authoritative reference and input builder live on the scoring server;
editing this copy changes nothing except your own understanding.
"""

import jax, jax.numpy as jnp
import numpy as np

NUM_UNIQUE = 1000
N_EDGES = 6_400_000
STRENGTH = 0.01


def setup_inputs(seed: int = 0) -> dict:
    key = jax.random.key(seed)
    k1, k2, k3 = jax.random.split(key, 3)
    x = jax.random.normal(k1, (N_EDGES,), dtype=jnp.float32)
    idx = jax.random.randint(k2, (N_EDGES,), 0, NUM_UNIQUE, dtype=jnp.int32)
    target_mean_weights = jax.random.normal(k3, (NUM_UNIQUE,), dtype=jnp.float32)
    return {"x": x, "idx": idx, "target_mean_weights": target_mean_weights}


def reference(x, idx, target_mean_weights):
    # Faithful translation of StiffRegularizer.__call__ with
    # penalize_relative_change=False.
    if x.ndim > 1 and x.shape[1] == 1:
        x = jnp.squeeze(x, axis=1)
    # tf.math.unsorted_segment_mean == segment_sum / segment_count
    sums = jax.ops.segment_sum(x, idx, num_segments=NUM_UNIQUE)
    counts = jax.ops.segment_sum(jnp.ones_like(x), idx, num_segments=NUM_UNIQUE)
    mean_edge_type_weights = sums / counts
    reg_loss = jnp.mean(jnp.square(mean_edge_type_weights - target_mean_weights))
    return reg_loss.astype(jnp.float32) * jnp.float32(STRENGTH)

if __name__ == "__main__":
    import jax
    _d = setup_inputs()
    print(jax.jit(kernel)(*tuple(_d.values())))

</pallas_src>

<mosaic_0001>
#map = affine_map<(d0, d1) -> (0)>
#map1 = affine_map<(d0, d1) -> (0, 0)>
module attributes {stable_mosaic.version = 14 : i64} {
  func.func @_sc_body(%arg0: i32, %arg1: i32, %arg2: memref<6400000xf32, #tpu.memory_space<hbm>>, %arg3: memref<6400000xi32, #tpu.memory_space<hbm>>, %arg4: memref<2x2048xf32, #tpu.memory_space<hbm>>, %arg5: memref<20000xf32, #tpu.memory_space<vmem>>, %arg6: memref<20000xf32, #tpu.memory_space<vmem>>, %arg7: memref<20000xi32, #tpu.memory_space<vmem>>, %arg8: memref<20000xi32, #tpu.memory_space<vmem>>, %arg9: memref<16384xf32, #tpu.memory_space<vmem>>, %arg10: memref<2048xf32, #tpu.memory_space<vmem>>, %arg11: memref<2048xf32, #tpu.memory_space<vmem>>, %arg12: memref<16x2048xf32, #tpu.memory_space<vmem_shared>>, %arg13: memref<!tpu.dma_semaphore, #tpu.memory_space<semaphore_mem>>, %arg14: memref<!tpu.dma_semaphore, #tpu.memory_space<semaphore_mem>>, %arg15: memref<!tpu.dma_semaphore, #tpu.memory_space<semaphore_mem>>, %arg16: memref<!tpu.dma_semaphore, #tpu.memory_space<semaphore_mem>>) attributes {dimension_semantics = [#tpu.dimension_semantics<core_parallel>, #tpu.dimension_semantics<subcore_parallel>], iteration_bounds = array<i64: 2, 16>, scalar_prefetch = 0 : i64, scratch_operands = 12 : i64, tpu.core_type = #tpu.core_type<sc_vector_subcore>, window_params = [{transform_indices = #map}, {transform_indices = #map}, {transform_indices = #map1}]} {
    %mul3A = arith.constant 16 : i32
    %mul3A_0 = arith.muli %arg0, %mul3A : i32
    %add3A = arith.addi %mul3A_0, %arg1 : i32
    %iota3A = tpu.iota {dimensions = array<i32: 0>} : vector<16xi32>
    %broadcast_in_dim3A = arith.constant 4.096000e+03 : f32
    %broadcast_in_dim3A_1 = vector.broadcast %broadcast_in_dim3A : f32 to vector<16xf32>
    %broadcast_in_dim3A_2 = arith.constant 0.000000e+00 : f32
    %broadcast_in_dim3A_3 = vector.broadcast %broadcast_in_dim3A_2 : f32 to vector<16xf32>
    %mul3A_4 = arith.constant 200000 : i32
    %mul3A_5 = arith.muli %add3A, %mul3A_4 : i32
    %add3A_6 = arith.constant 0 : i32
    %add3A_7 = arith.addi %mul3A_5, %add3A_6 : i32
    %dma_start3A = tpu.memref_slice %arg2[%add3A_7] : memref<6400000xf32, #tpu.memory_space<hbm>> -> memref<20000xf32, #tpu.memory_space<hbm>>
    %dma_start3A_8 = tpu.memref_slice %arg2[%add3A_7] : memref<6400000xf32, #tpu.memory_space<hbm>> -> memref<20000xf32, #tpu.memory_space<hbm>>
    tpu.enqueue_dma source(%dma_start3A_8 : memref<20000xf32, #tpu.memory_space<hbm>>) target(%arg5 : memref<20000xf32, #tpu.memory_space<vmem>>) target_semaphore(%arg13 : memref<!tpu.dma_semaphore, #tpu.memory_space<semaphore_mem>>)
    %dma_start3A_9 = tpu.memref_slice %arg3[%add3A_7] : memref<6400000xi32, #tpu.memory_space<hbm>> -> memref<20000xi32, #tpu.memory_space<hbm>>
    %dma_start3A_10 = tpu.memref_slice %arg3[%add3A_7] : memref<6400000xi32, #tpu.memory_space<hbm>> -> memref<20000xi32, #tpu.memory_space<hbm>>
    tpu.enqueue_dma source(%dma_start3A_10 : memref<20000xi32, #tpu.memory_space<hbm>>) target(%arg7 : memref<20000xi32, #tpu.memory_space<vmem>>) target_semaphore(%arg15 : memref<!tpu.dma_semaphore, #tpu.memory_space<semaphore_mem>>)
    %parallel_loop3A = arith.constant 0 : i32
    %parallel_loop3A_11 = arith.constant 1024 : i32
    %parallel_loop3A_12 = arith.constant 1 : i32
    scf.for %parallel_loop3A_821 = %parallel_loop3A to %parallel_loop3A_11 step %parallel_loop3A_12  : i32 {
      %parallel_loop3A_822 = arith.constant 16 : i32
      %parallel_loop3A_823 = arith.muli %parallel_loop3A_821, %parallel_loop3A_822 : i32
      %parallel_loop3A_824 = arith.index_cast %parallel_loop3A_823 : i32 to index
      %parallel_loop3A_825 = tpu.vector_load %arg9[%parallel_loop3A_824] {strides = array<i32>} : memref<16384xf32, #tpu.memory_space<vmem>>, vector<16xf32>,
      tpu.vector_store %arg9[%parallel_loop3A_824], %broadcast_in_dim3A_3 {strides = array<i32>} : memref<16384xf32, #tpu.memory_space<vmem>>, vector<16xf32>,
    } {sc.loop_unroll_factor = 8 : i64, sc.parallel_access}
    %dma_wait3A = tpu.memref_slice %arg2[%add3A_7] : memref<6400000xf32, #tpu.memory_space<hbm>> -> memref<20000xf32, #tpu.memory_space<hbm>>
    %dma_wait3A_13 = tpu.memref_slice %arg2[%add3A_7] : memref<6400000xf32, #tpu.memory_space<hbm>> -> memref<20000xf32, #tpu.memory_space<hbm>>
    tpu.wait_dma2 semaphore(%arg13 : memref<!tpu.dma_semaphore, #tpu.memory_space<semaphore_mem>>) src(%dma_wait3A_13 : memref<20000xf32, #tpu.memory_space<hbm>>) dst(%arg5 : memref<20000xf32, #tpu.memory_space<vmem>>)
    %dma_wait3A_14 = tpu.memref_slice %arg3[%add3A_7] : memref<6400000xi32, #tpu.memory_space<hbm>> -> memref<20000xi32, #tpu.memory_space<hbm>>
    %dma_wait3A_15 = tpu.memref_slice %arg3[%add3A_7] : memref<6400000xi32, #tpu.memory_space<hbm>> -> memref<20000xi32, #tpu.memory_space<hbm>>
    tpu.wait_dma2 semaphore(%arg15 : memref<!tpu.dma_semaphore, #tpu.memory_space<semaphore_mem>>) src(%dma_wait3A_15 : memref<20000xi32, #tpu.memory_space<hbm>>) dst(%arg7 : memref<20000xi32, #tpu.memory_space<vmem>>)
    %add3A_16 = arith.constant 20000 : i32
    %add3A_17 = arith.addi %mul3A_5, %add3A_16 : i32
    %dma_start3A_18 = tpu.memref_slice %arg2[%add3A_17] : memref<6400000xf32, #tpu.memory_space<hbm>> -> memref<20000xf32, #tpu.memory_space<hbm>>
    %dma_start3A_19 = tpu.memref_slice %arg2[%add3A_17] : memref<6400000xf32, #tpu.memory_space<hbm>> -> memref<20000xf32, #tpu.memory_space<hbm>>
    tpu.enqueue_dma source(%dma_start3A_19 : memref<20000xf32, #tpu.memory_space<hbm>>) target(%arg6 : memref<20000xf32, #tpu.memory_space<vmem>>) target_semaphore(%arg14 : memref<!tpu.dma_semaphore, #tpu.memory_space<semaphore_mem>>)
    %dma_start3A_20 = tpu.memref_slice %arg3[%add3A_17] : memref<6400000xi32, #tpu.memory_space<hbm>> -> memref<20000xi32, #tpu.memory_space<hbm>>
    %dma_start3A_21 = tpu.memref_slice %arg3[%add3A_17] : memref<6400000xi32, #tpu.memory_space<hbm>> -> memref<20000xi32, #tpu.memory_space<hbm>>
    tpu.enqueue_dma source(%dma_start3A_21 : memref<20000xi32, #tpu.memory_space<hbm>>) target(%arg8 : memref<20000xi32, #tpu.memory_space<vmem>>) target_semaphore(%arg16 : memref<!tpu.dma_semaphore, #tpu.memory_space<semaphore_mem>>)
    %parallel_loop3A_22 = arith.constant 0 : i32
    %parallel_loop3A_23 = arith.constant 1250 : i32
    %parallel_loop3A_24 = arith.constant 1 : i32
    scf.for %parallel_loop3A_821 = %parallel_loop3A_22 to %parallel_loop3A_23 step %parallel_loop3A_24  : i32 {
      %parallel_loop3A_822 = arith.constant 16 : i32
      %parallel_loop3A_823 = arith.muli %parallel_loop3A_821, %parallel_loop3A_822 : i32
      %parallel_loop3A_824 = arith.index_cast %parallel_loop3A_823 : i32 to index
      %parallel_loop3A_825 = tpu.vector_load %arg7[%parallel_loop3A_824] {strides = array<i32>} : memref<20000xi32, #tpu.memory_space<vmem>>, vector<16xi32>,
      %parallel_loop3A_826 = arith.index_cast %parallel_loop3A_823 : i32 to index
      %parallel_loop3A_827 = tpu.vector_load %arg5[%parallel_loop3A_826] {strides = array<i32>} : memref<20000xf32, #tpu.memory_space<vmem>>, vector<16xf32>,
      %parallel_loop3A_828 = arith.constant 16 : i32
      %parallel_loop3A_829 = vector.broadcast %parallel_loop3A_828 : i32 to vector<16xi32>
      %parallel_loop3A_830 = arith.muli %parallel_loop3A_825, %parallel_loop3A_829 : vector<16xi32>
      %parallel_loop3A_831 = arith.addi %parallel_loop3A_830, %iota3A : vector<16xi32>
      %parallel_loop3A_832 = arith.addf %parallel_loop3A_827, %broadcast_in_dim3A_1 : vector<16xf32>
      tpu.vector_store_idx %arg9[%parallel_loop3A_831], %parallel_loop3A_832 {add = true} : memref<16384xf32, #tpu.memory_space<vmem>>[vector<16xi32>], vector<16xf32>,
    } {sc.loop_unroll_factor = 16 : i64, sc.parallel_access}
    %dma_wait3A_25 = tpu.memref_slice %arg2[%add3A_17] : memref<6400000xf32, #tpu.memory_space<hbm>> -> memref<20000xf32, #tpu.memory_space<hbm>>
    %dma_wait3A_26 = tpu.memref_slice %arg2[%add3A_17] : memref<6400000xf32, #tpu.memory_space<hbm>> -> memref<20000xf32, #tpu.memory_space<hbm>>
    tpu.wait_dma2 semaphore(%arg14 : memref<!tpu.dma_semaphore, #tpu.memory_space<semaphore_mem>>) src(%dma_wait3A_26 : memref<20000xf32, #tpu.memory_space<hbm>>) dst(%arg6 : memref<20000xf32, #tpu.memory_space<vmem>>)
    %dma_wait3A_27 = tpu.memref_slice %arg3[%add3A_17] : memref<6400000xi32, #tpu.memory_space<hbm>> -> memref<20000xi32, #tpu.memory_space<hbm>>
    %dma_wait3A_28 = tpu.memref_slice %arg3[%add3A_17] : memref<6400000xi32, #tpu.memory_space<hbm>> -> memref<20000xi32, #tpu.memory_space<hbm>>
    tpu.wait_dma2 semaphore(%arg16 : memref<!tpu.dma_semaphore, #tpu.memory_space<semaphore_mem>>) src(%dma_wait3A_28 : memref<20000xi32, #tpu.memory_space<hbm>>) dst(%arg8 : memref<20000xi32, #tpu.memory_space<vmem>>)
    %add3A_29 = arith.constant 40000 : i32
    %add3A_30 = arith.addi %mul3A_5, %add3A_29 : i32
    %dma_start3A_31 = tpu.memref_slice %arg2[%add3A_30] : memref<6400000xf32, #tpu.memory_space<hbm>> -> memref<20000xf32, #tpu.memory_space<hbm>>
    %dma_start3A_32 = tpu.memref_slice %arg2[%add3A_30] : memref<6400000xf32, #tpu.memory_space<hbm>> -> memref<20000xf32, #tpu.memory_space<hbm>>
    tpu.enqueue_dma source(%dma_start3A_32 : memref<20000xf32, #tpu.memory_space<hbm>>) target(%arg5 : memref<20000xf32, #tpu.memory_space<vmem>>) target_semaphore(%arg13 : memref<!tpu.dma_semaphore, #tpu.memory_space<semaphore_mem>>)
    %dma_start3A_33 = tpu.memref_slice %arg3[%add3A_30] : memref<6400000xi32, #tpu.memory_space<hbm>> -> memref<20000xi32, #tpu.memory_space<hbm>>
    %dma_start3A_34 = tpu.memref_slice %arg3[%add3A_30] : memref<6400000xi32, #tpu.memory_space<hbm>> -> memref<20000xi32, #tpu.memory_space<hbm>>
    tpu.enqueue_dma source(%dma_start3A_34 : memref<20000xi32, #tpu.memory_space<hbm>>) target(%arg7 : memref<20000xi32, #tpu.memory_space<vmem>>) target_semaphore(%arg15 : memref<!tpu.dma_semaphore, #tpu.memory_space<semaphore_mem>>)
    %parallel_loop3A_35 = arith.constant 0 : i32
    %parallel_loop3A_36 = arith.constant 1250 : i32
    %parallel_loop3A_37 = arith.constant 1 : i32
    scf.for %parallel_loop3A_821 = %parallel_loop3A_35 to %parallel_loop3A_36 step %parallel_loop3A_37  : i32 {
      %parallel_loop3A_822 = arith.constant 16 : i32
      %parallel_loop3A_823 = arith.muli %parallel_loop3A_821, %parallel_loop3A_822 : i32
      %parallel_loop3A_824 = arith.index_cast %parallel_loop3A_823 : i32 to index
      %parallel_loop3A_825 = tpu.vector_load %arg8[%parallel_loop3A_824] {strides = array<i32>} : memref<20000xi32, #tpu.memory_space<vmem>>, vector<16xi32>,
      %parallel_loop3A_826 = arith.index_cast %parallel_loop3A_823 : i32 to index
      %parallel_loop3A_827 = tpu.vector_load %arg6[%parallel_loop3A_826] {strides = array<i32>} : memref<20000xf32, #tpu.memory_space<vmem>>, vector<16xf32>,
      %parallel_loop3A_828 = arith.constant 16 : i32
      %parallel_loop3A_829 = vector.broadcast %parallel_loop3A_828 : i32 to vector<16xi32>
      %parallel_loop3A_830 = arith.muli %parallel_loop3A_825, %parallel_loop3A_829 : vector<16xi32>
      %parallel_loop3A_831 = arith.addi %parallel_loop3A_830, %iota3A : vector<16xi32>
      %parallel_loop3A_832 = arith.addf %parallel_loop3A_827, %broadcast_in_dim3A_1 : vector<16xf32>
      tpu.vector_store_idx %arg9[%parallel_loop3A_831], %parallel_loop3A_832 {add = true} : memref<16384xf32, #tpu.memory_space<vmem>>[vector<16xi32>], vector<16xf32>,
    } {sc.loop_unroll_factor = 16 : i64, sc.parallel_access}
    %dma_wait3A_38 = tpu.memref_slice %arg2[%add3A_30] : memref<6400000xf32, #tpu.memory_space<hbm>> -> memref<20000xf32, #tpu.memory_space<hbm>>
    %dma_wait3A_39 = tpu.memref_slice %arg2[%add3A_30] : memref<6400000xf32, #tpu.memory_space<hbm>> -> memref<20000xf32, #tpu.memory_space<hbm>>
    tpu.wait_dma2 semaphore(%arg13 : memref<!tpu.dma_semaphore, #tpu.memory_space<semaphore_mem>>) src(%dma_wait3A_39 : memref<20000xf32, #tpu.memory_space<hbm>>) dst(%arg5 : memref<20000xf32, #tpu.memory_space<vmem>>)
    %dma_wait3A_40 = tpu.memref_slice %arg3[%add3A_30] : memref<6400000xi32, #tpu.memory_space<hbm>> -> memref<20000xi32, #tpu.memory_space<hbm>>
    %dma_wait3A_41 = tpu.memref_slice %arg3[%add3A_30] : memref<6400000xi32, #tpu.memory_space<hbm>> -> memref<20000xi32, #tpu.memory_space<hbm>>
    tpu.wait_dma2 semaphore(%arg15 : memref<!tpu.dma_semaphore, #tpu.memory_space<semaphore_mem>>) src(%dma_wait3A_41 : memref<20000xi32, #tpu.memory_space<hbm>>) dst(%arg7 : memref<20000xi32, #tpu.memory_space<vmem>>)
    %add3A_42 = arith.constant 60000 : i32
    %add3A_43 = arith.addi %mul3A_5, %add3A_42 : i32
    %dma_start3A_44 = tpu.memref_slice %arg2[%add3A_43] : memref<6400000xf32, #tpu.memory_space<hbm>> -> memref<20000xf32, #tpu.memory_space<hbm>>
    %dma_start3A_45 = tpu.memref_slice %arg2[%add3A_43] : memref<6400000xf32, #tpu.memory_space<hbm>> -> memref<20000xf32, #tpu.memory_space<hbm>>
    tpu.enqueue_dma source(%dma_start3A_45 : memref<20000xf32, #tpu.memory_space<hbm>>) target(%arg6 : memref<20000xf32, #tpu.memory_space<vmem>>) target_semaphore(%arg14 : memref<!tpu.dma_semaphore, #tpu.memory_space<semaphore_mem>>)
    %dma_start3A_46 = tpu.memref_slice %arg3[%add3A_43] : memref<6400000xi32, #tpu.memory_space<hbm>> -> memref<20000xi32, #tpu.memory_space<hbm>>
    %dma_start3A_47 = tpu.memref_slice %arg3[%add3A_43] : memref<6400000xi32, #tpu.memory_space<hbm>> -> memref<20000xi32, #tpu.memory_space<hbm>>
    tpu.enqueue_dma source(%dma_start3A_47 : memref<20000xi32, #tpu.memory_space<hbm>>) target(%arg8 : memref<20000xi32, #tpu.memory_space<vmem>>) target_semaphore(%arg16 : memref<!tpu.dma_semaphore, #tpu.memory_space<semaphore_mem>>)
    %parallel_loop3A_48 = arith.constant 0 : i32
    %parallel_loop3A_49 = arith.constant 1250 : i32
    %parallel_loop3A_50 = arith.constant 1 : i32
    scf.for %parallel_loop3A_821 = %parallel_loop3A_48 to %parallel_loop3A_49 step %parallel_loop3A_50  : i32 {
      %parallel_loop3A_822 = arith.constant 16 : i32
      %parallel_loop3A_823 = arith.muli %parallel_loop3A_821, %parallel_loop3A_822 : i32
      %parallel_loop3A_824 = arith.index_cast %parallel_loop3A_823 : i32 to index
      %parallel_loop3A_825 = tpu.vector_load %arg7[%parallel_loop3A_824] {strides = array<i32>} : memref<20000xi32, #tpu.memory_space<vmem>>, vector<16xi32>,
      %parallel_loop3A_826 = arith.index_cast %parallel_loop3A_823 : i32 to index
      %parallel_loop3A_827 = tpu.vector_load %arg5[%parallel_loop3A_826] {strides = array<i32>} : memref<20000xf32, #tpu.memory_space<vmem>>, vector<16xf32>,
      %parallel_loop3A_828 = arith.constant 16 : i32
      %parallel_loop3A_829 = vector.broadcast %parallel_loop3A_828 : i32 to vector<16xi32>
      %parallel_loop3A_830 = arith.muli %parallel_loop3A_825, %parallel_loop3A_829 : vector<16xi32>
      %parallel_loop3A_831 = arith.addi %parallel_loop3A_830, %iota3A : vector<16xi32>
      %parallel_loop3A_832 = arith.addf %parallel_loop3A_827, %broadcast_in_dim3A_1 : vector<16xf32>
      tpu.vector_store_idx %arg9[%parallel_loop3A_831], %parallel_loop3A_832 {add = true} : memref<16384xf32, #tpu.memory_space<vmem>>[vector<16xi32>], vector<16xf32>,
    } {sc.loop_unroll_factor = 16 : i64, sc.parallel_access}
    %dma_wait3A_51 = tpu.memref_slice %arg2[%add3A_43] : memref<6400000xf32, #tpu.memory_space<hbm>> -> memref<20000xf32, #tpu.memory_space<hbm>>
    %dma_wait3A_52 = tpu.memref_slice %arg2[%add3A_43] : memref<6400000xf32, #tpu.memory_space<hbm>> -> memref<20000xf32, #tpu.memory_space<hbm>>
    tpu.wait_dma2 semaphore(%arg14 : memref<!tpu.dma_semaphore, #tpu.memory_space<semaphore_mem>>) src(%dma_wait3A_52 : memref<20000xf32, #tpu.memory_space<hbm>>) dst(%arg6 : memref<20000xf32, #tpu.memory_space<vmem>>)
    %dma_wait3A_53 = tpu.memref_slice %arg3[%add3A_43] : memref<6400000xi32, #tpu.memory_space<hbm>> -> memref<20000xi32, #tpu.memory_space<hbm>>
    %dma_wait3A_54 = tpu.memref_slice %arg3[%add3A_43] : memref<6400000xi32, #tpu.memory_space<hbm>> -> memref<20000xi32, #tpu.memory_space<hbm>>
    tpu.wait_dma2 semaphore(%arg16 : memref<!tpu.dma_semaphore, #tpu.memory_space<semaphore_mem>>) src(%dma_wait3A_54 : memref<20000xi32, #tpu.memory_space<hbm>>) dst(%arg8 : memref<20000xi32, #tpu.memory_space<vmem>>)
    %add3A_55 = arith.constant 80000 : i32
    %add3A_56 = arith.addi %mul3A_5, %add3A_55 : i32
    %dma_start3A_57 = tpu.memref_slice %arg2[%add3A_56] : memref<6400000xf32, #tpu.memory_space<hbm>> -> memref<20000xf32, #tpu.memory_space<hbm>>
    %dma_start3A_58 = tpu.memref_slice %arg2[%add3A_56] : memref<6400000xf32, #tpu.memory_space<hbm>> -> memref<20000xf32, #tpu.memory_space<hbm>>
    tpu.enqueue_dma source(%dma_start3A_58 : memref<20000xf32, #tpu.memory_space<hbm>>) target(%arg5 : memref<20000xf32, #tpu.memory_space<vmem>>) target_semaphore(%arg13 : memref<!tpu.dma_semaphore, #tpu.memory_space<semaphore_mem>>)
    %dma_start3A_59 = tpu.memref_slice %arg3[%add3A_56] : memref<6400000xi32, #tpu.memory_space<hbm>> -> memref<20000xi32, #tpu.memory_space<hbm>>
    %dma_start3A_60 = tpu.memref_slice %arg3[%add3A_56] : memref<6400000xi32, #tpu.memory_space<hbm>> -> memref<20000xi32, #tpu.memory_space<hbm>>
    tpu.enqueue_dma source(%dma_start3A_60 : memref<20000xi32, #tpu.memory_space<hbm>>) target(%arg7 : memref<20000xi32, #tpu.memory_space<vmem>>) target_semaphore(%arg15 : memref<!tpu.dma_semaphore, #tpu.memory_space<semaphore_mem>>)
    %parallel_loop3A_61 = arith.constant 0 : i32
    %parallel_loop3A_62 = arith.constant 1250 : i32
    %parallel_loop3A_63 = arith.constant 1 : i32
    scf.for %parallel_loop3A_821 = %parallel_loop3A_61 to %parallel_loop3A_62 step %parallel_loop3A_63  : i32 {
      %parallel_loop3A_822 = arith.constant 16 : i32
      %parallel_loop3A_823 = arith.muli %parallel_loop3A_821, %parallel_loop3A_822 : i32
      %parallel_loop3A_824 = arith.index_cast %parallel_loop3A_823 : i32 to index
      %parallel_loop3A_825 = tpu.vector_load %arg8[%parallel_loop3A_824] {strides = array<i32>} : memref<20000xi32, #tpu.memory_space<vmem>>, vector<16xi32>,
      %parallel_loop3A_826 = arith.index_cast %parallel_loop3A_823 : i32 to index
      %parallel_loop3A_827 = tpu.vector_load %arg6[%parallel_loop3A_826] {strides = array<i32>} : memref<20000xf32, #tpu.memory_space<vmem>>, vector<16xf32>,
      %parallel_loop3A_828 = arith.constant 16 : i32
      %parallel_loop3A_829 = vector.broadcast %parallel_loop3A_828 : i32 to vector<16xi32>
      %parallel_loop3A_830 = arith.muli %parallel_loop3A_825, %parallel_loop3A_829 : vector<16xi32>
      %parallel_loop3A_831 = arith.addi %parallel_loop3A_830, %iota3A : vector<16xi32>
      %parallel_loop3A_832 = arith.addf %parallel_loop3A_827, %broadcast_in_dim3A_1 : vector<16xf32>
      tpu.vector_store_idx %arg9[%parallel_loop3A_831], %parallel_loop3A_832 {add = true} : memref<16384xf32, #tpu.memory_space<vmem>>[vector<16xi32>], vector<16xf32>,
    } {sc.loop_unroll_factor = 16 : i64, sc.parallel_access}
    %dma_wait3A_64 = tpu.memref_slice %arg2[%add3A_56] : memref<6400000xf32, #tpu.memory_space<hbm>> -> memref<20000xf32, #tpu.memory_space<hbm>>
    %dma_wait3A_65 = tpu.memref_slice %arg2[%add3A_56] : memref<6400000xf32, #tpu.memory_space<hbm>> -> memref<20000xf32, #tpu.memory_space<hbm>>
    tpu.wait_dma2 semaphore(%arg13 : memref<!tpu.dma_semaphore, #tpu.memory_space<semaphore_mem>>) src(%dma_wait3A_65 : memref<20000xf32, #tpu.memory_space<hbm>>) dst(%arg5 : memref<20000xf32, #tpu.memory_space<vmem>>)
    %dma_wait3A_66 = tpu.memref_slice %arg3[%add3A_56] : memref<6400000xi32, #tpu.memory_space<hbm>> -> memref<20000xi32, #tpu.memory_space<hbm>>
    %dma_wait3A_67 = tpu.memref_slice %arg3[%add3A_56] : memref<6400000xi32, #tpu.memory_space<hbm>> -> memref<20000xi32, #tpu.memory_space<hbm>>
    tpu.wait_dma2 semaphore(%arg15 : memref<!tpu.dma_semaphore, #tpu.memory_space<semaphore_mem>>) src(%dma_wait3A_67 : memref<20000xi32, #tpu.memory_space<hbm>>) dst(%arg7 : memref<20000xi32, #tpu.memory_space<vmem>>)
    %add3A_68 = arith.constant 100000 : i32
    %add3A_69 = arith.addi %mul3A_5, %add3A_68 : i32
    %dma_start3A_70 = tpu.memref_slice %arg2[%add3A_69] : memref<6400000xf32, #tpu.memory_space<hbm>> -> memref<20000xf32, #tpu.memory_space<hbm>>
    %dma_start3A_71 = tpu.memref_slice %arg2[%add3A_69] : memref<6400000xf32, #tpu.memory_space<hbm>> -> memref<20000xf32, #tpu.memory_space<hbm>>
    tpu.enqueue_dma source(%dma_start3A_71 : memref<20000xf32, #tpu.memory_space<hbm>>) target(%arg6 : memref<20000xf32, #tpu.memory_space<vmem>>) target_semaphore(%arg14 : memref<!tpu.dma_semaphore, #tpu.memory_space<semaphore_mem>>)
    %dma_start3A_72 = tpu.memref_slice %arg3[%add3A_69] : memref<6400000xi32, #tpu.memory_space<hbm>> -> memref<20000xi32, #tpu.memory_space<hbm>>
    %dma_start3A_73 = tpu.memref_slice %arg3[%add3A_69] : memref<6400000xi32, #tpu.memory_space<hbm>> -> memref<20000xi32, #tpu.memory_space<hbm>>
    tpu.enqueue_dma source(%dma_start3A_73 : memref<20000xi32, #tpu.memory_space<hbm>>) target(%arg8 : memref<20000xi32, #tpu.memory_space<vmem>>) target_semaphore(%arg16 : memref<!tpu.dma_semaphore, #tpu.memory_space<semaphore_mem>>)
    %parallel_loop3A_74 = arith.constant 0 : i32
    %parallel_loop3A_75 = arith.constant 1250 : i32
    %parallel_loop3A_76 = arith.constant 1 : i32
    scf.for %parallel_loop3A_821 = %parallel_loop3A_74 to %parallel_loop3A_75 step %parallel_loop3A_76  : i32 {
      %parallel_loop3A_822 = arith.constant 16 : i32
      %parallel_loop3A_823 = arith.muli %parallel_loop3A_821, %parallel_loop3A_822 : i32
      %parallel_loop3A_824 = arith.index_cast %parallel_loop3A_823 : i32 to index
      %parallel_loop3A_825 = tpu.vector_load %arg7[%parallel_loop3A_824] {strides = array<i32>} : memref<20000xi32, #tpu.memory_space<vmem>>, vector<16xi32>,
      %parallel_loop3A_826 = arith.index_cast %parallel_loop3A_823 : i32 to index
      %parallel_loop3A_827 = tpu.vector_load %arg5[%parallel_loop3A_826] {strides = array<i32>} : memref<20000xf32, #tpu.memory_space<vmem>>, vector<16xf32>,
      %parallel_loop3A_828 = arith.constant 16 : i32
      %parallel_loop3A_829 = vector.broadcast %parallel_loop3A_828 : i32 to vector<16xi32>
      %parallel_loop3A_830 = arith.muli %parallel_loop3A_825, %parallel_loop3A_829 : vector<16xi32>
      %parallel_loop3A_831 = arith.addi %parallel_loop3A_830, %iota3A : vector<16xi32>
      %parallel_loop3A_832 = arith.addf %parallel_loop3A_827, %broadcast_in_dim3A_1 : vector<16xf32>
      tpu.vector_store_idx %arg9[%parallel_loop3A_831], %parallel_loop3A_832 {add = true} : memref<16384xf32, #tpu.memory_space<vmem>>[vector<16xi32>], vector<16xf32>,
    } {sc.loop_unroll_factor = 16 : i64, sc.parallel_access}
    %dma_wait3A_77 = tpu.memref_slice %arg2[%add3A_69] : memref<6400000xf32, #tpu.memory_space<hbm>> -> memref<20000xf32, #tpu.memory_space<hbm>>
    %dma_wait3A_78 = tpu.memref_slice %arg2[%add3A_69] : memref<6400000xf32, #tpu.memory_space<hbm>> -> memref<20000xf32, #tpu.memory_space<hbm>>
    tpu.wait_dma2 semaphore(%arg14 : memref<!tpu.dma_semaphore, #tpu.memory_space<semaphore_mem>>) src(%dma_wait3A_78 : memref<20000xf32, #tpu.memory_space<hbm>>) dst(%arg6 : memref<20000xf32, #tpu.memory_space<vmem>>)
    %dma_wait3A_79 = tpu.memref_slice %arg3[%add3A_69] : memref<6400000xi32, #tpu.memory_space<hbm>> -> memref<20000xi32, #tpu.memory_space<hbm>>
    %dma_wait3A_80 = tpu.memref_slice %arg3[%add3A_69] : memref<6400000xi32, #tpu.memory_space<hbm>> -> memref<20000xi32, #tpu.memory_space<hbm>>
    tpu.wait_dma2 semaphore(%arg16 : memref<!tpu.dma_semaphore, #tpu.memory_space<semaphore_mem>>) src(%dma_wait3A_80 : memref<20000xi32, #tpu.memory_space<hbm>>) dst(%arg8 : memref<20000xi32, #tpu.memory_space<vmem>>)
    %add3A_81 = arith.constant 120000 : i32
    %add3A_82 = arith.addi %mul3A_5, %add3A_81 : i32
    %dma_start3A_83 = tpu.memref_slice %arg2[%add3A_82] : memref<6400000xf32, #tpu.memory_space<hbm>> -> memref<20000xf32, #tpu.memory_space<hbm>>
    %dma_start3A_84 = tpu.memref_slice %arg2[%add3A_82] : memref<6400000xf32, #tpu.memory_space<hbm>> -> memref<20000xf32, #tpu.memory_space<hbm>>
    tpu.enqueue_dma source(%dma_start3A_84 : memref<20000xf32, #tpu.memory_space<hbm>>) target(%arg5 : memref<20000xf32, #tpu.memory_space<vmem>>) target_semaphore(%arg13 : memref<!tpu.dma_semaphore, #tpu.memory_space<semaphore_mem>>)
    %dma_start3A_85 = tpu.memref_slice %arg3[%add3A_82] : memref<6400000xi32, #tpu.memory_space<hbm>> -> memref<20000xi32, #tpu.memory_space<hbm>>
    %dma_start3A_86 = tpu.memref_slice %arg3[%add3A_82] : memref<6400000xi32, #tpu.memory_space<hbm>> -> memref<20000xi32, #tpu.memory_space<hbm>>
    tpu.enqueue_dma source(%dma_start3A_86 : memref<20000xi32, #tpu.memory_space<hbm>>) target(%arg7 : memref<20000xi32, #tpu.memory_space<vmem>>) target_semaphore(%arg15 : memref<!tpu.dma_semaphore, #tpu.memory_space<semaphore_mem>>)
    %parallel_loop3A_87 = arith.constant 0 : i32
    %parallel_loop3A_88 = arith.constant 1250 : i32
    %parallel_loop3A_89 = arith.constant 1 : i32
    scf.for %parallel_loop3A_821 = %parallel_loop3A_87 to %parallel_loop3A_88 step %parallel_loop3A_89  : i32 {
      %parallel_loop3A_822 = arith.constant 16 : i32
      %parallel_loop3A_823 = arith.muli %parallel_loop3A_821, %parallel_loop3A_822 : i32
      %parallel_loop3A_824 = arith.index_cast %parallel_loop3A_823 : i32 to index
      %parallel_loop3A_825 = tpu.vector_load %arg8[%parallel_loop3A_824] {strides = array<i32>} : memref<20000xi32, #tpu.memory_space<vmem>>, vector<16xi32>,
      %parallel_loop3A_826 = arith.index_cast %parallel_loop3A_823 : i32 to index
      %parallel_loop3A_827 = tpu.vector_load %arg6[%parallel_loop3A_826] {strides = array<i32>} : memref<20000xf32, #tpu.memory_space<vmem>>, vector<16xf32>,
      %parallel_loop3A_828 = arith.constant 16 : i32
      %parallel_loop3A_829 = vector.broadcast %parallel_loop3A_828 : i32 to vector<16xi32>
      %parallel_loop3A_830 = arith.muli %parallel_loop3A_825, %parallel_loop3A_829 : vector<16xi32>
      %parallel_loop3A_831 = arith.addi %parallel_loop3A_830, %iota3A : vector<16xi32>
      %parallel_loop3A_832 = arith.addf %parallel_loop3A_827, %broadcast_in_dim3A_1 : vector<16xf32>
      tpu.vector_store_idx %arg9[%parallel_loop3A_831], %parallel_loop3A_832 {add = true} : memref<16384xf32, #tpu.memory_space<vmem>>[vector<16xi32>], vector<16xf32>,
    } {sc.loop_unroll_factor = 16 : i64, sc.parallel_access}
    %dma_wait3A_90 = tpu.memref_slice %arg2[%add3A_82] : memref<6400000xf32, #tpu.memory_space<hbm>> -> memref<20000xf32, #tpu.memory_space<hbm>>
    %dma_wait3A_91 = tpu.memref_slice %arg2[%add3A_82] : memref<6400000xf32, #tpu.memory_space<hbm>> -> memref<20000xf32, #tpu.memory_space<hbm>>
    tpu.wait_dma2 semaphore(%arg13 : memref<!tpu.dma_semaphore, #tpu.memory_space<semaphore_mem>>) src(%dma_wait3A_91 : memref<20000xf32, #tpu.memory_space<hbm>>) dst(%arg5 : memref<20000xf32, #tpu.memory_space<vmem>>)
    %dma_wait3A_92 = tpu.memref_slice %arg3[%add3A_82] : memref<6400000xi32, #tpu.memory_space<hbm>> -> memref<20000xi32, #tpu.memory_space<hbm>>
    %dma_wait3A_93 = tpu.memref_slice %arg3[%add3A_82] : memref<6400000xi32, #tpu.memory_space<hbm>> -> memref<20000xi32, #tpu.memory_space<hbm>>
    tpu.wait_dma2 semaphore(%arg15 : memref<!tpu.dma_semaphore, #tpu.memory_space<semaphore_mem>>) src(%dma_wait3A_93 : memref<20000xi32, #tpu.memory_space<hbm>>) dst(%arg7 : memref<20000xi32, #tpu.memory_space<vmem>>)
    %add3A_94 = arith.constant 140000 : i32
    %add3A_95 = arith.addi %mul3A_5, %add3A_94 : i32
    %dma_start3A_96 = tpu.memref_slice %arg2[%add3A_95] : memref<6400000xf32, #tpu.memory_space<hbm>> -> memref<20000xf32, #tpu.memory_space<hbm>>
    %dma_start3A_97 = tpu.memref_slice %arg2[%add3A_95] : memref<6400000xf32, #tpu.memory_space<hbm>> -> memref<20000xf32, #tpu.memory_space<hbm>>
    tpu.enqueue_dma source(%dma_start3A_97 : memref<20000xf32, #tpu.memory_space<hbm>>) target(%arg6 : memref<20000xf32, #tpu.memory_space<vmem>>) target_semaphore(%arg14 : memref<!tpu.dma_semaphore, #tpu.memory_space<semaphore_mem>>)
    %dma_start3A_98 = tpu.memref_slice %arg3[%add3A_95] : memref<6400000xi32, #tpu.memory_space<hbm>> -> memref<20000xi32, #tpu.memory_space<hbm>>
    %dma_start3A_99 = tpu.memref_slice %arg3[%add3A_95] : memref<6400000xi32, #tpu.memory_space<hbm>> -> memref<20000xi32, #tpu.memory_space<hbm>>
    tpu.enqueue_dma source(%dma_start3A_99 : memref<20000xi32, #tpu.memory_space<hbm>>) target(%arg8 : memref<20000xi32, #tpu.memory_space<vmem>>) target_semaphore(%arg16 : memref<!tpu.dma_semaphore, #tpu.memory_space<semaphore_mem>>)
    %parallel_loop3A_100 = arith.constant 0 : i32
    %parallel_loop3A_101 = arith.constant 1250 : i32
    %parallel_loop3A_102 = arith.constant 1 : i32
    scf.for %parallel_loop3A_821 = %parallel_loop3A_100 to %parallel_loop3A_101 step %parallel_loop3A_102  : i32 {
      %parallel_loop3A_822 = arith.constant 16 : i32
      %parallel_loop3A_823 = arith.muli %parallel_loop3A_821, %parallel_loop3A_822 : i32
      %parallel_loop3A_824 = arith.index_cast %parallel_loop3A_823 : i32 to index
      %parallel_loop3A_825 = tpu.vector_load %arg7[%parallel_loop3A_824] {strides = array<i32>} : memref<20000xi32, #tpu.memory_space<vmem>>, vector<16xi32>,
      %parallel_loop3A_826 = arith.index_cast %parallel_loop3A_823 : i32 to index
      %parallel_loop3A_827 = tpu.vector_load %arg5[%parallel_loop3A_826] {strides = array<i32>} : memref<20000xf32, #tpu.memory_space<vmem>>, vector<16xf32>,
      %parallel_loop3A_828 = arith.constant 16 : i32
      %parallel_loop3A_829 = vector.broadcast %parallel_loop3A_828 : i32 to vector<16xi32>
      %parallel_loop3A_830 = arith.muli %parallel_loop3A_825, %parallel_loop3A_829 : vector<16xi32>
      %parallel_loop3A_831 = arith.addi %parallel_loop3A_830, %iota3A : vector<16xi32>
      %parallel_loop3A_832 = arith.addf %parallel_loop3A_827, %broadcast_in_dim3A_1 : vector<16xf32>
      tpu.vector_store_idx %arg9[%parallel_loop3A_831], %parallel_loop3A_832 {add = true} : memref<16384xf32, #tpu.memory_space<vmem>>[vector<16xi32>], vector<16xf32>,
    } {sc.loop_unroll_factor = 16 : i64, sc.parallel_access}
    %dma_wait3A_103 = tpu.memref_slice %arg2[%add3A_95] : memref<6400000xf32, #tpu.memory_space<hbm>> -> memref<20000xf32, #tpu.memory_space<hbm>>
    %dma_wait3A_104 = tpu.memref_slice %arg2[%add3A_95] : memref<6400000xf32, #tpu.memory_space<hbm>> -> memref<20000xf32, #tpu.memory_space<hbm>>
    tpu.wait_dma2 semaphore(%arg14 : memref<!tpu.dma_semaphore, #tpu.memory_space<semaphore_mem>>) src(%dma_wait3A_104 : memref<20000xf32, #tpu.memory_space<hbm>>) dst(%arg6 : memref<20000xf32, #tpu.memory_space<vmem>>)
    %dma_wait3A_105 = tpu.memref_slice %arg3[%add3A_95] : memref<6400000xi32, #tpu.memory_space<hbm>> -> memref<20000xi32, #tpu.memory_space<hbm>>
    %dma_wait3A_106 = tpu.memref_slice %arg3[%add3A_95] : memref<6400000xi32, #tpu.memory_space<hbm>> -> memref<20000xi32, #tpu.memory_space<hbm>>
    tpu.wait_dma2 semaphore(%arg16 : memref<!tpu.dma_semaphore, #tpu.memory_space<semaphore_mem>>) src(%dma_wait3A_106 : memref<20000xi32, #tpu.memory_space<hbm>>) dst(%arg8 : memref<20000xi32, #tpu.memory_space<vmem>>)
    %add3A_107 = arith.constant 160000 : i32
    %add3A_108 = arith.addi %mul3A_5, %add3A_107 : i32
    %dma_start3A_109 = tpu.memref_slice %arg2[%add3A_108] : memref<6400000xf32, #tpu.memory_space<hbm>> -> memref<20000xf32, #tpu.memory_space<hbm>>
    %dma_start3A_110 = tpu.memref_slice %arg2[%add3A_108] : memref<6400000xf32, #tpu.memory_space<hbm>> -> memref<20000xf32, #tpu.memory_space<hbm>>
    tpu.enqueue_dma source(%dma_start3A_110 : memref<20000xf32, #tpu.memory_space<hbm>>) target(%arg5 : memref<20000xf32, #tpu.memory_space<vmem>>) target_semaphore(%arg13 : memref<!tpu.dma_semaphore, #tpu.memory_space<semaphore_mem>>)
    %dma_start3A_111 = tpu.memref_slice %arg3[%add3A_108] : memref<6400000xi32, #tpu.memory_space<hbm>> -> memref<20000xi32, #tpu.memory_space<hbm>>
    %dma_start3A_112 = tpu.memref_slice %arg3[%add3A_108] : memref<6400000xi32, #tpu.memory_space<hbm>> -> memref<20000xi32, #tpu.memory_space<hbm>>
    tpu.enqueue_dma source(%dma_start3A_112 : memref<20000xi32, #tpu.memory_space<hbm>>) target(%arg7 : memref<20000xi32, #tpu.memory_space<vmem>>) target_semaphore(%arg15 : memref<!tpu.dma_semaphore, #tpu.memory_space<semaphore_mem>>)
    %parallel_loop3A_113 = arith.constant 0 : i32
    %parallel_loop3A_114 = arith.constant 1250 : i32
    %parallel_loop3A_115 = arith.constant 1 : i32
    scf.for %parallel_loop3A_821 = %parallel_loop3A_113 to %parallel_loop3A_114 step %parallel_loop3A_115  : i32 {
      %parallel_loop3A_822 = arith.constant 16 : i32
      %parallel_loop3A_823 = arith.muli %parallel_loop3A_821, %parallel_loop3A_822 : i32
      %parallel_loop3A_824 = arith.index_cast %parallel_loop3A_823 : i32 to index
      %parallel_loop3A_825 = tpu.vector_load %arg8[%parallel_loop3A_824] {strides = array<i32>} : memref<20000xi32, #tpu.memory_space<vmem>>, vector<16xi32>,
      %parallel_loop3A_826 = arith.index_cast %parallel_loop3A_823 : i32 to index
      %parallel_loop3A_827 = tpu.vector_load %arg6[%parallel_loop3A_826] {strides = array<i32>} : memref<20000xf32, #tpu.memory_space<vmem>>, vector<16xf32>,
      %parallel_loop3A_828 = arith.constant 16 : i32
      %parallel_loop3A_829 = vector.broadcast %parallel_loop3A_828 : i32 to vector<16xi32>
      %parallel_loop3A_830 = arith.muli %parallel_loop3A_825, %parallel_loop3A_829 : vector<16xi32>
      %parallel_loop3A_831 = arith.addi %parallel_loop3A_830, %iota3A : vector<16xi32>
      %parallel_loop3A_832 = arith.addf %parallel_loop3A_827, %broadcast_in_dim3A_1 : vector<16xf32>
      tpu.vector_store_idx %arg9[%parallel_loop3A_831], %parallel_loop3A_832 {add = true} : memref<16384xf32, #tpu.memory_space<vmem>>[vector<16xi32>], vector<16xf32>,
    } {sc.loop_unroll_factor = 16 : i64, sc.parallel_access}
    %dma_wait3A_116 = tpu.memref_slice %arg2[%add3A_108] : memref<6400000xf32, #tpu.memory_space<hbm>> -> memref<20000xf32, #tpu.memory_space<hbm>>
    %dma_wait3A_117 = tpu.memref_slice %arg2[%add3A_108] : memref<6400000xf32, #tpu.memory_space<hbm>> -> memref<20000xf32, #tpu.memory_space<hbm>>
    tpu.wait_dma2 semaphore(%arg13 : memref<!tpu.dma_semaphore, #tpu.memory_space<semaphore_mem>>) src(%dma_wait3A_117 : memref<20000xf32, #tpu.memory_space<hbm>>) dst(%arg5 : memref<20000xf32, #tpu.memory_space<vmem>>)
    %dma_wait3A_118 = tpu.memref_slice %arg3[%add3A_108] : memref<6400000xi32, #tpu.memory_space<hbm>> -> memref<20000xi32, #tpu.memory_space<hbm>>
    %dma_wait3A_119 = tpu.memref_slice %arg3[%add3A_108] : memref<6400000xi32, #tpu.memory_space<hbm>> -> memref<20000xi32, #tpu.memory_space<hbm>>
    tpu.wait_dma2 semaphore(%arg15 : memref<!tpu.dma_semaphore, #tpu.memory_space<semaphore_mem>>) src(%dma_wait3A_119 : memref<20000xi32, #tpu.memory_space<hbm>>) dst(%arg7 : memref<20000xi32, #tpu.memory_space<vmem>>)
    %add3A_120 = arith.constant 180000 : i32
    %add3A_121 = arith.addi %mul3A_5, %add3A_120 : i32
    %dma_start3A_122 = tpu.memref_slice %arg2[%add3A_121] : memref<6400000xf32, #tpu.memory_space<hbm>> -> memref<20000xf32, #tpu.memory_space<hbm>>
    %dma_start3A_123 = tpu.memref_slice %arg2[%add3A_121] : memref<6400000xf32, #tpu.memory_space<hbm>> -> memref<20000xf32, #tpu.memory_space<hbm>>
    tpu.enqueue_dma source(%dma_start3A_123 : memref<20000xf32, #tpu.memory_space<hbm>>) target(%arg6 : memref<20000xf32, #tpu.memory_space<vmem>>) target_semaphore(%arg14 : memref<!tpu.dma_semaphore, #tpu.memory_space<semaphore_mem>>)
    %dma_start3A_124 = tpu.memref_slice %arg3[%add3A_121] : memref<6400000xi32, #tpu.memory_space<hbm>> -> memref<20000xi32, #tpu.memory_space<hbm>>
    %dma_start3A_125 = tpu.memref_slice %arg3[%add3A_121] : memref<6400000xi32, #tpu.memory_space<hbm>> -> memref<20000xi32, #tpu.memory_space<hbm>>
    tpu.enqueue_dma source(%dma_start3A_125 : memref<20000xi32, #tpu.memory_space<hbm>>) target(%arg8 : memref<20000xi32, #tpu.memory_space<vmem>>) target_semaphore(%arg16 : memref<!tpu.dma_semaphore, #tpu.memory_space<semaphore_mem>>)
    %parallel_loop3A_126 = arith.constant 0 : i32
    %parallel_loop3A_127 = arith.constant 1250 : i32
    %parallel_loop3A_128 = arith.constant 1 : i32
    scf.for %parallel_loop3A_821 = %parallel_loop3A_126 to %parallel_loop3A_127 step %parallel_loop3A_128  : i32 {
      %parallel_loop3A_822 = arith.constant 16 : i32
      %parallel_loop3A_823 = arith.muli %parallel_loop3A_821, %parallel_loop3A_822 : i32
      %parallel_loop3A_824 = arith.index_cast %parallel_loop3A_823 : i32 to index
      %parallel_loop3A_825 = tpu.vector_load %arg7[%parallel_loop3A_824] {strides = array<i32>} : memref<20000xi32, #tpu.memory_space<vmem>>, vector<16xi32>,
      %parallel_loop3A_826 = arith.index_cast %parallel_loop3A_823 : i32 to index
      %parallel_loop3A_827 = tpu.vector_load %arg5[%parallel_loop3A_826] {strides = array<i32>} : memref<20000xf32, #tpu.memory_space<vmem>>, vector<16xf32>,
      %parallel_loop3A_828 = arith.constant 16 : i32
      %parallel_loop3A_829 = vector.broadcast %parallel_loop3A_828 : i32 to vector<16xi32>
      %parallel_loop3A_830 = arith.muli %parallel_loop3A_825, %parallel_loop3A_829 : vector<16xi32>
      %parallel_loop3A_831 = arith.addi %parallel_loop3A_830, %iota3A : vector<16xi32>
      %parallel_loop3A_832 = arith.addf %parallel_loop3A_827, %broadcast_in_dim3A_1 : vector<16xf32>
      tpu.vector_store_idx %arg9[%parallel_loop3A_831], %parallel_loop3A_832 {add = true} : memref<16384xf32, #tpu.memory_space<vmem>>[vector<16xi32>], vector<16xf32>,
    } {sc.loop_unroll_factor = 16 : i64, sc.parallel_access}
    %dma_wait3A_129 = tpu.memref_slice %arg2[%add3A_121] : memref<6400000xf32, #tpu.memory_space<hbm>> -> memref<20000xf32, #tpu.memory_space<hbm>>
    %dma_wait3A_130 = tpu.memref_slice %arg2[%add3A_121] : memref<6400000xf32, #tpu.memory_space<hbm>> -> memref<20000xf32, #tpu.memory_space<hbm>>
    tpu.wait_dma2 semaphore(%arg14 : memref<!tpu.dma_semaphore, #tpu.memory_space<semaphore_mem>>) src(%dma_wait3A_130 : memref<20000xf32, #tpu.memory_space<hbm>>) dst(%arg6 : memref<20000xf32, #tpu.memory_space<vmem>>)
    %dma_wait3A_131 = tpu.memref_slice %arg3[%add3A_121] : memref<6400000xi32, #tpu.memory_space<hbm>> -> memref<20000xi32, #tpu.memory_space<hbm>>
    %dma_wait3A_132 = tpu.memref_slice %arg3[%add3A_121] : memref<6400000xi32, #tpu.memory_space<hbm>> -> memref<20000xi32, #tpu.memory_space<hbm>>
    tpu.wait_dma2 semaphore(%arg16 : memref<!tpu.dma_semaphore, #tpu.memory_space<semaphore_mem>>) src(%dma_wait3A_132 : memref<20000xi32, #tpu.memory_space<hbm>>) dst(%arg8 : memref<20000xi32, #tpu.memory_space<vmem>>)
    %parallel_loop3A_133 = arith.constant 0 : i32
    %parallel_loop3A_134 = arith.constant 1250 : i32
    %parallel_loop3A_135 = arith.constant 1 : i32
    scf.for %parallel_loop3A_821 = %parallel_loop3A_133 to %parallel_loop3A_134 step %parallel_loop3A_135  : i32 {
      %parallel_loop3A_822 = arith.constant 16 : i32
      %parallel_loop3A_823 = arith.muli %parallel_loop3A_821, %parallel_loop3A_822 : i32
      %parallel_loop3A_824 = arith.index_cast %parallel_loop3A_823 : i32 to index
      %parallel_loop3A_825 = tpu.vector_load %arg8[%parallel_loop3A_824] {strides = array<i32>} : memref<20000xi32, #tpu.memory_space<vmem>>, vector<16xi32>,
      %parallel_loop3A_826 = arith.index_cast %parallel_loop3A_823 : i32 to index
      %parallel_loop3A_827 = tpu.vector_load %arg6[%parallel_loop3A_826] {strides = array<i32>} : memref<20000xf32, #tpu.memory_space<vmem>>, vector<16xf32>,
      %parallel_loop3A_828 = arith.constant 16 : i32
      %parallel_loop3A_829 = vector.broadcast %parallel_loop3A_828 : i32 to vector<16xi32>
      %parallel_loop3A_830 = arith.muli %parallel_loop3A_825, %parallel_loop3A_829 : vector<16xi32>
      %parallel_loop3A_831 = arith.addi %parallel_loop3A_830, %iota3A : vector<16xi32>
      %parallel_loop3A_832 = arith.addf %parallel_loop3A_827, %broadcast_in_dim3A_1 : vector<16xf32>
      tpu.vector_store_idx %arg9[%parallel_loop3A_831], %parallel_loop3A_832 {add = true} : memref<16384xf32, #tpu.memory_space<vmem>>[vector<16xi32>], vector<16xf32>,
    } {sc.loop_unroll_factor = 16 : i64, sc.parallel_access}
    %eq3A = arith.constant 15 : i32
    %eq3A_136 = vector.broadcast %eq3A : i32 to vector<16xi32>
    %eq3A_137 = arith.cmpi eq, %iota3A, %eq3A_136 : vector<16xi32>
    %parallel_loop3A_138 = arith.constant 0 : i32
    %parallel_loop3A_139 = arith.constant 1024 : i32
    %parallel_loop3A_140 = arith.constant 1 : i32
    scf.for %parallel_loop3A_821 = %parallel_loop3A_138 to %parallel_loop3A_139 step %parallel_loop3A_140  : i32 {
      %parallel_loop3A_822 = arith.constant 16 : i32
      %parallel_loop3A_823 = arith.muli %parallel_loop3A_821, %parallel_loop3A_822 : i32
      %parallel_loop3A_824 = arith.index_cast %parallel_loop3A_823 : i32 to index
      %parallel_loop3A_825 = tpu.vector_load %arg9[%parallel_loop3A_824] {strides = array<i32>} : memref<16384xf32, #tpu.memory_space<vmem>>, vector<16xf32>,
      %parallel_loop3A_826 = arith.constant true
      %parallel_loop3A_827 = vector.broadcast %parallel_loop3A_826 : i1 to vector<16xi1>
      %parallel_loop3A_828 = tpu.scan <sum>, %parallel_loop3A_825 masked %parallel_loop3A_827 : vector<16xf32>, vector<16xi1> -> vector<16xf32>
      %parallel_loop3A_829 = arith.constant 2.44140625E-4 : f32
      %parallel_loop3A_830 = vector.broadcast %parallel_loop3A_829 : f32 to vector<16xf32>
      %parallel_loop3A_831 = arith.mulf %parallel_loop3A_828, %parallel_loop3A_830 : vector<16xf32>
      %parallel_loop3A_832 = arith.constant 5.000000e-01 : f32
      %parallel_loop3A_833 = vector.broadcast %parallel_loop3A_832 : f32 to vector<16xf32>
      %parallel_loop3A_834 = arith.addf %parallel_loop3A_831, %parallel_loop3A_833 : vector<16xf32>
      %parallel_loop3A_835 = arith.fptosi %parallel_loop3A_834 : vector<16xf32> to vector<16xi32>
      %parallel_loop3A_836 = arith.sitofp %parallel_loop3A_835 : vector<16xi32> to vector<16xf32>
      %parallel_loop3A_837 = arith.constant 4.096000e+03 : f32
      %parallel_loop3A_838 = vector.broadcast %parallel_loop3A_837 : f32 to vector<16xf32>
      %parallel_loop3A_839 = arith.mulf %parallel_loop3A_836, %parallel_loop3A_838 : vector<16xf32>
      %parallel_loop3A_840 = arith.subf %parallel_loop3A_828, %parallel_loop3A_839 : vector<16xf32>
      %parallel_loop3A_841 = vector.broadcast %parallel_loop3A_821 : i32 to vector<16xi32>
      tpu.vector_store_idx %arg10[%parallel_loop3A_841], %parallel_loop3A_840 masked %eq3A_137 : memref<2048xf32, #tpu.memory_space<vmem>>[vector<16xi32>], vector<16xf32>, vector<16xi1>
      %parallel_loop3A_842 = arith.constant 1024 : i32
      %parallel_loop3A_843 = vector.broadcast %parallel_loop3A_842 : i32 to vector<16xi32>
      %parallel_loop3A_844 = arith.addi %parallel_loop3A_841, %parallel_loop3A_843 : vector<16xi32>
      tpu.vector_store_idx %arg10[%parallel_loop3A_844], %parallel_loop3A_836 masked %eq3A_137 : memref<2048xf32, #tpu.memory_space<vmem>>[vector<16xi32>], vector<16xf32>, vector<16xi1>
    } {sc.loop_unroll_factor = 8 : i64, sc.parallel_access}
    "tpu.region"() ({
      %run_scoped3A = tpu.sem_alloc : memref<!tpu.dma_semaphore, #tpu.memory_space<semaphore_mem>>
      %dma_start3A_821 = arith.constant 0 : i32
      %dma_start3A_822 = tpu.memref_slice %arg12[%arg1, %dma_start3A_821] : memref<16x2048xf32, #tpu.memory_space<vmem_shared>> -> memref<1x2048xf32, #tpu.memory_space<vmem_shared>>
      %dma_start3A_823 = tpu.memref_squeeze %dma_start3A_822 : memref<1x2048xf32, #tpu.memory_space<vmem_shared>> -> memref<2048xf32, #tpu.memory_space<vmem_shared>>
      %dma_start3A_824 = arith.constant 0 : i32
      %dma_start3A_825 = tpu.memref_slice %arg12[%arg1, %dma_start3A_824] : memref<16x2048xf32, #tpu.memory_space<vmem_shared>> -> memref<1x2048xf32, #tpu.memory_space<vmem_shared>>
      %dma_start3A_826 = tpu.memref_squeeze %dma_start3A_825 : memref<1x2048xf32, #tpu.memory_space<vmem_shared>> -> memref<2048xf32, #tpu.memory_space<vmem_shared>>
      tpu.enqueue_dma source(%arg10 : memref<2048xf32, #tpu.memory_space<vmem>>) target(%dma_start3A_826 : memref<2048xf32, #tpu.memory_space<vmem_shared>>) target_semaphore(%run_scoped3A : memref<!tpu.dma_semaphore, #tpu.memory_space<semaphore_mem>>)
      %dma_wait3A_827 = arith.constant 0 : i32
      %dma_wait3A_828 = tpu.memref_slice %arg12[%arg1, %dma_wait3A_827] : memref<16x2048xf32, #tpu.memory_space<vmem_shared>> -> memref<1x2048xf32, #tpu.memory_space<vmem_shared>>
      %dma_wait3A_829 = tpu.memref_squeeze %dma_wait3A_828 : memref<1x2048xf32, #tpu.memory_space<vmem_shared>> -> memref<2048xf32, #tpu.memory_space<vmem_shared>>
      %dma_wait3A_830 = arith.constant 0 : i32
      %dma_wait3A_831 = tpu.memref_slice %arg12[%arg1, %dma_wait3A_830] : memref<16x2048xf32, #tpu.memory_space<vmem_shared>> -> memref<1x2048xf32, #tpu.memory_space<vmem_shared>>
      %dma_wait3A_832 = tpu.memref_squeeze %dma_wait3A_831 : memref<1x2048xf32, #tpu.memory_space<vmem_shared>> -> memref<2048xf32, #tpu.memory_space<vmem_shared>>
      tpu.wait_dma2 semaphore(%run_scoped3A : memref<!tpu.dma_semaphore, #tpu.memory_space<semaphore_mem>>) src(%arg10 : memref<2048xf32, #tpu.memory_space<vmem>>) dst(%dma_wait3A_832 : memref<2048xf32, #tpu.memory_space<vmem_shared>>)
      tpu.yield
    }) : () -> ()
    %barrier3A = arith.constant 0 : index
    tpu.barrier barrier_id(%barrier3A)
    %mul3A_141 = arith.constant 128 : i32
    %mul3A_142 = arith.muli %arg1, %mul3A_141 : i32
    %dma_start3A_143 = arith.constant 0 : i32
    %dma_start3A_144 = arith.constant 0 : i32
    %dma_start3A_145 = tpu.memref_slice %arg11[%dma_start3A_144] : memref<2048xf32, #tpu.memory_space<vmem>> -> memref<128xf32, #tpu.memory_space<vmem>>
    %dma_start3A_146 = tpu.memref_slice %arg12[%dma_start3A_143, %mul3A_142] : memref<16x2048xf32, #tpu.memory_space<vmem_shared>> -> memref<1x128xf32, #tpu.memory_space<vmem_shared>>
    %dma_start3A_147 = tpu.memref_squeeze %dma_start3A_146 : memref<1x128xf32, #tpu.memory_space<vmem_shared>> -> memref<128xf32, #tpu.memory_space<vmem_shared>>
    %dma_start3A_148 = arith.constant 0 : i32
    %dma_start3A_149 = tpu.memref_slice %arg11[%dma_start3A_148] : memref<2048xf32, #tpu.memory_space<vmem>> -> memref<128xf32, #tpu.memory_space<vmem>>
    %dma_start3A_150 = tpu.memref_slice %arg12[%dma_start3A_143, %mul3A_142] : memref<16x2048xf32, #tpu.memory_space<vmem_shared>> -> memref<1x128xf32, #tpu.memory_space<vmem_shared>>
    %dma_start3A_151 = tpu.memref_squeeze %dma_start3A_150 : memref<1x128xf32, #tpu.memory_space<vmem_shared>> -> memref<128xf32, #tpu.memory_space<vmem_shared>>
    tpu.enqueue_dma source(%dma_start3A_151 : memref<128xf32, #tpu.memory_space<vmem_shared>>) target(%dma_start3A_149 : memref<128xf32, #tpu.memory_space<vmem>>) target_semaphore(%arg13 : memref<!tpu.dma_semaphore, #tpu.memory_space<semaphore_mem>>)
    %dma_start3A_152 = arith.constant 1 : i32
    %dma_start3A_153 = arith.constant 128 : i32
    %dma_start3A_154 = tpu.memref_slice %arg11[%dma_start3A_153] : memref<2048xf32, #tpu.memory_space<vmem>> -> memref<128xf32, #tpu.memory_space<vmem>>
    %dma_start3A_155 = tpu.memref_slice %arg12[%dma_start3A_152, %mul3A_142] : memref<16x2048xf32, #tpu.memory_space<vmem_shared>> -> memref<1x128xf32, #tpu.memory_space<vmem_shared>>
    %dma_start3A_156 = tpu.memref_squeeze %dma_start3A_155 : memref<1x128xf32, #tpu.memory_space<vmem_shared>> -> memref<128xf32, #tpu.memory_space<vmem_shared>>
    %dma_start3A_157 = arith.constant 128 : i32
    %dma_start3A_158 = tpu.memref_slice %arg11[%dma_start3A_157] : memref<2048xf32, #tpu.memory_space<vmem>> -> memref<128xf32, #tpu.memory_space<vmem>>
    %dma_start3A_159 = tpu.memref_slice %arg12[%dma_start3A_152, %mul3A_142] : memref<16x2048xf32, #tpu.memory_space<vmem_shared>> -> memref<1x128xf32, #tpu.memory_space<vmem_shared>>
    %dma_start3A_160 = tpu.memref_squeeze %dma_start3A_159 : memref<1x128xf32, #tpu.memory_space<vmem_shared>> -> memref<128xf32, #tpu.memory_space<vmem_shared>>
    tpu.enqueue_dma source(%dma_start3A_160 : memref<128xf32, #tpu.memory_space<vmem_shared>>) target(%dma_start3A_158 : memref<128xf32, #tpu.memory_space<vmem>>) target_semaphore(%arg13 : memref<!tpu.dma_semaphore, #tpu.memory_space<semaphore_mem>>)
    %dma_start3A_161 = arith.constant 2 : i32
    %dma_start3A_162 = arith.constant 256 : i32
    %dma_start3A_163 = tpu.memref_slice %arg11[%dma_start3A_162] : memref<2048xf32, #tpu.memory_space<vmem>> -> memref<128xf32, #tpu.memory_space<vmem>>
    %dma_start3A_164 = tpu.memref_slice %arg12[%dma_start3A_161, %mul3A_142] : memref<16x2048xf32, #tpu.memory_space<vmem_shared>> -> memref<1x128xf32, #tpu.memory_space<vmem_shared>>
    %dma_start3A_165 = tpu.memref_squeeze %dma_start3A_164 : memref<1x128xf32, #tpu.memory_space<vmem_shared>> -> memref<128xf32, #tpu.memory_space<vmem_shared>>
    %dma_start3A_166 = arith.constant 256 : i32
    %dma_start3A_167 = tpu.memref_slice %arg11[%dma_start3A_166] : memref<2048xf32, #tpu.memory_space<vmem>> -> memref<128xf32, #tpu.memory_space<vmem>>
    %dma_start3A_168 = tpu.memref_slice %arg12[%dma_start3A_161, %mul3A_142] : memref<16x2048xf32, #tpu.memory_space<vmem_shared>> -> memref<1x128xf32, #tpu.memory_space<vmem_shared>>
    %dma_start3A_169 = tpu.memref_squeeze %dma_start3A_168 : memref<1x128xf32, #tpu.memory_space<vmem_shared>> -> memref<128xf32, #tpu.memory_space<vmem_shared>>
    tpu.enqueue_dma source(%dma_start3A_169 : memref<128xf32, #tpu.memory_space<vmem_shared>>) target(%dma_start3A_167 : memref<128xf32, #tpu.memory_space<vmem>>) target_semaphore(%arg13 : memref<!tpu.dma_semaphore, #tpu.memory_space<semaphore_mem>>)
    %dma_start3A_170 = arith.constant 3 : i32
    %dma_start3A_171 = arith.constant 384 : i32
    %dma_start3A_172 = tpu.memref_slice %arg11[%dma_start3A_171] : memref<2048xf32, #tpu.memory_space<vmem>> -> memref<128xf32, #tpu.memory_space<vmem>>
    %dma_start3A_173 = tpu.memref_slice %arg12[%dma_start3A_170, %mul3A_142] : memref<16x2048xf32, #tpu.memory_space<vmem_shared>> -> memref<1x128xf32, #tpu.memory_space<vmem_shared>>
    %dma_start3A_174 = tpu.memref_squeeze %dma_start3A_173 : memref<1x128xf32, #tpu.memory_space<vmem_shared>> -> memref<128xf32, #tpu.memory_space<vmem_shared>>
    %dma_start3A_175 = arith.constant 384 : i32
    %dma_start3A_176 = tpu.memref_slice %arg11[%dma_start3A_175] : memref<2048xf32, #tpu.memory_space<vmem>> -> memref<128xf32, #tpu.memory_space<vmem>>
    %dma_start3A_177 = tpu.memref_slice %arg12[%dma_start3A_170, %mul3A_142] : memref<16x2048xf32, #tpu.memory_space<vmem_shared>> -> memref<1x128xf32, #tpu.memory_space<vmem_shared>>
    %dma_start3A_178 = tpu.memref_squeeze %dma_start3A_177 : memref<1x128xf32, #tpu.memory_space<vmem_shared>> -> memref<128xf32, #tpu.memory_space<vmem_shared>>
    tpu.enqueue_dma source(%dma_start3A_178 : memref<128xf32, #tpu.memory_space<vmem_shared>>) target(%dma_start3A_176 : memref<128xf32, #tpu.memory_space<vmem>>) target_semaphore(%arg13 : memref<!tpu.dma_semaphore, #tpu.memory_space<semaphore_mem>>)
    %dma_start3A_179 = arith.constant 4 : i32
    %dma_start3A_180 = arith.constant 512 : i32
    %dma_start3A_181 = tpu.memref_slice %arg11[%dma_start3A_180] : memref<2048xf32, #tpu.memory_space<vmem>> -> memref<128xf32, #tpu.memory_space<vmem>>
    %dma_start3A_182 = tpu.memref_slice %arg12[%dma_start3A_179, %mul3A_142] : memref<16x2048xf32, #tpu.memory_space<vmem_shared>> -> memref<1x128xf32, #tpu.memory_space<vmem_shared>>
    %dma_start3A_183 = tpu.memref_squeeze %dma_start3A_182 : memref<1x128xf32, #tpu.memory_space<vmem_shared>> -> memref<128xf32, #tpu.memory_space<vmem_shared>>
    %dma_start3A_184 = arith.constant 512 : i32
    %dma_start3A_185 = tpu.memref_slice %arg11[%dma_start3A_184] : memref<2048xf32, #tpu.memory_space<vmem>> -> memref<128xf32, #tpu.memory_space<vmem>>
    %dma_start3A_186 = tpu.memref_slice %arg12[%dma_start3A_179, %mul3A_142] : memref<16x2048xf32, #tpu.memory_space<vmem_shared>> -> memref<1x128xf32, #tpu.memory_space<vmem_shared>>
    %dma_start3A_187 = tpu.memref_squeeze %dma_start3A_186 : memref<1x128xf32, #tpu.memory_space<vmem_shared>> -> memref<128xf32, #tpu.memory_space<vmem_shared>>
    tpu.enqueue_dma source(%dma_start3A_187 : memref<128xf32, #tpu.memory_space<vmem_shared>>) target(%dma_start3A_185 : memref<128xf32, #tpu.memory_space<vmem>>) target_semaphore(%arg13 : memref<!tpu.dma_semaphore, #tpu.memory_space<semaphore_mem>>)
    %dma_start3A_188 = arith.constant 5 : i32
    %dma_start3A_189 = arith.constant 640 : i32
    %dma_start3A_190 = tpu.memref_slice %arg11[%dma_start3A_189] : memref<2048xf32, #tpu.memory_space<vmem>> -> memref<128xf32, #tpu.memory_space<vmem>>
    %dma_start3A_191 = tpu.memref_slice %arg12[%dma_start3A_188, %mul3A_142] : memref<16x2048xf32, #tpu.memory_space<vmem_shared>> -> memref<1x128xf32, #tpu.memory_space<vmem_shared>>
    %dma_start3A_192 = tpu.memref_squeeze %dma_start3A_191 : memref<1x128xf32, #tpu.memory_space<vmem_shared>> -> memref<128xf32, #tpu.memory_space<vmem_shared>>
    %dma_start3A_193 = arith.constant 640 : i32
    %dma_start3A_194 = tpu.memref_slice %arg11[%dma_start3A_193] : memref<2048xf32, #tpu.memory_space<vmem>> -> memref<128xf32, #tpu.memory_space<vmem>>
    %dma_start3A_195 = tpu.memref_slice %arg12[%dma_start3A_188, %mul3A_142] : memref<16x2048xf32, #tpu.memory_space<vmem_shared>> -> memref<1x128xf32, #tpu.memory_space<vmem_shared>>
    %dma_start3A_196 = tpu.memref_squeeze %dma_start3A_195 : memref<1x128xf32, #tpu.memory_space<vmem_shared>> -> memref<128xf32, #tpu.memory_space<vmem_shared>>
    tpu.enqueue_dma source(%dma_start3A_196 : memref<128xf32, #tpu.memory_space<vmem_shared>>) target(%dma_start3A_194 : memref<128xf32, #tpu.memory_space<vmem>>) target_semaphore(%arg13 : memref<!tpu.dma_semaphore, #tpu.memory_space<semaphore_mem>>)
    %dma_start3A_197 = arith.constant 6 : i32
    %dma_start3A_198 = arith.constant 768 : i32
    %dma_start3A_199 = tpu.memref_slice %arg11[%dma_start3A_198] : memref<2048xf32, #tpu.memory_space<vmem>> -> memref<128xf32, #tpu.memory_space<vmem>>
    %dma_start3A_200 = tpu.memref_slice %arg12[%dma_start3A_197, %mul3A_142] : memref<16x2048xf32, #tpu.memory_space<vmem_shared>> -> memref<1x128xf32, #tpu.memory_space<vmem_shared>>
    %dma_start3A_201 = tpu.memref_squeeze %dma_start3A_200 : memref<1x128xf32, #tpu.memory_space<vmem_shared>> -> memref<128xf32, #tpu.memory_space<vmem_shared>>
    %dma_start3A_202 = arith.constant 768 : i32
    %dma_start3A_203 = tpu.memref_slice %arg11[%dma_start3A_202] : memref<2048xf32, #tpu.memory_space<vmem>> -> memref<128xf32, #tpu.memory_space<vmem>>
    %dma_start3A_204 = tpu.memref_slice %arg12[%dma_start3A_197, %mul3A_142] : memref<16x2048xf32, #tpu.memory_space<vmem_shared>> -> memref<1x128xf32, #tpu.memory_space<vmem_shared>>
    %dma_start3A_205 = tpu.memref_squeeze %dma_start3A_204 : memref<1x128xf32, #tpu.memory_space<vmem_shared>> -> memref<128xf32, #tpu.memory_space<vmem_shared>>
    tpu.enqueue_dma source(%dma_start3A_205 : memref<128xf32, #tpu.memory_space<vmem_shared>>) target(%dma_start3A_203 : memref<128xf32, #tpu.memory_space<vmem>>) target_semaphore(%arg13 : memref<!tpu.dma_semaphore, #tpu.memory_space<semaphore_mem>>)
    %dma_start3A_206 = arith.constant 7 : i32
    %dma_start3A_207 = arith.constant 896 : i32
    %dma_start3A_208 = tpu.memref_slice %arg11[%dma_start3A_207] : memref<2048xf32, #tpu.memory_space<vmem>> -> memref<128xf32, #tpu.memory_space<vmem>>
    %dma_start3A_209 = tpu.memref_slice %arg12[%dma_start3A_206, %mul3A_142] : memref<16x2048xf32, #tpu.memory_space<vmem_shared>> -> memref<1x128xf32, #tpu.memory_space<vmem_shared>>
    %dma_start3A_210 = tpu.memref_squeeze %dma_start3A_209 : memref<1x128xf32, #tpu.memory_space<vmem_shared>> -> memref<128xf32, #tpu.memory_space<vmem_shared>>
    %dma_start3A_211 = arith.constant 896 : i32
    %dma_start3A_212 = tpu.memref_slice %arg11[%dma_start3A_211] : memref<2048xf32, #tpu.memory_space<vmem>> -> memref<128xf32, #tpu.memory_space<vmem>>
    %dma_start3A_213 = tpu.memref_slice %arg12[%dma_start3A_206, %mul3A_142] : memref<16x2048xf32, #tpu.memory_space<vmem_shared>> -> memref<1x128xf32, #tpu.memory_space<vmem_shared>>
    %dma_start3A_214 = tpu.memref_squeeze %dma_start3A_213 : memref<1x128xf32, #tpu.memory_space<vmem_shared>> -> memref<128xf32, #tpu.memory_space<vmem_shared>>
    tpu.enqueue_dma source(%dma_start3A_214 : memref<128xf32, #tpu.memory_space<vmem_shared>>) target(%dma_start3A_212 : memref<128xf32, #tpu.memory_space<vmem>>) target_semaphore(%arg13 : memref<!tpu.dma_semaphore, #tpu.memory_space<semaphore_mem>>)
    %dma_start3A_215 = arith.constant 8 : i32
    %dma_start3A_216 = arith.constant 1024 : i32
    %dma_start3A_217 = tpu.memref_slice %arg11[%dma_start3A_216] : memref<2048xf32, #tpu.memory_space<vmem>> -> memref<128xf32, #tpu.memory_space<vmem>>
    %dma_start3A_218 = tpu.memref_slice %arg12[%dma_start3A_215, %mul3A_142] : memref<16x2048xf32, #tpu.memory_space<vmem_shared>> -> memref<1x128xf32, #tpu.memory_space<vmem_shared>>
    %dma_start3A_219 = tpu.memref_squeeze %dma_start3A_218 : memref<1x128xf32, #tpu.memory_space<vmem_shared>> -> memref<128xf32, #tpu.memory_space<vmem_shared>>
    %dma_start3A_220 = arith.constant 1024 : i32
    %dma_start3A_221 = tpu.memref_slice %arg11[%dma_start3A_220] : memref<2048xf32, #tpu.memory_space<vmem>> -> memref<128xf32, #tpu.memory_space<vmem>>
    %dma_start3A_222 = tpu.memref_slice %arg12[%dma_start3A_215, %mul3A_142] : memref<16x2048xf32, #tpu.memory_space<vmem_shared>> -> memref<1x128xf32, #tpu.memory_space<vmem_shared>>
    %dma_start3A_223 = tpu.memref_squeeze %dma_start3A_222 : memref<1x128xf32, #tpu.memory_space<vmem_shared>> -> memref<128xf32, #tpu.memory_space<vmem_shared>>
    tpu.enqueue_dma source(%dma_start3A_223 : memref<128xf32, #tpu.memory_space<vmem_shared>>) target(%dma_start3A_221 : memref<128xf32, #tpu.memory_space<vmem>>) target_semaphore(%arg13 : memref<!tpu.dma_semaphore, #tpu.memory_space<semaphore_mem>>)
    %dma_start3A_224 = arith.constant 9 : i32
    %dma_start3A_225 = arith.constant 1152 : i32
    %dma_start3A_226 = tpu.memref_slice %arg11[%dma_start3A_225] : memref<2048xf32, #tpu.memory_space<vmem>> -> memref<128xf32, #tpu.memory_space<vmem>>
    %dma_start3A_227 = tpu.memref_slice %arg12[%dma_start3A_224, %mul3A_142] : memref<16x2048xf32, #tpu.memory_space<vmem_shared>> -> memref<1x128xf32, #tpu.memory_space<vmem_shared>>
    %dma_start3A_228 = tpu.memref_squeeze %dma_start3A_227 : memref<1x128xf32, #tpu.memory_space<vmem_shared>> -> memref<128xf32, #tpu.memory_space<vmem_shared>>
    %dma_start3A_229 = arith.constant 1152 : i32
    %dma_start3A_230 = tpu.memref_slice %arg11[%dma_start3A_229] : memref<2048xf32, #tpu.memory_space<vmem>> -> memref<128xf32, #tpu.memory_space<vmem>>
    %dma_start3A_231 = tpu.memref_slice %arg12[%dma_start3A_224, %mul3A_142] : memref<16x2048xf32, #tpu.memory_space<vmem_shared>> -> memref<1x128xf32, #tpu.memory_space<vmem_shared>>
    %dma_start3A_232 = tpu.memref_squeeze %dma_start3A_231 : memref<1x128xf32, #tpu.memory_space<vmem_shared>> -> memref<128xf32, #tpu.memory_space<vmem_shared>>
    tpu.enqueue_dma source(%dma_start3A_232 : memref<128xf32, #tpu.memory_space<vmem_shared>>) target(%dma_start3A_230 : memref<128xf32, #tpu.memory_space<vmem>>) target_semaphore(%arg13 : memref<!tpu.dma_semaphore, #tpu.memory_space<semaphore_mem>>)
    %dma_start3A_233 = arith.constant 10 : i32
    %dma_start3A_234 = arith.constant 1280 : i32
    %dma_start3A_235 = tpu.memref_slice %arg11[%dma_start3A_234] : memref<2048xf32, #tpu.memory_space<vmem>> -> memref<128xf32, #tpu.memory_space<vmem>>
    %dma_start3A_236 = tpu.memref_slice %arg12[%dma_start3A_233, %mul3A_142] : memref<16x2048xf32, #tpu.memory_space<vmem_shared>> -> memref<1x128xf32, #tpu.memory_space<vmem_shared>>
    %dma_start3A_237 = tpu.memref_squeeze %dma_start3A_236 : memref<1x128xf32, #tpu.memory_space<vmem_shared>> -> memref<128xf32, #tpu.memory_space<vmem_shared>>
    %dma_start3A_238 = arith.constant 1280 : i32
    %dma_start3A_239 = tpu.memref_slice %arg11[%dma_start3A_238] : memref<2048xf32, #tpu.memory_space<vmem>> -> memref<128xf32, #tpu.memory_space<vmem>>
    %dma_start3A_240 = tpu.memref_slice %arg12[%dma_start3A_233, %mul3A_142] : memref<16x2048xf32, #tpu.memory_space<vmem_shared>> -> memref<1x128xf32, #tpu.memory_space<vmem_shared>>
    %dma_start3A_241 = tpu.memref_squeeze %dma_start3A_240 : memref<1x128xf32, #tpu.memory_space<vmem_shared>> -> memref<128xf32, #tpu.memory_space<vmem_shared>>
    tpu.enqueue_dma source(%dma_start3A_241 : memref<128xf32, #tpu.memory_space<vmem_shared>>) target(%dma_start3A_239 : memref<128xf32, #tpu.memory_space<vmem>>) target_semaphore(%arg13 : memref<!tpu.dma_semaphore, #tpu.memory_space<semaphore_mem>>)
    %dma_start3A_242 = arith.constant 11 : i32
    %dma_start3A_243 = arith.constant 1408 : i32
    %dma_start3A_244 = tpu.memref_slice %arg11[%dma_start3A_243] : memref<2048xf32, #tpu.memory_space<vmem>> -> memref<128xf32, #tpu.memory_space<vmem>>
    %dma_start3A_245 = tpu.memref_slice %arg12[%dma_start3A_242, %mul3A_142] : memref<16x2048xf32, #tpu.memory_space<vmem_shared>> -> memref<1x128xf32, #tpu.memory_space<vmem_shared>>
    %dma_start3A_246 = tpu.memref_squeeze %dma_start3A_245 : memref<1x128xf32, #tpu.memory_space<vmem_shared>> -> memref<128xf32, #tpu.memory_space<vmem_shared>>
    %dma_start3A_247 = arith.constant 1408 : i32
    %dma_start3A_248 = tpu.memref_slice %arg11[%dma_start3A_247] : memref<2048xf32, #tpu.memory_space<vmem>> -> memref<128xf32, #tpu.memory_space<vmem>>
    %dma_start3A_249 = tpu.memref_slice %arg12[%dma_start3A_242, %mul3A_142] : memref<16x2048xf32, #tpu.memory_space<vmem_shared>> -> memref<1x128xf32, #tpu.memory_space<vmem_shared>>
    %dma_start3A_250 = tpu.memref_squeeze %dma_start3A_249 : memref<1x128xf32, #tpu.memory_space<vmem_shared>> -> memref<128xf32, #tpu.memory_space<vmem_shared>>
    tpu.enqueue_dma source(%dma_start3A_250 : memref<128xf32, #tpu.memory_space<vmem_shared>>) target(%dma_start3A_248 : memref<128xf32, #tpu.memory_space<vmem>>) target_semaphore(%arg13 : memref<!tpu.dma_semaphore, #tpu.memory_space<semaphore_mem>>)
    %dma_start3A_251 = arith.constant 12 : i32
    %dma_start3A_252 = arith.constant 1536 : i32
    %dma_start3A_253 = tpu.memref_slice %arg11[%dma_start3A_252] : memref<2048xf32, #tpu.memory_space<vmem>> -> memref<128xf32, #tpu.memory_space<vmem>>
    %dma_start3A_254 = tpu.memref_slice %arg12[%dma_start3A_251, %mul3A_142] : memref<16x2048xf32, #tpu.memory_space<vmem_shared>> -> memref<1x128xf32, #tpu.memory_space<vmem_shared>>
    %dma_start3A_255 = tpu.memref_squeeze %dma_start3A_254 : memref<1x128xf32, #tpu.memory_space<vmem_shared>> -> memref<128xf32, #tpu.memory_space<vmem_shared>>
    %dma_start3A_256 = arith.constant 1536 : i32
    %dma_start3A_257 = tpu.memref_slice %arg11[%dma_start3A_256] : memref<2048xf32, #tpu.memory_space<vmem>> -> memref<128xf32, #tpu.memory_space<vmem>>
    %dma_start3A_258 = tpu.memref_slice %arg12[%dma_start3A_251, %mul3A_142] : memref<16x2048xf32, #tpu.memory_space<vmem_shared>> -> memref<1x128xf32, #tpu.memory_space<vmem_shared>>
    %dma_start3A_259 = tpu.memref_squeeze %dma_start3A_258 : memref<1x128xf32, #tpu.memory_space<vmem_shared>> -> memref<128xf32, #tpu.memory_space<vmem_shared>>
    tpu.enqueue_dma source(%dma_start3A_259 : memref<128xf32, #tpu.memory_space<vmem_shared>>) target(%dma_start3A_257 : memref<128xf32, #tpu.memory_space<vmem>>) target_semaphore(%arg13 : memref<!tpu.dma_semaphore, #tpu.memory_space<semaphore_mem>>)
    %dma_start3A_260 = arith.constant 13 : i32
    %dma_start3A_261 = arith.constant 1664 : i32
    %dma_start3A_262 = tpu.memref_slice %arg11[%dma_start3A_261] : memref<2048xf32, #tpu.memory_space<vmem>> -> memref<128xf32, #tpu.memory_space<vmem>>
    %dma_start3A_263 = tpu.memref_slice %arg12[%dma_start3A_260, %mul3A_142] : memref<16x2048xf32, #tpu.memory_space<vmem_shared>> -> memref<1x128xf32, #tpu.memory_space<vmem_shared>>
    %dma_start3A_264 = tpu.memref_squeeze %dma_start3A_263 : memref<1x128xf32, #tpu.memory_space<vmem_shared>> -> memref<128xf32, #tpu.memory_space<vmem_shared>>
    %dma_start3A_265 = arith.constant 1664 : i32
    %dma_start3A_266 = tpu.memref_slice %arg11[%dma_start3A_265] : memref<2048xf32, #tpu.memory_space<vmem>> -> memref<128xf32, #tpu.memory_space<vmem>>
    %dma_start3A_267 = tpu.memref_slice %arg12[%dma_start3A_260, %mul3A_142] : memref<16x2048xf32, #tpu.memory_space<vmem_shared>> -> memref<1x128xf32, #tpu.memory_space<vmem_shared>>
    %dma_start3A_268 = tpu.memref_squeeze %dma_start3A_267 : memref<1x128xf32, #tpu.memory_space<vmem_shared>> -> memref<128xf32, #tpu.memory_space<vmem_shared>>
    tpu.enqueue_dma source(%dma_start3A_268 : memref<128xf32, #tpu.memory_space<vmem_shared>>) target(%dma_start3A_266 : memref<128xf32, #tpu.memory_space<vmem>>) target_semaphore(%arg13 : memref<!tpu.dma_semaphore, #tpu.memory_space<semaphore_mem>>)
    %dma_start3A_269 = arith.constant 14 : i32
    %dma_start3A_270 = arith.constant 1792 : i32
    %dma_start3A_271 = tpu.memref_slice %arg11[%dma_start3A_270] : memref<2048xf32, #tpu.memory_space<vmem>> -> memref<128xf32, #tpu.memory_space<vmem>>
    %dma_start3A_272 = tpu.memref_slice %arg12[%dma_start3A_269, %mul3A_142] : memref<16x2048xf32, #tpu.memory_space<vmem_shared>> -> memref<1x128xf32, #tpu.memory_space<vmem_shared>>
    %dma_start3A_273 = tpu.memref_squeeze %dma_start3A_272 : memref<1x128xf32, #tpu.memory_space<vmem_shared>> -> memref<128xf32, #tpu.memory_space<vmem_shared>>
    %dma_start3A_274 = arith.constant 1792 : i32
    %dma_start3A_275 = tpu.memref_slice %arg11[%dma_start3A_274] : memref<2048xf32, #tpu.memory_space<vmem>> -> memref<128xf32, #tpu.memory_space<vmem>>
    %dma_start3A_276 = tpu.memref_slice %arg12[%dma_start3A_269, %mul3A_142] : memref<16x2048xf32, #tpu.memory_space<vmem_shared>> -> memref<1x128xf32, #tpu.memory_space<vmem_shared>>
    %dma_start3A_277 = tpu.memref_squeeze %dma_start3A_276 : memref<1x128xf32, #tpu.memory_space<vmem_shared>> -> memref<128xf32, #tpu.memory_space<vmem_shared>>
    tpu.enqueue_dma source(%dma_start3A_277 : memref<128xf32, #tpu.memory_space<vmem_shared>>) target(%dma_start3A_275 : memref<128xf32, #tpu.memory_space<vmem>>) target_semaphore(%arg13 : memref<!tpu.dma_semaphore, #tpu.memory_space<semaphore_mem>>)
    %dma_start3A_278 = arith.constant 15 : i32
    %dma_start3A_279 = arith.constant 1920 : i32
    %dma_start3A_280 = tpu.memref_slice %arg11[%dma_start3A_279] : memref<2048xf32, #tpu.memory_space<vmem>> -> memref<128xf32, #tpu.memory_space<vmem>>
    %dma_start3A_281 = tpu.memref_slice %arg12[%dma_start3A_278, %mul3A_142] : memref<16x2048xf32, #tpu.memory_space<vmem_shared>> -> memref<1x128xf32, #tpu.memory_space<vmem_shared>>
    %dma_start3A_282 = tpu.memref_squeeze %dma_start3A_281 : memref<1x128xf32, #tpu.memory_space<vmem_shared>> -> memref<128xf32, #tpu.memory_space<vmem_shared>>
    %dma_start3A_283 = arith.constant 1920 : i32
    %dma_start3A_284 = tpu.memref_slice %arg11[%dma_start3A_283] : memref<2048xf32, #tpu.memory_space<vmem>> -> memref<128xf32, #tpu.memory_space<vmem>>
    %dma_start3A_285 = tpu.memref_slice %arg12[%dma_start3A_278, %mul3A_142] : memref<16x2048xf32, #tpu.memory_space<vmem_shared>> -> memref<1x128xf32, #tpu.memory_space<vmem_shared>>
    %dma_start3A_286 = tpu.memref_squeeze %dma_start3A_285 : memref<1x128xf32, #tpu.memory_space<vmem_shared>> -> memref<128xf32, #tpu.memory_space<vmem_shared>>
    tpu.enqueue_dma source(%dma_start3A_286 : memref<128xf32, #tpu.memory_space<vmem_shared>>) target(%dma_start3A_284 : memref<128xf32, #tpu.memory_space<vmem>>) target_semaphore(%arg13 : memref<!tpu.dma_semaphore, #tpu.memory_space<semaphore_mem>>)
    %dma_wait3A_287 = arith.constant 0 : i32
    %dma_wait3A_288 = arith.constant 0 : i32
    %dma_wait3A_289 = tpu.memref_slice %arg11[%dma_wait3A_288] : memref<2048xf32, #tpu.memory_space<vmem>> -> memref<128xf32, #tpu.memory_space<vmem>>
    %dma_wait3A_290 = tpu.memref_slice %arg12[%dma_wait3A_287, %mul3A_142] : memref<16x2048xf32, #tpu.memory_space<vmem_shared>> -> memref<1x128xf32, #tpu.memory_space<vmem_shared>>
    %dma_wait3A_291 = tpu.memref_squeeze %dma_wait3A_290 : memref<1x128xf32, #tpu.memory_space<vmem_shared>> -> memref<128xf32, #tpu.memory_space<vmem_shared>>
    %dma_wait3A_292 = arith.constant 0 : i32
    %dma_wait3A_293 = tpu.memref_slice %arg11[%dma_wait3A_292] : memref<2048xf32, #tpu.memory_space<vmem>> -> memref<128xf32, #tpu.memory_space<vmem>>
    %dma_wait3A_294 = tpu.memref_slice %arg12[%dma_wait3A_287, %mul3A_142] : memref<16x2048xf32, #tpu.memory_space<vmem_shared>> -> memref<1x128xf32, #tpu.memory_space<vmem_shared>>
    %dma_wait3A_295 = tpu.memref_squeeze %dma_wait3A_294 : memref<1x128xf32, #tpu.memory_space<vmem_shared>> -> memref<128xf32, #tpu.memory_space<vmem_shared>>
    tpu.wait_dma2 semaphore(%arg13 : memref<!tpu.dma_semaphore, #tpu.memory_space<semaphore_mem>>) src(%dma_wait3A_295 : memref<128xf32, #tpu.memory_space<vmem_shared>>) dst(%dma_wait3A_293 : memref<128xf32, #tpu.memory_space<vmem>>)
    %dma_wait3A_296 = arith.constant 1 : i32
    %dma_wait3A_297 = arith.constant 128 : i32
    %dma_wait3A_298 = tpu.memref_slice %arg11[%dma_wait3A_297] : memref<2048xf32, #tpu.memory_space<vmem>> -> memref<128xf32, #tpu.memory_space<vmem>>
    %dma_wait3A_299 = tpu.memref_slice %arg12[%dma_wait3A_296, %mul3A_142] : memref<16x2048xf32, #tpu.memory_space<vmem_shared>> -> memref<1x128xf32, #tpu.memory_space<vmem_shared>>
    %dma_wait3A_300 = tpu.memref_squeeze %dma_wait3A_299 : memref<1x128xf32, #tpu.memory_space<vmem_shared>> -> memref<128xf32, #tpu.memory_space<vmem_shared>>
    %dma_wait3A_301 = arith.constant 128 : i32
    %dma_wait3A_302 = tpu.memref_slice %arg11[%dma_wait3A_301] : memref<2048xf32, #tpu.memory_space<vmem>> -> memref<128xf32, #tpu.memory_space<vmem>>
    %dma_wait3A_303 = tpu.memref_slice %arg12[%dma_wait3A_296, %mul3A_142] : memref<16x2048xf32, #tpu.memory_space<vmem_shared>> -> memref<1x128xf32, #tpu.memory_space<vmem_shared>>
    %dma_wait3A_304 = tpu.memref_squeeze %dma_wait3A_303 : memref<1x128xf32, #tpu.memory_space<vmem_shared>> -> memref<128xf32, #tpu.memory_space<vmem_shared>>
    tpu.wait_dma2 semaphore(%arg13 : memref<!tpu.dma_semaphore, #tpu.memory_space<semaphore_mem>>) src(%dma_wait3A_304 : memref<128xf32, #tpu.memory_space<vmem_shared>>) dst(%dma_wait3A_302 : memref<128xf32, #tpu.memory_space<vmem>>)
    %dma_wait3A_305 = arith.constant 2 : i32
    %dma_wait3A_306 = arith.constant 256 : i32
    %dma_wait3A_307 = tpu.memref_slice %arg11[%dma_wait3A_306] : memref<2048xf32, #tpu.memory_space<vmem>> -> memref<128xf32, #tpu.memory_space<vmem>>
    %dma_wait3A_308 = tpu.memref_slice %arg12[%dma_wait3A_305, %mul3A_142] : memref<16x2048xf32, #tpu.memory_space<vmem_shared>> -> memref<1x128xf32, #tpu.memory_space<vmem_shared>>
    %dma_wait3A_309 = tpu.memref_squeeze %dma_wait3A_308 : memref<1x128xf32, #tpu.memory_space<vmem_shared>> -> memref<128xf32, #tpu.memory_space<vmem_shared>>
    %dma_wait3A_310 = arith.constant 256 : i32
    %dma_wait3A_311 = tpu.memref_slice %arg11[%dma_wait3A_310] : memref<2048xf32, #tpu.memory_space<vmem>> -> memref<128xf32, #tpu.memory_space<vmem>>
    %dma_wait3A_312 = tpu.memref_slice %arg12[%dma_wait3A_305, %mul3A_142] : memref<16x2048xf32, #tpu.memory_space<vmem_shared>> -> memref<1x128xf32, #tpu.memory_space<vmem_shared>>
    %dma_wait3A_313 = tpu.memref_squeeze %dma_wait3A_312 : memref<1x128xf32, #tpu.memory_space<vmem_shared>> -> memref<128xf32, #tpu.memory_space<vmem_shared>>
    tpu.wait_dma2 semaphore(%arg13 : memref<!tpu.dma_semaphore, #tpu.memory_space<semaphore_mem>>) src(%dma_wait3A_313 : memref<128xf32, #tpu.memory_space<vmem_shared>>) dst(%dma_wait3A_311 : memref<128xf32, #tpu.memory_space<vmem>>)
    %dma_wait3A_314 = arith.constant 3 : i32
    %dma_wait3A_315 = arith.constant 384 : i32
    %dma_wait3A_316 = tpu.memref_slice %arg11[%dma_wait3A_315] : memref<2048xf32, #tpu.memory_space<vmem>> -> memref<128xf32, #tpu.memory_space<vmem>>
    %dma_wait3A_317 = tpu.memref_slice %arg12[%dma_wait3A_314, %mul3A_142] : memref<16x2048xf32, #tpu.memory_space<vmem_shared>> -> memref<1x128xf32, #tpu.memory_space<vmem_shared>>
    %dma_wait3A_318 = tpu.memref_squeeze %dma_wait3A_317 : memref<1x128xf32, #tpu.memory_space<vmem_shared>> -> memref<128xf32, #tpu.memory_space<vmem_shared>>
    %dma_wait3A_319 = arith.constant 384 : i32
    %dma_wait3A_320 = tpu.memref_slice %arg11[%dma_wait3A_319] : memref<2048xf32, #tpu.memory_space<vmem>> -> memref<128xf32, #tpu.memory_space<vmem>>
    %dma_wait3A_321 = tpu.memref_slice %arg12[%dma_wait3A_314, %mul3A_142] : memref<16x2048xf32, #tpu.memory_space<vmem_shared>> -> memref<1x128xf32, #tpu.memory_space<vmem_shared>>
    %dma_wait3A_322 = tpu.memref_squeeze %dma_wait3A_321 : memref<1x128xf32, #tpu.memory_space<vmem_shared>> -> memref<128xf32, #tpu.memory_space<vmem_shared>>
    tpu.wait_dma2 semaphore(%arg13 : memref<!tpu.dma_semaphore, #tpu.memory_space<semaphore_mem>>) src(%dma_wait3A_322 : memref<128xf32, #tpu.memory_space<vmem_shared>>) dst(%dma_wait3A_320 : memref<128xf32, #tpu.memory_space<vmem>>)
    %dma_wait3A_323 = arith.constant 4 : i32
    %dma_wait3A_324 = arith.constant 512 : i32
    %dma_wait3A_325 = tpu.memref_slice %arg11[%dma_wait3A_324] : memref<2048xf32, #tpu.memory_space<vmem>> -> memref<128xf32, #tpu.memory_space<vmem>>
    %dma_wait3A_326 = tpu.memref_slice %arg12[%dma_wait3A_323, %mul3A_142] : memref<16x2048xf32, #tpu.memory_space<vmem_shared>> -> memref<1x128xf32, #tpu.memory_space<vmem_shared>>
    %dma_wait3A_327 = tpu.memref_squeeze %dma_wait3A_326 : memref<1x128xf32, #tpu.memory_space<vmem_shared>> -> memref<128xf32, #tpu.memory_space<vmem_shared>>
    %dma_wait3A_328 = arith.constant 512 : i32
    %dma_wait3A_329 = tpu.memref_slice %arg11[%dma_wait3A_328] : memref<2048xf32, #tpu.memory_space<vmem>> -> memref<128xf32, #tpu.memory_space<vmem>>
    %dma_wait3A_330 = tpu.memref_slice %arg12[%dma_wait3A_323, %mul3A_142] : memref<16x2048xf32, #tpu.memory_space<vmem_shared>> -> memref<1x128xf32, #tpu.memory_space<vmem_shared>>
    %dma_wait3A_331 = tpu.memref_squeeze %dma_wait3A_330 : memref<1x128xf32, #tpu.memory_space<vmem_shared>> -> memref<128xf32, #tpu.memory_space<vmem_shared>>
    tpu.wait_dma2 semaphore(%arg13 : memref<!tpu.dma_semaphore, #tpu.memory_space<semaphore_mem>>) src(%dma_wait3A_331 : memref<128xf32, #tpu.memory_space<vmem_shared>>) dst(%dma_wait3A_329 : memref<128xf32, #tpu.memory_space<vmem>>)
    %dma_wait3A_332 = arith.constant 5 : i32
    %dma_wait3A_333 = arith.constant 640 : i32
    %dma_wait3A_334 = tpu.memref_slice %arg11[%dma_wait3A_333] : memref<2048xf32, #tpu.memory_space<vmem>> -> memref<128xf32, #tpu.memory_space<vmem>>
    %dma_wait3A_335 = tpu.memref_slice %arg12[%dma_wait3A_332, %mul3A_142] : memref<16x2048xf32, #tpu.memory_space<vmem_shared>> -> memref<1x128xf32, #tpu.memory_space<vmem_shared>>
    %dma_wait3A_336 = tpu.memref_squeeze %dma_wait3A_335 : memref<1x128xf32, #tpu.memory_space<vmem_shared>> -> memref<128xf32, #tpu.memory_space<vmem_shared>>
    %dma_wait3A_337 = arith.constant 640 : i32
    %dma_wait3A_338 = tpu.memref_slice %arg11[%dma_wait3A_337] : memref<2048xf32, #tpu.memory_space<vmem>> -> memref<128xf32, #tpu.memory_space<vmem>>
    %dma_wait3A_339 = tpu.memref_slice %arg12[%dma_wait3A_332, %mul3A_142] : memref<16x2048xf32, #tpu.memory_space<vmem_shared>> -> memref<1x128xf32, #tpu.memory_space<vmem_shared>>
    %dma_wait3A_340 = tpu.memref_squeeze %dma_wait3A_339 : memref<1x128xf32, #tpu.memory_space<vmem_shared>> -> memref<128xf32, #tpu.memory_space<vmem_shared>>
    tpu.wait_dma2 semaphore(%arg13 : memref<!tpu.dma_semaphore, #tpu.memory_space<semaphore_mem>>) src(%dma_wait3A_340 : memref<128xf32, #tpu.memory_space<vmem_shared>>) dst(%dma_wait3A_338 : memref<128xf32, #tpu.memory_space<vmem>>)
    %dma_wait3A_341 = arith.constant 6 : i32
    %dma_wait3A_342 = arith.constant 768 : i32
    %dma_wait3A_343 = tpu.memref_slice %arg11[%dma_wait3A_342] : memref<2048xf32, #tpu.memory_space<vmem>> -> memref<128xf32, #tpu.memory_space<vmem>>
    %dma_wait3A_344 = tpu.memref_slice %arg12[%dma_wait3A_341, %mul3A_142] : memref<16x2048xf32, #tpu.memory_space<vmem_shared>> -> memref<1x128xf32, #tpu.memory_space<vmem_shared>>
    %dma_wait3A_345 = tpu.memref_squeeze %dma_wait3A_344 : memref<1x128xf32, #tpu.memory_space<vmem_shared>> -> memref<128xf32, #tpu.memory_space<vmem_shared>>
    %dma_wait3A_346 = arith.constant 768 : i32
    %dma_wait3A_347 = tpu.memref_slice %arg11[%dma_wait3A_346] : memref<2048xf32, #tpu.memory_space<vmem>> -> memref<128xf32, #tpu.memory_space<vmem>>
    %dma_wait3A_348 = tpu.memref_slice %arg12[%dma_wait3A_341, %mul3A_142] : memref<16x2048xf32, #tpu.memory_space<vmem_shared>> -> memref<1x128xf32, #tpu.memory_space<vmem_shared>>
    %dma_wait3A_349 = tpu.memref_squeeze %dma_wait3A_348 : memref<1x128xf32, #tpu.memory_space<vmem_shared>> -> memref<128xf32, #tpu.memory_space<vmem_shared>>
    tpu.wait_dma2 semaphore(%arg13 : memref<!tpu.dma_semaphore, #tpu.memory_space<semaphore_mem>>) src(%dma_wait3A_349 : memref<128xf32, #tpu.memory_space<vmem_shared>>) dst(%dma_wait3A_347 : memref<128xf32, #tpu.memory_space<vmem>>)
    %dma_wait3A_350 = arith.constant 7 : i32
    %dma_wait3A_351 = arith.constant 896 : i32
    %dma_wait3A_352 = tpu.memref_slice %arg11[%dma_wait3A_351] : memref<2048xf32, #tpu.memory_space<vmem>> -> memref<128xf32, #tpu.memory_space<vmem>>
    %dma_wait3A_353 = tpu.memref_slice %arg12[%dma_wait3A_350, %mul3A_142] : memref<16x2048xf32, #tpu.memory_space<vmem_shared>> -> memref<1x128xf32, #tpu.memory_space<vmem_shared>>
    %dma_wait3A_354 = tpu.memref_squeeze %dma_wait3A_353 : memref<1x128xf32, #tpu.memory_space<vmem_shared>> -> memref<128xf32, #tpu.memory_space<vmem_shared>>
    %dma_wait3A_355 = arith.constant 896 : i32
    %dma_wait3A_356 = tpu.memref_slice %arg11[%dma_wait3A_355] : memref<2048xf32, #tpu.memory_space<vmem>> -> memref<128xf32, #tpu.memory_space<vmem>>
    %dma_wait3A_357 = tpu.memref_slice %arg12[%dma_wait3A_350, %mul3A_142] : memref<16x2048xf32, #tpu.memory_space<vmem_shared>> -> memref<1x128xf32, #tpu.memory_space<vmem_shared>>
    %dma_wait3A_358 = tpu.memref_squeeze %dma_wait3A_357 : memref<1x128xf32, #tpu.memory_space<vmem_shared>> -> memref<128xf32, #tpu.memory_space<vmem_shared>>
    tpu.wait_dma2 semaphore(%arg13 : memref<!tpu.dma_semaphore, #tpu.memory_space<semaphore_mem>>) src(%dma_wait3A_358 : memref<128xf32, #tpu.memory_space<vmem_shared>>) dst(%dma_wait3A_356 : memref<128xf32, #tpu.memory_space<vmem>>)
    %dma_wait3A_359 = arith.constant 8 : i32
    %dma_wait3A_360 = arith.constant 1024 : i32
    %dma_wait3A_361 = tpu.memref_slice %arg11[%dma_wait3A_360] : memref<2048xf32, #tpu.memory_space<vmem>> -> memref<128xf32, #tpu.memory_space<vmem>>
    %dma_wait3A_362 = tpu.memref_slice %arg12[%dma_wait3A_359, %mul3A_142] : memref<16x2048xf32, #tpu.memory_space<vmem_shared>> -> memref<1x128xf32, #tpu.memory_space<vmem_shared>>
    %dma_wait3A_363 = tpu.memref_squeeze %dma_wait3A_362 : memref<1x128xf32, #tpu.memory_space<vmem_shared>> -> memref<128xf32, #tpu.memory_space<vmem_shared>>
    %dma_wait3A_364 = arith.constant 1024 : i32
    %dma_wait3A_365 = tpu.memref_slice %arg11[%dma_wait3A_364] : memref<2048xf32, #tpu.memory_space<vmem>> -> memref<128xf32, #tpu.memory_space<vmem>>
    %dma_wait3A_366 = tpu.memref_slice %arg12[%dma_wait3A_359, %mul3A_142] : memref<16x2048xf32, #tpu.memory_space<vmem_shared>> -> memref<1x128xf32, #tpu.memory_space<vmem_shared>>
    %dma_wait3A_367 = tpu.memref_squeeze %dma_wait3A_366 : memref<1x128xf32, #tpu.memory_space<vmem_shared>> -> memref<128xf32, #tpu.memory_space<vmem_shared>>
    tpu.wait_dma2 semaphore(%arg13 : memref<!tpu.dma_semaphore, #tpu.memory_space<semaphore_mem>>) src(%dma_wait3A_367 : memref<128xf32, #tpu.memory_space<vmem_shared>>) dst(%dma_wait3A_365 : memref<128xf32, #tpu.memory_space<vmem>>)
    %dma_wait3A_368 = arith.constant 9 : i32
    %dma_wait3A_369 = arith.constant 1152 : i32
    %dma_wait3A_370 = tpu.memref_slice %arg11[%dma_wait3A_369] : memref<2048xf32, #tpu.memory_space<vmem>> -> memref<128xf32, #tpu.memory_space<vmem>>
    %dma_wait3A_371 = tpu.memref_slice %arg12[%dma_wait3A_368, %mul3A_142] : memref<16x2048xf32, #tpu.memory_space<vmem_shared>> -> memref<1x128xf32, #tpu.memory_space<vmem_shared>>
    %dma_wait3A_372 = tpu.memref_squeeze %dma_wait3A_371 : memref<1x128xf32, #tpu.memory_space<vmem_shared>> -> memref<128xf32, #tpu.memory_space<vmem_shared>>
    %dma_wait3A_373 = arith.constant 1152 : i32
    %dma_wait3A_374 = tpu.memref_slice %arg11[%dma_wait3A_373] : memref<2048xf32, #tpu.memory_space<vmem>> -> memref<128xf32, #tpu.memory_space<vmem>>
    %dma_wait3A_375 = tpu.memref_slice %arg12[%dma_wait3A_368, %mul3A_142] : memref<16x2048xf32, #tpu.memory_space<vmem_shared>> -> memref<1x128xf32, #tpu.memory_space<vmem_shared>>
    %dma_wait3A_376 = tpu.memref_squeeze %dma_wait3A_375 : memref<1x128xf32, #tpu.memory_space<vmem_shared>> -> memref<128xf32, #tpu.memory_space<vmem_shared>>
    tpu.wait_dma2 semaphore(%arg13 : memref<!tpu.dma_semaphore, #tpu.memory_space<semaphore_mem>>) src(%dma_wait3A_376 : memref<128xf32, #tpu.memory_space<vmem_shared>>) dst(%dma_wait3A_374 : memref<128xf32, #tpu.memory_space<vmem>>)
    %dma_wait3A_377 = arith.constant 10 : i32
    %dma_wait3A_378 = arith.constant 1280 : i32
    %dma_wait3A_379 = tpu.memref_slice %arg11[%dma_wait3A_378] : memref<2048xf32, #tpu.memory_space<vmem>> -> memref<128xf32, #tpu.memory_space<vmem>>
    %dma_wait3A_380 = tpu.memref_slice %arg12[%dma_wait3A_377, %mul3A_142] : memref<16x2048xf32, #tpu.memory_space<vmem_shared>> -> memref<1x128xf32, #tpu.memory_space<vmem_shared>>
    %dma_wait3A_381 = tpu.memref_squeeze %dma_wait3A_380 : memref<1x128xf32, #tpu.memory_space<vmem_shared>> -> memref<128xf32, #tpu.memory_space<vmem_shared>>
    %dma_wait3A_382 = arith.constant 1280 : i32
    %dma_wait3A_383 = tpu.memref_slice %arg11[%dma_wait3A_382] : memref<2048xf32, #tpu.memory_space<vmem>> -> memref<128xf32, #tpu.memory_space<vmem>>
    %dma_wait3A_384 = tpu.memref_slice %arg12[%dma_wait3A_377, %mul3A_142] : memref<16x2048xf32, #tpu.memory_space<vmem_shared>> -> memref<1x128xf32, #tpu.memory_space<vmem_shared>>
    %dma_wait3A_385 = tpu.memref_squeeze %dma_wait3A_384 : memref<1x128xf32, #tpu.memory_space<vmem_shared>> -> memref<128xf32, #tpu.memory_space<vmem_shared>>
    tpu.wait_dma2 semaphore(%arg13 : memref<!tpu.dma_semaphore, #tpu.memory_space<semaphore_mem>>) src(%dma_wait3A_385 : memref<128xf32, #tpu.memory_space<vmem_shared>>) dst(%dma_wait3A_383 : memref<128xf32, #tpu.memory_space<vmem>>)
    %dma_wait3A_386 = arith.constant 11 : i32
    %dma_wait3A_387 = arith.constant 1408 : i32
    %dma_wait3A_388 = tpu.memref_slice %arg11[%dma_wait3A_387] : memref<2048xf32, #tpu.memory_space<vmem>> -> memref<128xf32, #tpu.memory_space<vmem>>
    %dma_wait3A_389 = tpu.memref_slice %arg12[%dma_wait3A_386, %mul3A_142] : memref<16x2048xf32, #tpu.memory_space<vmem_shared>> -> memref<1x128xf32, #tpu.memory_space<vmem_shared>>
    %dma_wait3A_390 = tpu.memref_squeeze %dma_wait3A_389 : memref<1x128xf32, #tpu.memory_space<vmem_shared>> -> memref<128xf32, #tpu.memory_space<vmem_shared>>
    %dma_wait3A_391 = arith.constant 1408 : i32
    %dma_wait3A_392 = tpu.memref_slice %arg11[%dma_wait3A_391] : memref<2048xf32, #tpu.memory_space<vmem>> -> memref<128xf32, #tpu.memory_space<vmem>>
    %dma_wait3A_393 = tpu.memref_slice %arg12[%dma_wait3A_386, %mul3A_142] : memref<16x2048xf32, #tpu.memory_space<vmem_shared>> -> memref<1x128xf32, #tpu.memory_space<vmem_shared>>
    %dma_wait3A_394 = tpu.memref_squeeze %dma_wait3A_393 : memref<1x128xf32, #tpu.memory_space<vmem_shared>> -> memref<128xf32, #tpu.memory_space<vmem_shared>>
    tpu.wait_dma2 semaphore(%arg13 : memref<!tpu.dma_semaphore, #tpu.memory_space<semaphore_mem>>) src(%dma_wait3A_394 : memref<128xf32, #tpu.memory_space<vmem_shared>>) dst(%dma_wait3A_392 : memref<128xf32, #tpu.memory_space<vmem>>)
    %dma_wait3A_395 = arith.constant 12 : i32
    %dma_wait3A_396 = arith.constant 1536 : i32
    %dma_wait3A_397 = tpu.memref_slice %arg11[%dma_wait3A_396] : memref<2048xf32, #tpu.memory_space<vmem>> -> memref<128xf32, #tpu.memory_space<vmem>>
    %dma_wait3A_398 = tpu.memref_slice %arg12[%dma_wait3A_395, %mul3A_142] : memref<16x2048xf32, #tpu.memory_space<vmem_shared>> -> memref<1x128xf32, #tpu.memory_space<vmem_shared>>
    %dma_wait3A_399 = tpu.memref_squeeze %dma_wait3A_398 : memref<1x128xf32, #tpu.memory_space<vmem_shared>> -> memref<128xf32, #tpu.memory_space<vmem_shared>>
    %dma_wait3A_400 = arith.constant 1536 : i32
    %dma_wait3A_401 = tpu.memref_slice %arg11[%dma_wait3A_400] : memref<2048xf32, #tpu.memory_space<vmem>> -> memref<128xf32, #tpu.memory_space<vmem>>
    %dma_wait3A_402 = tpu.memref_slice %arg12[%dma_wait3A_395, %mul3A_142] : memref<16x2048xf32, #tpu.memory_space<vmem_shared>> -> memref<1x128xf32, #tpu.memory_space<vmem_shared>>
    %dma_wait3A_403 = tpu.memref_squeeze %dma_wait3A_402 : memref<1x128xf32, #tpu.memory_space<vmem_shared>> -> memref<128xf32, #tpu.memory_space<vmem_shared>>
    tpu.wait_dma2 semaphore(%arg13 : memref<!tpu.dma_semaphore, #tpu.memory_space<semaphore_mem>>) src(%dma_wait3A_403 : memref<128xf32, #tpu.memory_space<vmem_shared>>) dst(%dma_wait3A_401 : memref<128xf32, #tpu.memory_space<vmem>>)
    %dma_wait3A_404 = arith.constant 13 : i32
    %dma_wait3A_405 = arith.constant 1664 : i32
    %dma_wait3A_406 = tpu.memref_slice %arg11[%dma_wait3A_405] : memref<2048xf32, #tpu.memory_space<vmem>> -> memref<128xf32, #tpu.memory_space<vmem>>
    %dma_wait3A_407 = tpu.memref_slice %arg12[%dma_wait3A_404, %mul3A_142] : memref<16x2048xf32, #tpu.memory_space<vmem_shared>> -> memref<1x128xf32, #tpu.memory_space<vmem_shared>>
    %dma_wait3A_408 = tpu.memref_squeeze %dma_wait3A_407 : memref<1x128xf32, #tpu.memory_space<vmem_shared>> -> memref<128xf32, #tpu.memory_space<vmem_shared>>
    %dma_wait3A_409 = arith.constant 1664 : i32
    %dma_wait3A_410 = tpu.memref_slice %arg11[%dma_wait3A_409] : memref<2048xf32, #tpu.memory_space<vmem>> -> memref<128xf32, #tpu.memory_space<vmem>>
    %dma_wait3A_411 = tpu.memref_slice %arg12[%dma_wait3A_404, %mul3A_142] : memref<16x2048xf32, #tpu.memory_space<vmem_shared>> -> memref<1x128xf32, #tpu.memory_space<vmem_shared>>
    %dma_wait3A_412 = tpu.memref_squeeze %dma_wait3A_411 : memref<1x128xf32, #tpu.memory_space<vmem_shared>> -> memref<128xf32, #tpu.memory_space<vmem_shared>>
    tpu.wait_dma2 semaphore(%arg13 : memref<!tpu.dma_semaphore, #tpu.memory_space<semaphore_mem>>) src(%dma_wait3A_412 : memref<128xf32, #tpu.memory_space<vmem_shared>>) dst(%dma_wait3A_410 : memref<128xf32, #tpu.memory_space<vmem>>)
    %dma_wait3A_413 = arith.constant 14 : i32
    %dma_wait3A_414 = arith.constant 1792 : i32
    %dma_wait3A_415 = tpu.memref_slice %arg11[%dma_wait3A_414] : memref<2048xf32, #tpu.memory_space<vmem>> -> memref<128xf32, #tpu.memory_space<vmem>>
    %dma_wait3A_416 = tpu.memref_slice %arg12[%dma_wait3A_413, %mul3A_142] : memref<16x2048xf32, #tpu.memory_space<vmem_shared>> -> memref<1x128xf32, #tpu.memory_space<vmem_shared>>
    %dma_wait3A_417 = tpu.memref_squeeze %dma_wait3A_416 : memref<1x128xf32, #tpu.memory_space<vmem_shared>> -> memref<128xf32, #tpu.memory_space<vmem_shared>>
    %dma_wait3A_418 = arith.constant 1792 : i32
    %dma_wait3A_419 = tpu.memref_slice %arg11[%dma_wait3A_418] : memref<2048xf32, #tpu.memory_space<vmem>> -> memref<128xf32, #tpu.memory_space<vmem>>
    %dma_wait3A_420 = tpu.memref_slice %arg12[%dma_wait3A_413, %mul3A_142] : memref<16x2048xf32, #tpu.memory_space<vmem_shared>> -> memref<1x128xf32, #tpu.memory_space<vmem_shared>>
    %dma_wait3A_421 = tpu.memref_squeeze %dma_wait3A_420 : memref<1x128xf32, #tpu.memory_space<vmem_shared>> -> memref<128xf32, #tpu.memory_space<vmem_shared>>
    tpu.wait_dma2 semaphore(%arg13 : memref<!tpu.dma_semaphore, #tpu.memory_space<semaphore_mem>>) src(%dma_wait3A_421 : memref<128xf32, #tpu.memory_space<vmem_shared>>) dst(%dma_wait3A_419 : memref<128xf32, #tpu.memory_space<vmem>>)
    %dma_wait3A_422 = arith.constant 15 : i32
    %dma_wait3A_423 = arith.constant 1920 : i32
    %dma_wait3A_424 = tpu.memref_slice %arg11[%dma_wait3A_423] : memref<2048xf32, #tpu.memory_space<vmem>> -> memref<128xf32, #tpu.memory_space<vmem>>
    %dma_wait3A_425 = tpu.memref_slice %arg12[%dma_wait3A_422, %mul3A_142] : memref<16x2048xf32, #tpu.memory_space<vmem_shared>> -> memref<1x128xf32, #tpu.memory_space<vmem_shared>>
    %dma_wait3A_426 = tpu.memref_squeeze %dma_wait3A_425 : memref<1x128xf32, #tpu.memory_space<vmem_shared>> -> memref<128xf32, #tpu.memory_space<vmem_shared>>
    %dma_wait3A_427 = arith.constant 1920 : i32
    %dma_wait3A_428 = tpu.memref_slice %arg11[%dma_wait3A_427] : memref<2048xf32, #tpu.memory_space<vmem>> -> memref<128xf32, #tpu.memory_space<vmem>>
    %dma_wait3A_429 = tpu.memref_slice %arg12[%dma_wait3A_422, %mul3A_142] : memref<16x2048xf32, #tpu.memory_space<vmem_shared>> -> memref<1x128xf32, #tpu.memory_space<vmem_shared>>
    %dma_wait3A_430 = tpu.memref_squeeze %dma_wait3A_429 : memref<1x128xf32, #tpu.memory_space<vmem_shared>> -> memref<128xf32, #tpu.memory_space<vmem_shared>>
    tpu.wait_dma2 semaphore(%arg13 : memref<!tpu.dma_semaphore, #tpu.memory_space<semaphore_mem>>) src(%dma_wait3A_430 : memref<128xf32, #tpu.memory_space<vmem_shared>>) dst(%dma_wait3A_428 : memref<128xf32, #tpu.memory_space<vmem>>)
    %get3A = arith.constant 0 : index
    %get3A_431 = tpu.vector_load %arg11[%get3A] {strides = array<i32>} : memref<2048xf32, #tpu.memory_space<vmem>>, vector<16xf32>,
    %get3A_432 = arith.constant 128 : index
    %get3A_433 = tpu.vector_load %arg11[%get3A_432] {strides = array<i32>} : memref<2048xf32, #tpu.memory_space<vmem>>, vector<16xf32>,
    %add3A_434 = arith.addf %get3A_431, %get3A_433 : vector<16xf32>
    %get3A_435 = arith.constant 256 : index
    %get3A_436 = tpu.vector_load %arg11[%get3A_435] {strides = array<i32>} : memref<2048xf32, #tpu.memory_space<vmem>>, vector<16xf32>,
    %add3A_437 = arith.addf %add3A_434, %get3A_436 : vector<16xf32>
    %get3A_438 = arith.constant 384 : index
    %get3A_439 = tpu.vector_load %arg11[%get3A_438] {strides = array<i32>} : memref<2048xf32, #tpu.memory_space<vmem>>, vector<16xf32>,
    %add3A_440 = arith.addf %add3A_437, %get3A_439 : vector<16xf32>
    %get3A_441 = arith.constant 512 : index
    %get3A_442 = tpu.vector_load %arg11[%get3A_441] {strides = array<i32>} : memref<2048xf32, #tpu.memory_space<vmem>>, vector<16xf32>,
    %add3A_443 = arith.addf %add3A_440, %get3A_442 : vector<16xf32>
    %get3A_444 = arith.constant 640 : index
    %get3A_445 = tpu.vector_load %arg11[%get3A_444] {strides = array<i32>} : memref<2048xf32, #tpu.memory_space<vmem>>, vector<16xf32>,
    %add3A_446 = arith.addf %add3A_443, %get3A_445 : vector<16xf32>
    %get3A_447 = arith.constant 768 : index
    %get3A_448 = tpu.vector_load %arg11[%get3A_447] {strides = array<i32>} : memref<2048xf32, #tpu.memory_space<vmem>>, vector<16xf32>,
    %add3A_449 = arith.addf %add3A_446, %get3A_448 : vector<16xf32>
    %get3A_450 = arith.constant 896 : index
    %get3A_451 = tpu.vector_load %arg11[%get3A_450] {strides = array<i32>} : memref<2048xf32, #tpu.memory_space<vmem>>, vector<16xf32>,
    %add3A_452 = arith.addf %add3A_449, %get3A_451 : vector<16xf32>
    %get3A_453 = arith.constant 1024 : index
    %get3A_454 = tpu.vector_load %arg11[%get3A_453] {strides = array<i32>} : memref<2048xf32, #tpu.memory_space<vmem>>, vector<16xf32>,
    %add3A_455 = arith.addf %add3A_452, %get3A_454 : vector<16xf32>
    %get3A_456 = arith.constant 1152 : index
    %get3A_457 = tpu.vector_load %arg11[%get3A_456] {strides = array<i32>} : memref<2048xf32, #tpu.memory_space<vmem>>, vector<16xf32>,
    %add3A_458 = arith.addf %add3A_455, %get3A_457 : vector<16xf32>
    %get3A_459 = arith.constant 1280 : index
    %get3A_460 = tpu.vector_load %arg11[%get3A_459] {strides = array<i32>} : memref<2048xf32, #tpu.memory_space<vmem>>, vector<16xf32>,
    %add3A_461 = arith.addf %add3A_458, %get3A_460 : vector<16xf32>
    %get3A_462 = arith.constant 1408 : index
    %get3A_463 = tpu.vector_load %arg11[%get3A_462] {strides = array<i32>} : memref<2048xf32, #tpu.memory_space<vmem>>, vector<16xf32>,
    %add3A_464 = arith.addf %add3A_461, %get3A_463 : vector<16xf32>
    %get3A_465 = arith.constant 1536 : index
    %get3A_466 = tpu.vector_load %arg11[%get3A_465] {strides = array<i32>} : memref<2048xf32, #tpu.memory_space<vmem>>, vector<16xf32>,
    %add3A_467 = arith.addf %add3A_464, %get3A_466 : vector<16xf32>
    %get3A_468 = arith.constant 1664 : index
    %get3A_469 = tpu.vector_load %arg11[%get3A_468] {strides = array<i32>} : memref<2048xf32, #tpu.memory_space<vmem>>, vector<16xf32>,
    %add3A_470 = arith.addf %add3A_467, %get3A_469 : vector<16xf32>
    %get3A_471 = arith.constant 1792 : index
    %get3A_472 = tpu.vector_load %arg11[%get3A_471] {strides = array<i32>} : memref<2048xf32, #tpu.memory_space<vmem>>, vector<16xf32>,
    %add3A_473 = arith.addf %add3A_470, %get3A_472 : vector<16xf32>
    %get3A_474 = arith.constant 1920 : index
    %get3A_475 = tpu.vector_load %arg11[%get3A_474] {strides = array<i32>} : memref<2048xf32, #tpu.memory_space<vmem>>, vector<16xf32>,
    %add3A_476 = arith.addf %add3A_473, %get3A_475 : vector<16xf32>
    %swap3A = arith.constant 0 : index
    %swap3A_477 = tpu.vector_load %arg10[%swap3A] {strides = array<i32>} : memref<2048xf32, #tpu.memory_space<vmem>>, vector<16xf32>,
    tpu.vector_store %arg10[%swap3A], %add3A_476 {strides = array<i32>} : memref<2048xf32, #tpu.memory_space<vmem>>, vector<16xf32>,
    %get3A_478 = arith.constant 16 : index
    %get3A_479 = tpu.vector_load %arg11[%get3A_478] {strides = array<i32>} : memref<2048xf32, #tpu.memory_space<vmem>>, vector<16xf32>,
    %get3A_480 = arith.constant 144 : index
    %get3A_481 = tpu.vector_load %arg11[%get3A_480] {strides = array<i32>} : memref<2048xf32, #tpu.memory_space<vmem>>, vector<16xf32>,
    %add3A_482 = arith.addf %get3A_479, %get3A_481 : vector<16xf32>
    %get3A_483 = arith.constant 272 : index
    %get3A_484 = tpu.vector_load %arg11[%get3A_483] {strides = array<i32>} : memref<2048xf32, #tpu.memory_space<vmem>>, vector<16xf32>,
    %add3A_485 = arith.addf %add3A_482, %get3A_484 : vector<16xf32>
    %get3A_486 = arith.constant 400 : index
    %get3A_487 = tpu.vector_load %arg11[%get3A_486] {strides = array<i32>} : memref<2048xf32, #tpu.memory_space<vmem>>, vector<16xf32>,
    %add3A_488 = arith.addf %add3A_485, %get3A_487 : vector<16xf32>
    %get3A_489 = arith.constant 528 : index
    %get3A_490 = tpu.vector_load %arg11[%get3A_489] {strides = array<i32>} : memref<2048xf32, #tpu.memory_space<vmem>>, vector<16xf32>,
    %add3A_491 = arith.addf %add3A_488, %get3A_490 : vector<16xf32>
    %get3A_492 = arith.constant 656 : index
    %get3A_493 = tpu.vector_load %arg11[%get3A_492] {strides = array<i32>} : memref<2048xf32, #tpu.memory_space<vmem>>, vector<16xf32>,
    %add3A_494 = arith.addf %add3A_491, %get3A_493 : vector<16xf32>
    %get3A_495 = arith.constant 784 : index
    %get3A_496 = tpu.vector_load %arg11[%get3A_495] {strides = array<i32>} : memref<2048xf32, #tpu.memory_space<vmem>>, vector<16xf32>,
    %add3A_497 = arith.addf %add3A_494, %get3A_496 : vector<16xf32>
    %get3A_498 = arith.constant 912 : index
    %get3A_499 = tpu.vector_load %arg11[%get3A_498] {strides = array<i32>} : memref<2048xf32, #tpu.memory_space<vmem>>, vector<16xf32>,
    %add3A_500 = arith.addf %add3A_497, %get3A_499 : vector<16xf32>
    %get3A_501 = arith.constant 1040 : index
    %get3A_502 = tpu.vector_load %arg11[%get3A_501] {strides = array<i32>} : memref<2048xf32, #tpu.memory_space<vmem>>, vector<16xf32>,
    %add3A_503 = arith.addf %add3A_500, %get3A_502 : vector<16xf32>
    %get3A_504 = arith.constant 1168 : index
    %get3A_505 = tpu.vector_load %arg11[%get3A_504] {strides = array<i32>} : memref<2048xf32, #tpu.memory_space<vmem>>, vector<16xf32>,
    %add3A_506 = arith.addf %add3A_503, %get3A_505 : vector<16xf32>
    %get3A_507 = arith.constant 1296 : index
    %get3A_508 = tpu.vector_load %arg11[%get3A_507] {strides = array<i32>} : memref<2048xf32, #tpu.memory_space<vmem>>, vector<16xf32>,
    %add3A_509 = arith.addf %add3A_506, %get3A_508 : vector<16xf32>
    %get3A_510 = arith.constant 1424 : index
    %get3A_511 = tpu.vector_load %arg11[%get3A_510] {strides = array<i32>} : memref<2048xf32, #tpu.memory_space<vmem>>, vector<16xf32>,
    %add3A_512 = arith.addf %add3A_509, %get3A_511 : vector<16xf32>
    %get3A_513 = arith.constant 1552 : index
    %get3A_514 = tpu.vector_load %arg11[%get3A_513] {strides = array<i32>} : memref<2048xf32, #tpu.memory_space<vmem>>, vector<16xf32>,
    %add3A_515 = arith.addf %add3A_512, %get3A_514 : vector<16xf32>
    %get3A_516 = arith.constant 1680 : index
    %get3A_517 = tpu.vector_load %arg11[%get3A_516] {strides = array<i32>} : memref<2048xf32, #tpu.memory_space<vmem>>, vector<16xf32>,
    %add3A_518 = arith.addf %add3A_515, %get3A_517 : vector<16xf32>
    %get3A_519 = arith.constant 1808 : index
    %get3A_520 = tpu.vector_load %arg11[%get3A_519] {strides = array<i32>} : memref<2048xf32, #tpu.memory_space<vmem>>, vector<16xf32>,
    %add3A_521 = arith.addf %add3A_518, %get3A_520 : vector<16xf32>
    %get3A_522 = arith.constant 1936 : index
    %get3A_523 = tpu.vector_load %arg11[%get3A_522] {strides = array<i32>} : memref<2048xf32, #tpu.memory_space<vmem>>, vector<16xf32>,
    %add3A_524 = arith.addf %add3A_521, %get3A_523 : vector<16xf32>
    %swap3A_525 = arith.constant 16 : index
    %swap3A_526 = tpu.vector_load %arg10[%swap3A_525] {strides = array<i32>} : memref<2048xf32, #tpu.memory_space<vmem>>, vector<16xf32>,
    tpu.vector_store %arg10[%swap3A_525], %add3A_524 {strides = array<i32>} : memref<2048xf32, #tpu.memory_space<vmem>>, vector<16xf32>,
    %get3A_527 = arith.constant 32 : index
    %get3A_528 = tpu.vector_load %arg11[%get3A_527] {strides = array<i32>} : memref<2048xf32, #tpu.memory_space<vmem>>, vector<16xf32>,
    %get3A_529 = arith.constant 160 : index
    %get3A_530 = tpu.vector_load %arg11[%get3A_529] {strides = array<i32>} : memref<2048xf32, #tpu.memory_space<vmem>>, vector<16xf32>,
    %add3A_531 = arith.addf %get3A_528, %get3A_530 : vector<16xf32>
    %get3A_532 = arith.constant 288 : index
    %get3A_533 = tpu.vector_load %arg11[%get3A_532] {strides = array<i32>} : memref<2048xf32, #tpu.memory_space<vmem>>, vector<16xf32>,
    %add3A_534 = arith.addf %add3A_531, %get3A_533 : vector<16xf32>
    %get3A_535 = arith.constant 416 : index
    %get3A_536 = tpu.vector_load %arg11[%get3A_535] {strides = array<i32>} : memref<2048xf32, #tpu.memory_space<vmem>>, vector<16xf32>,
    %add3A_537 = arith.addf %add3A_534, %get3A_536 : vector<16xf32>
    %get3A_538 = arith.constant 544 : index
    %get3A_539 = tpu.vector_load %arg11[%get3A_538] {strides = array<i32>} : memref<2048xf32, #tpu.memory_space<vmem>>, vector<16xf32>,
    %add3A_540 = arith.addf %add3A_537, %get3A_539 : vector<16xf32>
    %get3A_541 = arith.constant 672 : index
    %get3A_542 = tpu.vector_load %arg11[%get3A_541] {strides = array<i32>} : memref<2048xf32, #tpu.memory_space<vmem>>, vector<16xf32>,
    %add3A_543 = arith.addf %add3A_540, %get3A_542 : vector<16xf32>
    %get3A_544 = arith.constant 800 : index
    %get3A_545 = tpu.vector_load %arg11[%get3A_544] {strides = array<i32>} : memref<2048xf32, #tpu.memory_space<vmem>>, vector<16xf32>,
    %add3A_546 = arith.addf %add3A_543, %get3A_545 : vector<16xf32>
    %get3A_547 = arith.constant 928 : index
    %get3A_548 = tpu.vector_load %arg11[%get3A_547] {strides = array<i32>} : memref<2048xf32, #tpu.memory_space<vmem>>, vector<16xf32>,
    %add3A_549 = arith.addf %add3A_546, %get3A_548 : vector<16xf32>
    %get3A_550 = arith.constant 1056 : index
    %get3A_551 = tpu.vector_load %arg11[%get3A_550] {strides = array<i32>} : memref<2048xf32, #tpu.memory_space<vmem>>, vector<16xf32>,
    %add3A_552 = arith.addf %add3A_549, %get3A_551 : vector<16xf32>
    %get3A_553 = arith.constant 1184 : index
    %get3A_554 = tpu.vector_load %arg11[%get3A_553] {strides = array<i32>} : memref<2048xf32, #tpu.memory_space<vmem>>, vector<16xf32>,
    %add3A_555 = arith.addf %add3A_552, %get3A_554 : vector<16xf32>
    %get3A_556 = arith.constant 1312 : index
    %get3A_557 = tpu.vector_load %arg11[%get3A_556] {strides = array<i32>} : memref<2048xf32, #tpu.memory_space<vmem>>, vector<16xf32>,
    %add3A_558 = arith.addf %add3A_555, %get3A_557 : vector<16xf32>
    %get3A_559 = arith.constant 1440 : index
    %get3A_560 = tpu.vector_load %arg11[%get3A_559] {strides = array<i32>} : memref<2048xf32, #tpu.memory_space<vmem>>, vector<16xf32>,
    %add3A_561 = arith.addf %add3A_558, %get3A_560 : vector<16xf32>
    %get3A_562 = arith.constant 1568 : index
    %get3A_563 = tpu.vector_load %arg11[%get3A_562] {strides = array<i32>} : memref<2048xf32, #tpu.memory_space<vmem>>, vector<16xf32>,
    %add3A_564 = arith.addf %add3A_561, %get3A_563 : vector<16xf32>
    %get3A_565 = arith.constant 1696 : index
    %get3A_566 = tpu.vector_load %arg11[%get3A_565] {strides = array<i32>} : memref<2048xf32, #tpu.memory_space<vmem>>, vector<16xf32>,
    %add3A_567 = arith.addf %add3A_564, %get3A_566 : vector<16xf32>
    %get3A_568 = arith.constant 1824 : index
    %get3A_569 = tpu.vector_load %arg11[%get3A_568] {strides = array<i32>} : memref<2048xf32, #tpu.memory_space<vmem>>, vector<16xf32>,
    %add3A_570 = arith.addf %add3A_567, %get3A_569 : vector<16xf32>
    %get3A_571 = arith.constant 1952 : index
    %get3A_572 = tpu.vector_load %arg11[%get3A_571] {strides = array<i32>} : memref<2048xf32, #tpu.memory_space<vmem>>, vector<16xf32>,
    %add3A_573 = arith.addf %add3A_570, %get3A_572 : vector<16xf32>
    %swap3A_574 = arith.constant 32 : index
    %swap3A_575 = tpu.vector_load %arg10[%swap3A_574] {strides = array<i32>} : memref<2048xf32, #tpu.memory_space<vmem>>, vector<16xf32>,
    tpu.vector_store %arg10[%swap3A_574], %add3A_573 {strides = array<i32>} : memref<2048xf32, #tpu.memory_space<vmem>>, vector<16xf32>,
    %get3A_576 = arith.constant 48 : index
    %get3A_577 = tpu.vector_load %arg11[%get3A_576] {strides = array<i32>} : memref<2048xf32, #tpu.memory_space<vmem>>, vector<16xf32>,
    %get3A_578 = arith.constant 176 : index
    %get3A_579 = tpu.vector_load %arg11[%get3A_578] {strides = array<i32>} : memref<2048xf32, #tpu.memory_space<vmem>>, vector<16xf32>,
    %add3A_580 = arith.addf %get3A_577, %get3A_579 : vector<16xf32>
    %get3A_581 = arith.constant 304 : index
    %get3A_582 = tpu.vector_load %arg11[%get3A_581] {strides = array<i32>} : memref<2048xf32, #tpu.memory_space<vmem>>, vector<16xf32>,
    %add3A_583 = arith.addf %add3A_580, %get3A_582 : vector<16xf32>
    %get3A_584 = arith.constant 432 : index
    %get3A_585 = tpu.vector_load %arg11[%get3A_584] {strides = array<i32>} : memref<2048xf32, #tpu.memory_space<vmem>>, vector<16xf32>,
    %add3A_586 = arith.addf %add3A_583, %get3A_585 : vector<16xf32>
    %get3A_587 = arith.constant 560 : index
    %get3A_588 = tpu.vector_load %arg11[%get3A_587] {strides = array<i32>} : memref<2048xf32, #tpu.memory_space<vmem>>, vector<16xf32>,
    %add3A_589 = arith.addf %add3A_586, %get3A_588 : vector<16xf32>
    %get3A_590 = arith.constant 688 : index
    %get3A_591 = tpu.vector_load %arg11[%get3A_590] {strides = array<i32>} : memref<2048xf32, #tpu.memory_space<vmem>>, vector<16xf32>,
    %add3A_592 = arith.addf %add3A_589, %get3A_591 : vector<16xf32>
    %get3A_593 = arith.constant 816 : index
    %get3A_594 = tpu.vector_load %arg11[%get3A_593] {strides = array<i32>} : memref<2048xf32, #tpu.memory_space<vmem>>, vector<16xf32>,
    %add3A_595 = arith.addf %add3A_592, %get3A_594 : vector<16xf32>
    %get3A_596 = arith.constant 944 : index
    %get3A_597 = tpu.vector_load %arg11[%get3A_596] {strides = array<i32>} : memref<2048xf32, #tpu.memory_space<vmem>>, vector<16xf32>,
    %add3A_598 = arith.addf %add3A_595, %get3A_597 : vector<16xf32>
    %get3A_599 = arith.constant 1072 : index
    %get3A_600 = tpu.vector_load %arg11[%get3A_599] {strides = array<i32>} : memref<2048xf32, #tpu.memory_space<vmem>>, vector<16xf32>,
    %add3A_601 = arith.addf %add3A_598, %get3A_600 : vector<16xf32>
    %get3A_602 = arith.constant 1200 : index
    %get3A_603 = tpu.vector_load %arg11[%get3A_602] {strides = array<i32>} : memref<2048xf32, #tpu.memory_space<vmem>>, vector<16xf32>,
    %add3A_604 = arith.addf %add3A_601, %get3A_603 : vector<16xf32>
    %get3A_605 = arith.constant 1328 : index
    %get3A_606 = tpu.vector_load %arg11[%get3A_605] {strides = array<i32>} : memref<2048xf32, #tpu.memory_space<vmem>>, vector<16xf32>,
    %add3A_607 = arith.addf %add3A_604, %get3A_606 : vector<16xf32>
    %get3A_608 = arith.constant 1456 : index
    %get3A_609 = tpu.vector_load %arg11[%get3A_608] {strides = array<i32>} : memref<2048xf32, #tpu.memory_space<vmem>>, vector<16xf32>,
    %add3A_610 = arith.addf %add3A_607, %get3A_609 : vector<16xf32>
    %get3A_611 = arith.constant 1584 : index
    %get3A_612 = tpu.vector_load %arg11[%get3A_611] {strides = array<i32>} : memref<2048xf32, #tpu.memory_space<vmem>>, vector<16xf32>,
    %add3A_613 = arith.addf %add3A_610, %get3A_612 : vector<16xf32>
    %get3A_614 = arith.constant 1712 : index
    %get3A_615 = tpu.vector_load %arg11[%get3A_614] {strides = array<i32>} : memref<2048xf32, #tpu.memory_space<vmem>>, vector<16xf32>,
    %add3A_616 = arith.addf %add3A_613, %get3A_615 : vector<16xf32>
    %get3A_617 = arith.constant 1840 : index
    %get3A_618 = tpu.vector_load %arg11[%get3A_617] {strides = array<i32>} : memref<2048xf32, #tpu.memory_space<vmem>>, vector<16xf32>,
    %add3A_619 = arith.addf %add3A_616, %get3A_618 : vector<16xf32>
    %get3A_620 = arith.constant 1968 : index
    %get3A_621 = tpu.vector_load %arg11[%get3A_620] {strides = array<i32>} : memref<2048xf32, #tpu.memory_space<vmem>>, vector<16xf32>,
    %add3A_622 = arith.addf %add3A_619, %get3A_621 : vector<16xf32>
    %swap3A_623 = arith.constant 48 : index
    %swap3A_624 = tpu.vector_load %arg10[%swap3A_623] {strides = array<i32>} : memref<2048xf32, #tpu.memory_space<vmem>>, vector<16xf32>,
    tpu.vector_store %arg10[%swap3A_623], %add3A_622 {strides = array<i32>} : memref<2048xf32, #tpu.memory_space<vmem>>, vector<16xf32>,
    %get3A_625 = arith.constant 64 : index
    %get3A_626 = tpu.vector_load %arg11[%get3A_625] {strides = array<i32>} : memref<2048xf32, #tpu.memory_space<vmem>>, vector<16xf32>,
    %get3A_627 = arith.constant 192 : index
    %get3A_628 = tpu.vector_load %arg11[%get3A_627] {strides = array<i32>} : memref<2048xf32, #tpu.memory_space<vmem>>, vector<16xf32>,
    %add3A_629 = arith.addf %get3A_626, %get3A_628 : vector<16xf32>
    %get3A_630 = arith.constant 320 : index
    %get3A_631 = tpu.vector_load %arg11[%get3A_630] {strides = array<i32>} : memref<2048xf32, #tpu.memory_space<vmem>>, vector<16xf32>,
    %add3A_632 = arith.addf %add3A_629, %get3A_631 : vector<16xf32>
    %get3A_633 = arith.constant 448 : index
    %get3A_634 = tpu.vector_load %arg11[%get3A_633] {strides = array<i32>} : memref<2048xf32, #tpu.memory_space<vmem>>, vector<16xf32>,
    %add3A_635 = arith.addf %add3A_632, %get3A_634 : vector<16xf32>
    %get3A_636 = arith.constant 576 : index
    %get3A_637 = tpu.vector_load %arg11[%get3A_636] {strides = array<i32>} : memref<2048xf32, #tpu.memory_space<vmem>>, vector<16xf32>,
    %add3A_638 = arith.addf %add3A_635, %get3A_637 : vector<16xf32>
    %get3A_639 = arith.constant 704 : index
    %get3A_640 = tpu.vector_load %arg11[%get3A_639] {strides = array<i32>} : memref<2048xf32, #tpu.memory_space<vmem>>, vector<16xf32>,
    %add3A_641 = arith.addf %add3A_638, %get3A_640 : vector<16xf32>
    %get3A_642 = arith.constant 832 : index
    %get3A_643 = tpu.vector_load %arg11[%get3A_642] {strides = array<i32>} : memref<2048xf32, #tpu.memory_space<vmem>>, vector<16xf32>,
    %add3A_644 = arith.addf %add3A_641, %get3A_643 : vector<16xf32>
    %get3A_645 = arith.constant 960 : index
    %get3A_646 = tpu.vector_load %arg11[%get3A_645] {strides = array<i32>} : memref<2048xf32, #tpu.memory_space<vmem>>, vector<16xf32>,
    %add3A_647 = arith.addf %add3A_644, %get3A_646 : vector<16xf32>
    %get3A_648 = arith.constant 1088 : index
    %get3A_649 = tpu.vector_load %arg11[%get3A_648] {strides = array<i32>} : memref<2048xf32, #tpu.memory_space<vmem>>, vector<16xf32>,
    %add3A_650 = arith.addf %add3A_647, %get3A_649 : vector<16xf32>
    %get3A_651 = arith.constant 1216 : index
    %get3A_652 = tpu.vector_load %arg11[%get3A_651] {strides = array<i32>} : memref<2048xf32, #tpu.memory_space<vmem>>, vector<16xf32>,
    %add3A_653 = arith.addf %add3A_650, %get3A_652 : vector<16xf32>
    %get3A_654 = arith.constant 1344 : index
    %get3A_655 = tpu.vector_load %arg11[%get3A_654] {strides = array<i32>} : memref<2048xf32, #tpu.memory_space<vmem>>, vector<16xf32>,
    %add3A_656 = arith.addf %add3A_653, %get3A_655 : vector<16xf32>
    %get3A_657 = arith.constant 1472 : index
    %get3A_658 = tpu.vector_load %arg11[%get3A_657] {strides = array<i32>} : memref<2048xf32, #tpu.memory_space<vmem>>, vector<16xf32>,
    %add3A_659 = arith.addf %add3A_656, %get3A_658 : vector<16xf32>
    %get3A_660 = arith.constant 1600 : index
    %get3A_661 = tpu.vector_load %arg11[%get3A_660] {strides = array<i32>} : memref<2048xf32, #tpu.memory_space<vmem>>, vector<16xf32>,
    %add3A_662 = arith.addf %add3A_659, %get3A_661 : vector<16xf32>
    %get3A_663 = arith.constant 1728 : index
    %get3A_664 = tpu.vector_load %arg11[%get3A_663] {strides = array<i32>} : memref<2048xf32, #tpu.memory_space<vmem>>, vector<16xf32>,
    %add3A_665 = arith.addf %add3A_662, %get3A_664 : vector<16xf32>
    %get3A_666 = arith.constant 1856 : index
    %get3A_667 = tpu.vector_load %arg11[%get3A_666] {strides = array<i32>} : memref<2048xf32, #tpu.memory_space<vmem>>, vector<16xf32>,
    %add3A_668 = arith.addf %add3A_665, %get3A_667 : vector<16xf32>
    %get3A_669 = arith.constant 1984 : index
    %get3A_670 = tpu.vector_load %arg11[%get3A_669] {strides = array<i32>} : memref<2048xf32, #tpu.memory_space<vmem>>, vector<16xf32>,
    %add3A_671 = arith.addf %add3A_668, %get3A_670 : vector<16xf32>
    %swap3A_672 = arith.constant 64 : index
    %swap3A_673 = tpu.vector_load %arg10[%swap3A_672] {strides = array<i32>} : memref<2048xf32, #tpu.memory_space<vmem>>, vector<16xf32>,
    tpu.vector_store %arg10[%swap3A_672], %add3A_671 {strides = array<i32>} : memref<2048xf32, #tpu.memory_space<vmem>>, vector<16xf32>,
    %get3A_674 = arith.constant 80 : index
    %get3A_675 = tpu.vector_load %arg11[%get3A_674] {strides = array<i32>} : memref<2048xf32, #tpu.memory_space<vmem>>, vector<16xf32>,
    %get3A_676 = arith.constant 208 : index
    %get3A_677 = tpu.vector_load %arg11[%get3A_676] {strides = array<i32>} : memref<2048xf32, #tpu.memory_space<vmem>>, vector<16xf32>,
    %add3A_678 = arith.addf %get3A_675, %get3A_677 : vector<16xf32>
    %get3A_679 = arith.constant 336 : index
    %get3A_680 = tpu.vector_load %arg11[%get3A_679] {strides = array<i32>} : memref<2048xf32, #tpu.memory_space<vmem>>, vector<16xf32>,
    %add3A_681 = arith.addf %add3A_678, %get3A_680 : vector<16xf32>
    %get3A_682 = arith.constant 464 : index
    %get3A_683 = tpu.vector_load %arg11[%get3A_682] {strides = array<i32>} : memref<2048xf32, #tpu.memory_space<vmem>>, vector<16xf32>,
    %add3A_684 = arith.addf %add3A_681, %get3A_683 : vector<16xf32>
    %get3A_685 = arith.constant 592 : index
    %get3A_686 = tpu.vector_load %arg11[%get3A_685] {strides = array<i32>} : memref<2048xf32, #tpu.memory_space<vmem>>, vector<16xf32>,
    %add3A_687 = arith.addf %add3A_684, %get3A_686 : vector<16xf32>
    %get3A_688 = arith.constant 720 : index
    %get3A_689 = tpu.vector_load %arg11[%get3A_688] {strides = array<i32>} : memref<2048xf32, #tpu.memory_space<vmem>>, vector<16xf32>,
    %add3A_690 = arith.addf %add3A_687, %get3A_689 : vector<16xf32>
    %get3A_691 = arith.constant 848 : index
    %get3A_692 = tpu.vector_load %arg11[%get3A_691] {strides = array<i32>} : memref<2048xf32, #tpu.memory_space<vmem>>, vector<16xf32>,
    %add3A_693 = arith.addf %add3A_690, %get3A_692 : vector<16xf32>
    %get3A_694 = arith.constant 976 : index
    %get3A_695 = tpu.vector_load %arg11[%get3A_694] {strides = array<i32>} : memref<2048xf32, #tpu.memory_space<vmem>>, vector<16xf32>,
    %add3A_696 = arith.addf %add3A_693, %get3A_695 : vector<16xf32>
    %get3A_697 = arith.constant 1104 : index
    %get3A_698 = tpu.vector_load %arg11[%get3A_697] {strides = array<i32>} : memref<2048xf32, #tpu.memory_space<vmem>>, vector<16xf32>,
    %add3A_699 = arith.addf %add3A_696, %get3A_698 : vector<16xf32>
    %get3A_700 = arith.constant 1232 : index
    %get3A_701 = tpu.vector_load %arg11[%get3A_700] {strides = array<i32>} : memref<2048xf32, #tpu.memory_space<vmem>>, vector<16xf32>,
    %add3A_702 = arith.addf %add3A_699, %get3A_701 : vector<16xf32>
    %get3A_703 = arith.constant 1360 : index
    %get3A_704 = tpu.vector_load %arg11[%get3A_703] {strides = array<i32>} : memref<2048xf32, #tpu.memory_space<vmem>>, vector<16xf32>,
    %add3A_705 = arith.addf %add3A_702, %get3A_704 : vector<16xf32>
    %get3A_706 = arith.constant 1488 : index
    %get3A_707 = tpu.vector_load %arg11[%get3A_706] {strides = array<i32>} : memref<2048xf32, #tpu.memory_space<vmem>>, vector<16xf32>,
    %add3A_708 = arith.addf %add3A_705, %get3A_707 : vector<16xf32>
    %get3A_709 = arith.constant 1616 : index
    %get3A_710 = tpu.vector_load %arg11[%get3A_709] {strides = array<i32>} : memref<2048xf32, #tpu.memory_space<vmem>>, vector<16xf32>,
    %add3A_711 = arith.addf %add3A_708, %get3A_710 : vector<16xf32>
    %get3A_712 = arith.constant 1744 : index
    %get3A_713 = tpu.vector_load %arg11[%get3A_712] {strides = array<i32>} : memref<2048xf32, #tpu.memory_space<vmem>>, vector<16xf32>,
    %add3A_714 = arith.addf %add3A_711, %get3A_713 : vector<16xf32>
    %get3A_715 = arith.constant 1872 : index
    %get3A_716 = tpu.vector_load %arg11[%get3A_715] {strides = array<i32>} : memref<2048xf32, #tpu.memory_space<vmem>>, vector<16xf32>,
    %add3A_717 = arith.addf %add3A_714, %get3A_716 : vector<16xf32>
    %get3A_718 = arith.constant 2000 : index
    %get3A_719 = tpu.vector_load %arg11[%get3A_718] {strides = array<i32>} : memref<2048xf32, #tpu.memory_space<vmem>>, vector<16xf32>,
    %add3A_720 = arith.addf %add3A_717, %get3A_719 : vector<16xf32>
    %swap3A_721 = arith.constant 80 : index
    %swap3A_722 = tpu.vector_load %arg10[%swap3A_721] {strides = array<i32>} : memref<2048xf32, #tpu.memory_space<vmem>>, vector<16xf32>,
    tpu.vector_store %arg10[%swap3A_721], %add3A_720 {strides = array<i32>} : memref<2048xf32, #tpu.memory_space<vmem>>, vector<16xf32>,
    %get3A_723 = arith.constant 96 : index
    %get3A_724 = tpu.vector_load %arg11[%get3A_723] {strides = array<i32>} : memref<2048xf32, #tpu.memory_space<vmem>>, vector<16xf32>,
    %get3A_725 = arith.constant 224 : index
    %get3A_726 = tpu.vector_load %arg11[%get3A_725] {strides = array<i32>} : memref<2048xf32, #tpu.memory_space<vmem>>, vector<16xf32>,
    %add3A_727 = arith.addf %get3A_724, %get3A_726 : vector<16xf32>
    %get3A_728 = arith.constant 352 : index
    %get3A_729 = tpu.vector_load %arg11[%get3A_728] {strides = array<i32>} : memref<2048xf32, #tpu.memory_space<vmem>>, vector<16xf32>,
    %add3A_730 = arith.addf %add3A_727, %get3A_729 : vector<16xf32>
    %get3A_731 = arith.constant 480 : index
    %get3A_732 = tpu.vector_load %arg11[%get3A_731] {strides = array<i32>} : memref<2048xf32, #tpu.memory_space<vmem>>, vector<16xf32>,
    %add3A_733 = arith.addf %add3A_730, %get3A_732 : vector<16xf32>
    %get3A_734 = arith.constant 608 : index
    %get3A_735 = tpu.vector_load %arg11[%get3A_734] {strides = array<i32>} : memref<2048xf32, #tpu.memory_space<vmem>>, vector<16xf32>,
    %add3A_736 = arith.addf %add3A_733, %get3A_735 : vector<16xf32>
    %get3A_737 = arith.constant 736 : index
    %get3A_738 = tpu.vector_load %arg11[%get3A_737] {strides = array<i32>} : memref<2048xf32, #tpu.memory_space<vmem>>, vector<16xf32>,
    %add3A_739 = arith.addf %add3A_736, %get3A_738 : vector<16xf32>
    %get3A_740 = arith.constant 864 : index
    %get3A_741 = tpu.vector_load %arg11[%get3A_740] {strides = array<i32>} : memref<2048xf32, #tpu.memory_space<vmem>>, vector<16xf32>,
    %add3A_742 = arith.addf %add3A_739, %get3A_741 : vector<16xf32>
    %get3A_743 = arith.constant 992 : index
    %get3A_744 = tpu.vector_load %arg11[%get3A_743] {strides = array<i32>} : memref<2048xf32, #tpu.memory_space<vmem>>, vector<16xf32>,
    %add3A_745 = arith.addf %add3A_742, %get3A_744 : vector<16xf32>
    %get3A_746 = arith.constant 1120 : index
    %get3A_747 = tpu.vector_load %arg11[%get3A_746] {strides = array<i32>} : memref<2048xf32, #tpu.memory_space<vmem>>, vector<16xf32>,
    %add3A_748 = arith.addf %add3A_745, %get3A_747 : vector<16xf32>
    %get3A_749 = arith.constant 1248 : index
    %get3A_750 = tpu.vector_load %arg11[%get3A_749] {strides = array<i32>} : memref<2048xf32, #tpu.memory_space<vmem>>, vector<16xf32>,
    %add3A_751 = arith.addf %add3A_748, %get3A_750 : vector<16xf32>
    %get3A_752 = arith.constant 1376 : index
    %get3A_753 = tpu.vector_load %arg11[%get3A_752] {strides = array<i32>} : memref<2048xf32, #tpu.memory_space<vmem>>, vector<16xf32>,
    %add3A_754 = arith.addf %add3A_751, %get3A_753 : vector<16xf32>
    %get3A_755 = arith.constant 1504 : index
    %get3A_756 = tpu.vector_load %arg11[%get3A_755] {strides = array<i32>} : memref<2048xf32, #tpu.memory_space<vmem>>, vector<16xf32>,
    %add3A_757 = arith.addf %add3A_754, %get3A_756 : vector<16xf32>
    %get3A_758 = arith.constant 1632 : index
    %get3A_759 = tpu.vector_load %arg11[%get3A_758] {strides = array<i32>} : memref<2048xf32, #tpu.memory_space<vmem>>, vector<16xf32>,
    %add3A_760 = arith.addf %add3A_757, %get3A_759 : vector<16xf32>
    %get3A_761 = arith.constant 1760 : index
    %get3A_762 = tpu.vector_load %arg11[%get3A_761] {strides = array<i32>} : memref<2048xf32, #tpu.memory_space<vmem>>, vector<16xf32>,
    %add3A_763 = arith.addf %add3A_760, %get3A_762 : vector<16xf32>
    %get3A_764 = arith.constant 1888 : index
    %get3A_765 = tpu.vector_load %arg11[%get3A_764] {strides = array<i32>} : memref<2048xf32, #tpu.memory_space<vmem>>, vector<16xf32>,
    %add3A_766 = arith.addf %add3A_763, %get3A_765 : vector<16xf32>
    %get3A_767 = arith.constant 2016 : index
    %get3A_768 = tpu.vector_load %arg11[%get3A_767] {strides = array<i32>} : memref<2048xf32, #tpu.memory_space<vmem>>, vector<16xf32>,
    %add3A_769 = arith.addf %add3A_766, %get3A_768 : vector<16xf32>
    %swap3A_770 = arith.constant 96 : index
    %swap3A_771 = tpu.vector_load %arg10[%swap3A_770] {strides = array<i32>} : memref<2048xf32, #tpu.memory_space<vmem>>, vector<16xf32>,
    tpu.vector_store %arg10[%swap3A_770], %add3A_769 {strides = array<i32>} : memref<2048xf32, #tpu.memory_space<vmem>>, vector<16xf32>,
    %get3A_772 = arith.constant 112 : index
    %get3A_773 = tpu.vector_load %arg11[%get3A_772] {strides = array<i32>} : memref<2048xf32, #tpu.memory_space<vmem>>, vector<16xf32>,
    %get3A_774 = arith.constant 240 : index
    %get3A_775 = tpu.vector_load %arg11[%get3A_774] {strides = array<i32>} : memref<2048xf32, #tpu.memory_space<vmem>>, vector<16xf32>,
    %add3A_776 = arith.addf %get3A_773, %get3A_775 : vector<16xf32>
    %get3A_777 = arith.constant 368 : index
    %get3A_778 = tpu.vector_load %arg11[%get3A_777] {strides = array<i32>} : memref<2048xf32, #tpu.memory_space<vmem>>, vector<16xf32>,
    %add3A_779 = arith.addf %add3A_776, %get3A_778 : vector<16xf32>
    %get3A_780 = arith.constant 496 : index
    %get3A_781 = tpu.vector_load %arg11[%get3A_780] {strides = array<i32>} : memref<2048xf32, #tpu.memory_space<vmem>>, vector<16xf32>,
    %add3A_782 = arith.addf %add3A_779, %get3A_781 : vector<16xf32>
    %get3A_783 = arith.constant 624 : index
    %get3A_784 = tpu.vector_load %arg11[%get3A_783] {strides = array<i32>} : memref<2048xf32, #tpu.memory_space<vmem>>, vector<16xf32>,
    %add3A_785 = arith.addf %add3A_782, %get3A_784 : vector<16xf32>
    %get3A_786 = arith.constant 752 : index
    %get3A_787 = tpu.vector_load %arg11[%get3A_786] {strides = array<i32>} : memref<2048xf32, #tpu.memory_space<vmem>>, vector<16xf32>,
    %add3A_788 = arith.addf %add3A_785, %get3A_787 : vector<16xf32>
    %get3A_789 = arith.constant 880 : index
    %get3A_790 = tpu.vector_load %arg11[%get3A_789] {strides = array<i32>} : memref<2048xf32, #tpu.memory_space<vmem>>, vector<16xf32>,
    %add3A_791 = arith.addf %add3A_788, %get3A_790 : vector<16xf32>
    %get3A_792 = arith.constant 1008 : index
    %get3A_793 = tpu.vector_load %arg11[%get3A_792] {strides = array<i32>} : memref<2048xf32, #tpu.memory_space<vmem>>, vector<16xf32>,
    %add3A_794 = arith.addf %add3A_791, %get3A_793 : vector<16xf32>
    %get3A_795 = arith.constant 1136 : index
    %get3A_796 = tpu.vector_load %arg11[%get3A_795] {strides = array<i32>} : memref<2048xf32, #tpu.memory_space<vmem>>, vector<16xf32>,
    %add3A_797 = arith.addf %add3A_794, %get3A_796 : vector<16xf32>
    %get3A_798 = arith.constant 1264 : index
    %get3A_799 = tpu.vector_load %arg11[%get3A_798] {strides = array<i32>} : memref<2048xf32, #tpu.memory_space<vmem>>, vector<16xf32>,
    %add3A_800 = arith.addf %add3A_797, %get3A_799 : vector<16xf32>
    %get3A_801 = arith.constant 1392 : index
    %get3A_802 = tpu.vector_load %arg11[%get3A_801] {strides = array<i32>} : memref<2048xf32, #tpu.memory_space<vmem>>, vector<16xf32>,
    %add3A_803 = arith.addf %add3A_800, %get3A_802 : vector<16xf32>
    %get3A_804 = arith.constant 1520 : index
    %get3A_805 = tpu.vector_load %arg11[%get3A_804] {strides = array<i32>} : memref<2048xf32, #tpu.memory_space<vmem>>, vector<16xf32>,
    %add3A_806 = arith.addf %add3A_803, %get3A_805 : vector<16xf32>
    %get3A_807 = arith.constant 1648 : index
    %get3A_808 = tpu.vector_load %arg11[%get3A_807] {strides = array<i32>} : memref<2048xf32, #tpu.memory_space<vmem>>, vector<16xf32>,
    %add3A_809 = arith.addf %add3A_806, %get3A_808 : vector<16xf32>
    %get3A_810 = arith.constant 1776 : index
    %get3A_811 = tpu.vector_load %arg11[%get3A_810] {strides = array<i32>} : memref<2048xf32, #tpu.memory_space<vmem>>, vector<16xf32>,
    %add3A_812 = arith.addf %add3A_809, %get3A_811 : vector<16xf32>
    %get3A_813 = arith.constant 1904 : index
    %get3A_814 = tpu.vector_load %arg11[%get3A_813] {strides = array<i32>} : memref<2048xf32, #tpu.memory_space<vmem>>, vector<16xf32>,
    %add3A_815 = arith.addf %add3A_812, %get3A_814 : vector<16xf32>
    %get3A_816 = arith.constant 2032 : index
    %get3A_817 = tpu.vector_load %arg11[%get3A_816] {strides = array<i32>} : memref<2048xf32, #tpu.memory_space<vmem>>, vector<16xf32>,
    %add3A_818 = arith.addf %add3A_815, %get3A_817 : vector<16xf32>
    %swap3A_819 = arith.constant 112 : index
    %swap3A_820 = tpu.vector_load %arg10[%swap3A_819] {strides = array<i32>} : memref<2048xf32, #tpu.memory_space<vmem>>, vector<16xf32>,
    tpu.vector_store %arg10[%swap3A_819], %add3A_818 {strides = array<i32>} : memref<2048xf32, #tpu.memory_space<vmem>>, vector<16xf32>,
    "tpu.region"() ({
      %run_scoped3A = tpu.sem_alloc : memref<!tpu.dma_semaphore, #tpu.memory_space<semaphore_mem>>
      %dma_start3A_821 = arith.constant 0 : i32
      %dma_start3A_822 = tpu.memref_slice %arg10[%dma_start3A_821] : memref<2048xf32, #tpu.memory_space<vmem>> -> memref<128xf32, #tpu.memory_space<vmem>>
      %dma_start3A_823 = tpu.memref_slice %arg4[%arg0, %mul3A_142] : memref<2x2048xf32, #tpu.memory_space<hbm>> -> memref<1x128xf32, #tpu.memory_space<hbm>>
      %dma_start3A_824 = tpu.memref_squeeze %dma_start3A_823 : memref<1x128xf32, #tpu.memory_space<hbm>> -> memref<128xf32, #tpu.memory_space<hbm>>
      %dma_start3A_825 = tpu.memref_slice %arg4[%arg0, %mul3A_142] : memref<2x2048xf32, #tpu.memory_space<hbm>> -> memref<1x128xf32, #tpu.memory_space<hbm>>
      %dma_start3A_826 = tpu.memref_squeeze %dma_start3A_825 : memref<1x128xf32, #tpu.memory_space<hbm>> -> memref<128xf32, #tpu.memory_space<hbm>>
      %dma_start3A_827 = arith.constant 0 : i32
      %dma_start3A_828 = tpu.memref_slice %arg10[%dma_start3A_827] : memref<2048xf32, #tpu.memory_space<vmem>> -> memref<128xf32, #tpu.memory_space<vmem>>
      tpu.enqueue_dma source(%dma_start3A_828 : memref<128xf32, #tpu.memory_space<vmem>>) target(%dma_start3A_826 : memref<128xf32, #tpu.memory_space<hbm>>) target_semaphore(%run_scoped3A : memref<!tpu.dma_semaphore, #tpu.memory_space<semaphore_mem>>)
      %dma_wait3A_829 = arith.constant 0 : i32
      %dma_wait3A_830 = tpu.memref_slice %arg10[%dma_wait3A_829] : memref<2048xf32, #tpu.memory_space<vmem>> -> memref<128xf32, #tpu.memory_space<vmem>>
      %dma_wait3A_831 = tpu.memref_slice %arg4[%arg0, %mul3A_142] : memref<2x2048xf32, #tpu.memory_space<hbm>> -> memref<1x128xf32, #tpu.memory_space<hbm>>
      %dma_wait3A_832 = tpu.memref_squeeze %dma_wait3A_831 : memref<1x128xf32, #tpu.memory_space<hbm>> -> memref<128xf32, #tpu.memory_space<hbm>>
      %dma_wait3A_833 = tpu.memref_slice %arg4[%arg0, %mul3A_142] : memref<2x2048xf32, #tpu.memory_space<hbm>> -> memref<1x128xf32, #tpu.memory_space<hbm>>
      %dma_wait3A_834 = tpu.memref_squeeze %dma_wait3A_833 : memref<1x128xf32, #tpu.memory_space<hbm>> -> memref<128xf32, #tpu.memory_space<hbm>>
      %dma_wait3A_835 = arith.constant 0 : i32
      %dma_wait3A_836 = tpu.memref_slice %arg10[%dma_wait3A_835] : memref<2048xf32, #tpu.memory_space<vmem>> -> memref<128xf32, #tpu.memory_space<vmem>>
      tpu.wait_dma2 semaphore(%run_scoped3A : memref<!tpu.dma_semaphore, #tpu.memory_space<semaphore_mem>>) src(%dma_wait3A_836 : memref<128xf32, #tpu.memory_space<vmem>>) dst(%dma_wait3A_834 : memref<128xf32, #tpu.memory_space<hbm>>)
      tpu.yield
    }) : () -> ()
    return
  }
}

module attributes {stable_mosaic.version = 14 : i64} {
  func.func @_finalize_body(%arg0: memref<2x2048xf32, #tpu.memory_space<vmem>>, %arg1: memref<1024xf32, #tpu.memory_space<vmem>>, %arg2: memref<1x1xf32, #tpu.memory_space<vmem>>) attributes {dimension_semantics = [], scalar_prefetch = 0 : i64, scratch_operands = 0 : i64, tpu.core_type = #tpu.core_type<tc>} {
    %get3A = arith.constant 0 : index
    %get3A_0 = arith.constant 0 : index
    %get3A_1 = vector.load %arg0[%get3A, %get3A_0] : memref<2x2048xf32, #tpu.memory_space<vmem>>, vector<2x2048xf32>
    %reshape3A = vector.shape_cast %get3A_1 : vector<2x2048xf32> to vector<2x2x8x128xf32>
    %slice3A = vector.extract_strided_slice %reshape3A {offsets = [0, 0, 0, 0], sizes = [1, 1, 8, 128], strides = [1, 1, 1, 1]} : vector<2x2x8x128xf32> to vector<1x1x8x128xf32>
    %squeeze3A = vector.shape_cast %slice3A : vector<1x1x8x128xf32> to vector<8x128xf32>
    %slice3A_2 = vector.extract_strided_slice %reshape3A {offsets = [1, 0, 0, 0], sizes = [1, 1, 8, 128], strides = [1, 1, 1, 1]} : vector<2x2x8x128xf32> to vector<1x1x8x128xf32>
    %squeeze3A_3 = vector.shape_cast %slice3A_2 : vector<1x1x8x128xf32> to vector<8x128xf32>
    %add3A = arith.addf %squeeze3A, %squeeze3A_3 : vector<8x128xf32>
    %slice3A_4 = vector.extract_strided_slice %reshape3A {offsets = [0, 1, 0, 0], sizes = [1, 1, 8, 128], strides = [1, 1, 1, 1]} : vector<2x2x8x128xf32> to vector<1x1x8x128xf32>
    %squeeze3A_5 = vector.shape_cast %slice3A_4 : vector<1x1x8x128xf32> to vector<8x128xf32>
    %slice3A_6 = vector.extract_strided_slice %reshape3A {offsets = [1, 1, 0, 0], sizes = [1, 1, 8, 128], strides = [1, 1, 1, 1]} : vector<2x2x8x128xf32> to vector<1x1x8x128xf32>
    %squeeze3A_7 = vector.shape_cast %slice3A_6 : vector<1x1x8x128xf32> to vector<8x128xf32>
    %add3A_8 = arith.addf %squeeze3A_5, %squeeze3A_7 : vector<8x128xf32>
    %iota3A = tpu.iota {dimensions = array<i32: 0>} : vector<8x128xi32>
    %mul3A = arith.constant 128 : i32
    %mul3A_9 = vector.broadcast %mul3A : i32 to vector<8x128xi32>
    %mul3A_10 = arith.muli %iota3A, %mul3A_9 : vector<8x128xi32>
    %iota3A_11 = tpu.iota {dimensions = array<i32: 1>} : vector<8x128xi32>
    %add3A_12 = arith.addi %mul3A_10, %iota3A_11 : vector<8x128xi32>
    %div3A = arith.divf %add3A, %add3A_8 : vector<8x128xf32>
    %get3A_13 = arith.constant 0 : index
    %get3A_14 = vector.load %arg1[%get3A_13] : memref<1024xf32, #tpu.memory_space<vmem>>, vector<1024xf32>
    %reshape3A_15 = vector.shape_cast %get3A_14 : vector<1024xf32> to vector<8x128xf32>
    %lt3A = arith.constant 1000 : i32
    %lt3A_16 = vector.broadcast %lt3A : i32 to vector<8x128xi32>
    %lt3A_17 = arith.cmpi slt, %add3A_12, %lt3A_16 : vector<8x128xi32>
    %sub3A = arith.subf %div3A, %reshape3A_15 : vector<8x128xf32>
    %jit3A = arith.constant 0.000000e+00 : f32
    %broadcast_in_dim3A = vector.broadcast %jit3A : f32 to vector<8x128xf32>
    %select_n3A = arith.select %lt3A_17, %sub3A, %broadcast_in_dim3A : vector<8x128xi1>, vector<8x128xf32>
    %mul3A_18 = arith.mulf %select_n3A, %select_n3A : vector<8x128xf32>
    %reduce_sum3A = vector.shape_cast %mul3A_18 : vector<8x128xf32> to vector<1x8x128xf32>
    %reduce_sum3A_19 = arith.constant dense<0.000000e+00> : vector<1xf32>
    %reduce_sum3A_20 = vector.multi_reduction <add>, %reduce_sum3A, %reduce_sum3A_19 [1, 2] : vector<1x8x128xf32> to vector<1xf32>
    %reduce_sum3A_21 = vector.shape_cast %reduce_sum3A_20 : vector<1xf32> to vector<1x1x1xf32>
    %reduce_sum3A_22 = vector.extract %reduce_sum3A_21[0, 0, 0] : f32 from vector<1x1x1xf32>
    %mul3A_23 = arith.constant 9.99999974E-6 : f32
    %mul3A_24 = arith.mulf %reduce_sum3A_22, %mul3A_23 : f32
    %broadcast_in_dim3A_25 = vector.broadcast %mul3A_24 : f32 to vector<1x1xf32>
    %swap3A = arith.constant 0 : index
    %swap3A_26 = arith.constant 0 : index
    %swap3A_27 = vector.load %arg2[%swap3A, %swap3A_26] : memref<1x1xf32, #tpu.memory_space<vmem>>, vector<1x1xf32>
    tpu.vector_store %arg2[%swap3A, %swap3A_26], %broadcast_in_dim3A_25 {strides = array<i32>} : memref<1x1xf32, #tpu.memory_space<vmem>>, vector<1x1xf32>,
    return
  }
}

</mosaic_0001>

<sc_bundles>
// kernel: kernel.4.cloned.1.call-start
scs
__scs_entry_jumppad:
0x0: {  	(pc) =	sbr.rel $0x88, $3  }
0x1: {  	(tag) =	ssettag $0x0;
	lr =	simm.s32 $0x1  }
0x2: {  	[smem:$0x3F9E] =	sst lr;
	_ =	strace $0xD0000000  }
0x3: {  	_ = 	snop  }
0x4: {  	_ = 	snop  }
0x5: {  	_ = 	snop  }
0x6: {  	_ = 	snop  }
0x7: {  	_ = 	snop  }
__scs_overlays_trampoline_lowered:
0x8: {  	[smem:$0x3FAD] =	sst s0  }
0x9: {  	[smem:$0x3FAE] =	sst s1  }
0xa: {  	[smem:$0x3FAF] =	sst s2  }
0xb: {  	[smem:$0x3FB0] =	sst s3  }
0xc: {  	[smem:$0x3FB1] =	sst s4  }
0xd: {  	[smem:$0x3FB2] =	sst s5  }
0xe: {  	[smem:$0x3FB3] =	sst s6  }
0xf: {  	[smem:$0x3FB4] =	sst s7  }
0x10: {  	[smem:$0x3FB5] =	sst s8  }
0x11: {  	[smem:$0x3FB6] =	sst s9;
	s0 =	simm.s32 @!p0 $0x0  }
0x12: {  	s1 =	sld [smem:$0x3F9C];
	s0 =	simm.s32 @p0 $0x1  }
0x13: {  	[smem:$0x3FB7] =	sst s0;
	s0 =	simm.s32 @!p1 $0x0  }
0x14: {  	s2 =	sld [smem:$0x3F9B];
	s0 =	simm.s32 @p1 $0x1  }
0x15: {  	[smem:$0x3FB8] =	sst s0;
	s0 =	simm.s32 @!p2 $0x0  }
0x16: {  	s3 =	sld [smem:$0x3FDB];
	s0 =	simm.s32 @p2 $0x1  }
0x17: {  	s4 =	simm.s32 $0x1BF5;
	[smem:$0x3FBA] =	sst s0  }
0x18: {  	s0 =	sld [smem:$0x3F9D];
	_ =	swait.ge [sflag:s4], $0x0  }
0x19: {  	s7 =	sld [smem:$0x3F9E]  }
0x1a: {  	s8 =	sadd.s32 $0xFFFFE003, lr  }
0x1b: {  	s9 =	sadd.s32 $0xFFFFFEF7, lr;
	s5 =	simm.s32 $0xFFFFFFFF;
	p2 =	slt.u32 s8, $0xFFFFF086  }
0x1c: {  	p1 =	slt.u32 s9, $0xF7A;
	s5 =	simm.s32 @!p2 $0x0  }
0x1d: {  	s5 =	simm.s32 @p1 $0x1;
	p0 =	seq.s32 s7, s2  }
0x1e: {  	s7 =	smul.u32 @!p0 $0xF7A, s2;
	p2 =	seq.s32 @!p0 s5, $0x0  }
0x1f: {  	s9 =	smul.u32 $0xF7A, s1;
	s8 =	simm.s32 @!p0 $0x1BF5;
	p2 =	por !p2, p0  }
0x20: {  	[sflag:s8] =	ssyncset.s32 @!p0 $0xFFFFF086;
	s6 =	sadd.s32 @!p0 s3, s7;
	s7 =	simm.s32 @!p0 $0x108  }
0x21: {  	s3 =	sadd.s32 s3, s9;
	s6 =	sadd.s32 @!p0 $0x88, s6;
	s7 =	simm.s32 @p2 $0x1082  }
0x22: {  	[simem:s7], [sflag:s8] =	dma.local @!p0 [hbm:s6], $0xF7A  }
0x23: {  	s9 =	sor.u32 $0xD0000000, s2;
	s6 =	simm.s32 $0x108;
	_ =	swait.ge @!p0 [sflag:s8], $0x0  }
0x24: {  	s3 =	sadd.s32 $0x88, s3;
	s6 =	simm.s32 @!p1 $0x1082;
	[sflag:s4] =	ssyncset.s32 $0xFFFFF086  }
0x25: {  	[simem:s6], [sflag:s4] =	dma.local [hbm:s3], $0xF7A  }
0x26: {  	[smem:$0x3F9E] =	sst s1;
	(tag) =	ssettag s2;
	_ =	strace s9  }
0x27: {  	s1 =	sld [smem:$0x3FAE]  }
0x28: {  	s2 =	sld [smem:$0x3FAF]  }
0x29: {  	s4 =	sld [smem:$0x3FB1]  }
0x2a: {  	p0 =	seq.s32 s5, $0x0;
	s5 =	sld [smem:$0x3FB2]  }
0x2b: {  	s6 =	sld [smem:$0x3FB3]  }
0x2c: {  	s7 =	sld [smem:$0x3FB4]  }
0x2d: {  	s3 =	simm.s32 $0x108;
	s8 =	sld [smem:$0x3FB5]  }
0x2e: {  	s3 =	simm.s32 @!p0 $0x1082;
	s9 =	sld [smem:$0x3FB6]  }
0x2f: {  	lr =	sadd.s32 s0, s3;
	s0 =	sld [smem:$0x3FAD]  }
0x30: {  	s3 =	sld [smem:$0x3FB0]  }
0x31: {  	[smem:$0x3FB9] =	sst s10  }
0x32: {  	s10 =	sld [smem:$0x3FB7];
	_ =	sdelay $0x3  }
0x33: {  	p0 =	seq.s32 s10, $0x1;
	s10 =	sld [smem:$0x3FB9];
	_ =	sdelay $0x3  }
0x34: {  	[smem:$0x3FB9] =	sst s10  }
0x35: {  	s10 =	sld [smem:$0x3FB8];
	_ =	sdelay $0x3  }
0x36: {  	p1 =	seq.s32 s10, $0x1;
	s10 =	sld [smem:$0x3FB9];
	_ =	sdelay $0x3  }
0x37: {  	[smem:$0x3FB9] =	sst s10  }
0x38: {  	s10 =	sld [smem:$0x3FBA]  }
0x39: {  	_ = 	snop;
	(pc) =	sbr.ind lr, $3  }
0x3a: {  	_ = 	snop  }
0x3b: {  	_ = 	snop  }
0x3c: {  	p2 =	seq.s32 s10, $0x1;
	s10 =	sld [smem:$0x3FB9]  }
0x3d: {  	_ =	shalt  }
0x3e: {  	_ =	shalt  }
0x3f: {  	_ =	shalt  }
0x40: {  	_ =	shalt  }
0x41: {  	_ =	shalt  }
0x42: {  	_ =	shalt  }
0x43: {  	_ =	shalt  }
0x44: {  	_ =	shalt  }
0x45: {  	_ =	shalt  }
0x46: {  	_ =	shalt  }
0x47: {  	_ =	shalt  }
0x48: {  	_ =	shalt  }
0x49: {  	_ =	shalt  }
0x4a: {  	_ =	shalt  }
0x4b: {  	_ =	shalt  }
0x4c: {  	_ =	shalt  }
0x4d: {  	_ =	shalt  }
0x4e: {  	_ =	shalt  }
0x4f: {  	_ =	shalt  }
0x50: {  	_ =	shalt  }
0x51: {  	_ =	shalt  }
0x52: {  	_ =	shalt  }
0x53: {  	_ =	shalt  }
0x54: {  	_ =	shalt  }
0x55: {  	_ =	shalt  }
0x56: {  	_ =	shalt  }
0x57: {  	_ =	shalt  }
0x58: {  	_ =	shalt  }
0x59: {  	_ =	shalt  }
0x5a: {  	_ =	shalt  }
0x5b: {  	_ =	shalt  }
0x5c: {  	_ =	shalt  }
0x5d: {  	_ =	shalt  }
0x5e: {  	_ =	shalt  }
0x5f: {  	_ =	shalt  }
0x60: {  	_ =	shalt  }
0x61: {  	_ =	shalt  }
0x62: {  	_ =	shalt  }
0x63: {  	_ =	shalt  }
0x64: {  	_ =	shalt  }
0x65: {  	_ =	shalt  }
0x66: {  	_ =	shalt  }
0x67: {  	_ =	shalt  }
0x68: {  	_ =	shalt  }
0x69: {  	_ =	shalt  }
0x6a: {  	_ =	shalt  }
0x6b: {  	_ =	shalt  }
0x6c: {  	_ =	shalt  }
0x6d: {  	_ =	shalt  }
0x6e: {  	_ =	shalt  }
0x6f: {  	_ =	shalt  }
0x70: {  	_ =	shalt  }
0x71: {  	_ =	shalt  }
0x72: {  	_ =	shalt  }
0x73: {  	_ =	shalt  }
0x74: {  	_ =	shalt  }
0x75: {  	_ =	shalt  }
0x76: {  	_ =	shalt  }
0x77: {  	_ =	shalt  }
0x78: {  	_ =	shalt  }
0x79: {  	_ =	shalt  }
0x7a: {  	_ =	shalt  }
0x7b: {  	_ =	shalt  }
0x7c: {  	_ =	shalt  }
0x7d: {  	_ =	shalt  }
0x7e: {  	_ =	shalt  }
0x7f: {  	_ =	shalt  }
0x80: {  	_ =	shalt  }
0x81: {  	_ =	shalt  }
0x82: {  	_ =	shalt  }
0x83: {  	_ =	shalt  }
0x84: {  	_ =	shalt  }
0x85: {  	_ =	shalt  }
0x86: {  	_ =	shalt  }
0x87: {  	_ =	shalt  }
.Lfunc_end0:
.L_simem_size_0:
called_computation_lowered:
.L_overlay_start_0:
0x88: {  	s2 =	sld [smem:$0x3FD9]  }
0x89: {  	s3 =	sld [smem:$0x3FFE];
	_ =	sdelay $0x1  }
0x8a: {  	s1 =	srdreg.scid  }
0x8b: {  	s0 =	sand.u32 $0x1, s1  }
0x8c: {  	s17 =	sshll.u32 s0, $0xA;
	s2 =	sadd.s32 s3, s2  }
0x8d: {  	s2 =	sadd.s32 s2, s17  }
0x8e: {  	[smem:$0x3FC5] =	sst s2  }
0x8f: {  	_ = 	snop  }
0x90: {  	s2 =	sld [smem:$0x3FC9]  }
0x91: {  	s18 =	sld [smem:$0x3FC8];
	(tm) =	ssettm $0x1  }
0x92: {  	s4 =	sld [smem:$0x3FFB];
	_ =	sdelay $0x3  }
0x93: {  	_ =	strace s4  }
0x94: {  	s4 =	sld [smem:$0x3FFC];
	_ =	sdelay $0x3  }
0x95: {  	_ =	strace s4  }
0x96: {  	s4 =	sld [smem:$0x3FFD];
	_ =	sdelay $0x3  }
0x97: {  	_ =	strace s4  }
0x98: {  	_ =	strace $0x8FFFFFFF  }
0x99: {  	s19 =	sld [smem:$0x3FDB];
	_ =	sdelay $0x1  }
0x9a: {  	s5 =	simm.s32 $_scs_section_size  }
0x9b: {  	s6 =	simm.s32 $_size__tile_overlayer_lowered;
	s7 =	simm.s32 $_tile_overlayer_lowered  }
0x9c: {  	s22 =	simm.s32 $0x1BFF;
	s21 =	sshll.u32 s7, $0x1;
	s4 =	sadd.s32 s5, s19  }
0x9d: {  	s8 =	simm.s32 $0x0;
	s20 =	sshll.u32 s6, $0x1;
	s6 =	sadd.s32 s21, s4  }
0x9e: {  	[timem:s8], [sflag:s22] =	dma.local [hbm:s6], s20  }
0x9f: {  	_ =	swait.ge [sflag:s22], s20  }
0xa0: {  	s5 =	ssub.s32 $0x0, s20;
	[sflag:s22] =	ssyncset.done $0x0  }
0xa1: {  	[sflag:s22] =	ssyncadd.s32 s5;
	_ =	sdelay $0x1  }
0xa2: {  	s23 =	simm.s32 $0x1B8B  }
0xa3: {  	_ =	swait.ge [sflag:s23], $0x1  }
0xa4: {  	[sflag:s23] =	ssyncset.done $0x0  }
0xa5: {  	s25 =	simm.s32 $0x1B8E;
	s24 =	sld [smem:$0x3FFE];
	[sflag:s23] =	ssyncadd.s32 $0xFFFFFFFF  }
0xa6: {  	s26 =	simm.s32 $execute0_lowered;
	[smem:$0x3FD2] =	sst s25  }
0xa7: {  	s6 =	sshll.u32 s26, $0x1;
	_ =	strace $0x80000046;
	[dreg:$0x1] =	wrdreg $0xFFFFFFFF  }
0xa8: {  	s28 =	simm.s32 $_size_execute0_lowered;
	s4 =	sadd.s32 s4, s6;
	[dreg:$0x0] =	wrdreg $0x0  }
0xa9: {  	s6 =	sshll.u32 s28, $0x1;
	[dreg:$0x2] =	wrdreg s4  }
0xaa: {  	[dreg:$0x3] =	wrdreg s6  }
0xab: {  	[dreg:$0x4] =	wrdreg $0xC0  }
0xac: {  	_ =	task [dreg:s8], $0x5FFFF  }
0xad: {  	[dreg:$0x1] =	wrdreg $0xFFFFFFFF  }
0xae: {  	[dreg:$0x0] =	wrdreg $0x60  }
0xaf: {  	[dreg:$0x2] =	wrdreg s2  }
0xb0: {  	[dreg:$0x3] =	wrdreg s18  }
0xb1: {  	[dreg:$0x4] =	wrdreg s24  }
0xb2: {  	[dreg:$0x5] =	wrdreg $0x18A000  }
0xb3: {  	[dreg:$0x6] =	wrdreg $0x9  }
0xb4: {  	_ =	task.clear_ibuf [dreg:s8], $0x7FFFF;
	_ =	strace $0x90000046  }
0xb5: {  	s29 =	simm.s32 $0x9;
	_ =	strace $0x80000048  }
0xb6: {  	_ =	swait.ge [sflag:s29], $0x1  }
0xb7: {  	[sflag:s29] =	ssyncadd.s32 $0xFFFFFFFF  }
0xb8: {  	_ =	strace $0x90000048  }
0xb9: {  	_ =	sfence  }
0xba: {  	s30 =	sld [smem:$0x0];
	_ =	sdelay $0x2  }
0xbb: {  	s31 =	sshll.u32 s1, $0xD;
	s1 =	sshrl.u32 s1, $0x2  }
0xbc: {  	s3 =	sand.u32 $0x4000, s31;
	s1 =	sadd.s32 s1, s30  }
0xbd: {  	s0 =	sor.u32 s3, s0;
	s1 =	sshll.u32 s1, $0x11  }
0xbe: {  	s0 =	sor.u32 s1, s0  }
0xbf: {  	s0 =	sadd.s32 $0x8F2B, s0  }
0xc0: {  	[sflag:s0] =	ssyncadd.remote.s32 $0x1  }
0xc1: {  	_ =	sfence.sel $0xFFFF  }
0xc2: {  	[dreg:$0x0] =	wrdreg $0xFFFFFFFF;
	(pc) =	sbr.abs _section_cstart, $3  }
0xc3: {  	[dreg:$0x1] =	wrdreg $0xFFFFFFFF  }
0xc4: {  	_ =	task.clear_ibuf [dreg:s8], $0x2FFFF;
	_ =	strace $0x9FFFFFFF  }
0xc5: {  	(tm) =	ssettm $0x7FFFFFFF  }
tec
execute0_lowered:
.L_overlay_start_1:
0x0: {  	(tag) =	ssettag $0x1  }
0x1: {  	s0 =	srdreg.scid  }
0x2: {  	s1 =	rddreg [dreg:$0x0];
	s0 =	sand.u32 $0x1, s0  }
0x3: {  	s8 =	stileid.u32;
	s3 =	rddreg [dreg:$0x1];
	s2 =	sshll.u32 s0, $0x4  }
0x4: {  	s5 =	rddreg [dreg:$0x2];
	s4 =	sor.u32 s8, s2  }
0x5: {  	s6 =	rddreg [dreg:$0x3];
	s22 =	sshll.u32 s8, $0xB;
	s4 =	smul.u32 $0x30D40, s4  }
0x6: {  	s23 =	sshll.u32 s8, $0x7;
	s24 =	sshll.u32 s8, $0x5;
	s0 =	ssub.s32 $0x2, s0  }
0x7: {  	s2 =	sadd.s32 s2, s5;
	s25 =	sshrl.u32 s0, $0x1;
	s4 =	sshrl.u32 s4, $0x3  }
0x8: {  	s0 =	ssub.s32 s0, s25;
	s25 =	sshll.u32 s8, $0xA;
	s26 =	sadd.s32 s1, s4  }
0x9: {  	s28 =	sadd.s32 $0x9C4, s4;
	s7 =	sadd.s32 s3, s4;
	[dreg:$0x5] =	wrdreg s26  }
0xa: {  	s0 =	smax.u32 s0, $0x1;
	[dreg:$0x6] =	wrdreg s7;
	s29 =	sadd.s32 s1, s28  }
0xb: {  	s30 =	sadd.s32 $0x1388, s4;
	s5 =	sadd.s32 s3, s28;
	[dreg:$0x7] =	wrdreg s29  }
0xc: {  	s9 =	sadd.s32 $0x1D4C, s4;
	s31 =	sadd.s32 s1, s30;
	[dreg:$0x8] =	wrdreg s5  }
0xd: {  	s11 =	sadd.s32 $0x2710, s4;
	s7 =	sadd.s32 s3, s30;
	[dreg:$0x9] =	wrdreg s31  }
0xe: {  	s13 =	sadd.s32 $0x30D4, s4;
	s10 =	sadd.s32 s1, s9;
	[dreg:$0xa] =	wrdreg s7  }
0xf: {  	s15 =	sadd.s32 $0x3A98, s4;
	s12 =	sadd.s32 s1, s11;
	[dreg:$0xb] =	wrdreg s10  }
0x10: {  	s17 =	sadd.s32 $0x445C, s4;
	s14 =	sadd.s32 s1, s13;
	[dreg:$0xd] =	wrdreg s12  }
0x11: {  	s19 =	sadd.s32 $0x4E20, s4;
	s16 =	sadd.s32 s1, s15;
	[dreg:$0xf] =	wrdreg s14  }
0x12: {  	s4 =	sadd.s32 $0x57E4, s4;
	s18 =	sadd.s32 s1, s17;
	[dreg:$0x11] =	wrdreg s16  }
0x13: {  	s20 =	sadd.s32 s1, s19;
	s21 =	sadd.s32 s3, s19;
	[dreg:$0x13] =	wrdreg s18  }
0x14: {  	s1 =	sadd.s32 s1, s4;
	s19 =	simm.s32 $0x5;
	[dreg:$0x15] =	wrdreg s20  }
0x15: {  	s5 =	sadd.s32 s3, s9;
	s7 =	sadd.s32 s3, s11;
	[dreg:$0x16] =	wrdreg s21  }
0x16: {  	[dreg:$0x17] =	wrdreg s1;
	s1 =	sand.u32 $0x4000, s22;
	s22 =	simm.s32 $0x0  }
0x17: {  	s10 =	simm.s32 $0x9D00;
	s11 =	simm.s32 $0x1;
	s12 =	simm.s32 $0x3  }
0x18: {  	s14 =	simm.s32 $0xEB80;
	s16 =	simm.s32 $0x2;
	[dreg:$0xc] =	wrdreg s5  }
0x19: {  	s18 =	simm.s32 $0x17A00;
	s20 =	simm.s32 $0x0;
	[dreg:$0xe] =	wrdreg s7  }
0x1a: {  	s5 =	sadd.s32 s3, s13;
	s7 =	sadd.s32 s3, s15;
	[smem:$0x7FF] =	sst s22  }
0x1b: {  	s1 =	sadd.s32 s1, s6;
	s13 =	simm.s32 $0x4E80;
	[dreg:$0x10] =	wrdreg s5  }
0x1c: {  	[dreg:$0x12] =	wrdreg s7;
	s5 =	sadd.s32 s3, s17;
	s3 =	sadd.s32 s3, s4  }
0x1d: {  	s15 =	simm.s32 $0x13A00;
	[dreg:$0x18] =	wrdreg s3;
	s3 =	sand.u32 $0x380, s23  }
0x1e: {  	s17 =	simm.s32 $0x4;
	[dreg:$0x14] =	wrdreg s5;
	s1 =	sadd.s32 s3, s1  }
0x1f: {  	[dreg:$0x19] =	wrdreg s1;
	s1 =	sadd.s32 s24, s2;
	s24 =	sadd.s32 s25, s6  }
0x20: {  	_ =	strace $0x80000047;
	s1 =	sadd.s32 $0x800, s1;
	[dreg:$0x1b] =	wrdreg s0  }
0x21: {  	s26 =	sadd.s32 $0x80, s24;
	s28 =	sadd.s32 $0x100, s24;
	s29 =	sadd.s32 $0x180, s24  }
0x22: {  	s30 =	sadd.s32 $0x200, s24;
	s31 =	sadd.s32 $0x280, s24;
	[dreg:$0x1a] =	wrdreg s1  }
0x23: {  	vm0 =	vcmask $0x3F3C;
	s0 =	sadd.s32 $0x300, s24;
	s2 =	sadd.s32 $0x4000, s24;
	[dreg:$0x1c] =	wrdreg s26  }
0x24: {  	s3 =	sadd.s32 $0x4080, s24;
	s4 =	sadd.s32 $0x4100, s24;
	[dreg:$0x1d] =	wrdreg s28  }
0x25: {  	s5 =	sadd.s32 $0x4180, s24;
	s6 =	sadd.s32 $0x4200, s24;
	[dreg:$0x1e] =	wrdreg s29  }
0x26: {  	s7 =	sadd.s32 $0x4280, s24;
	s8 =	sadd.s32 $0x4300, s24;
	[dreg:$0x1f] =	wrdreg s30  }
0x27: {  	v0 =	vimm.f32 $0.0e+00;
	v1 =	vlaneseq.u32;
	s9 =	sadd.s32 $0x4380, s24;
	[smem:$0x7FD] =	sst s31;
	s1 =	sadd.s32 $0x380, s24  }
.LBB2_1:
0x28: {  	s21 =	rddreg [dreg:$0x5]  }
0x29: {  	[tilespmem:s22], [sflag:$0x1] =	stream.linear.gather [hbm4b:s21+s22], $0x4E20, $0x38;
	[tilespmem:$0x19200] =	vst v63  }
0x2a: {  	s31 =	rddreg [dreg:$0x6];
	s23 =	simm.s32 $0x13A40  }
0x2b: {  	[tilespmem:s10], [sflag:$0x3] =	stream.linear.gather [hbm4b:s31+s22], $0x4E20, $0x38;
	[tilespmem:$0x19200] =	vst v63  }
0x2c: {  	[tilespmem:s23+$0xFFFFFFC0] =	vst v0  }
0x2d: {  	[tilespmem:s23+$0x30] =	vst v0  }
0x2e: {  	[tilespmem:s23+$0x20] =	vst v0  }
0x2f: {  	[tilespmem:s23+$0x10] =	vst v0  }
0x30: {  	[tilespmem:s23+$0x0] =	vst v0  }
0x31: {  	[tilespmem:s23+$0xFFFFFFF0] =	vst v0  }
0x32: {  	s25 =	simm.s32 $0x0;
	[tilespmem:s23+$0xFFFFFFE0] =	vst v0  }
.LBB2_2:
0x33: {  	s25 =	sadd.s32 $0x8, s25;
	[tilespmem:s23+$0xFFFFFFD0] =	vst v0;
	s23 =	sadd.s32 $0x80, s23  }
0x34: {  	[tilespmem:s23+$0xFFFFFFC0] =	vst v0;
	p0 =	slt.u32 s25, $0x3F8  }
0x35: {  	[tilespmem:s23+$0x30] =	vst v0  }
.Ltmp0:
0x36: {  	[tilespmem:s23+$0x20] =	vst v0;
	(pc) =	sbr.rel @p0 .LBB2_2-.Ltmp0, $4  }
0x37: {  	[tilespmem:s23+$0x10] =	vst v0  }
0x38: {  	[tilespmem:s23+$0x0] =	vst v0  }
0x39: {  	[tilespmem:s23+$0xFFFFFFF0] =	vst v0  }
0x3a: {  	[tilespmem:s23+$0xFFFFFFE0] =	vst v0  }
0x3b: {  	[tilespmem:s23+$0xFFFFFFD0] =	vst v0  }
0x3c: {  	_ =	swait.ge [sflag:s11], $0x4E20  }
0x3d: {  	[sflag:s11] =	ssyncset.done $0x0  }
0x3e: {  	[sflag:s11] =	ssyncadd.s32 $0xFFFFB1E0  }
0x3f: {  	_ =	swait.ge [sflag:s12], $0x4E20  }
0x40: {  	[sflag:s12] =	ssyncset.done $0x0  }
0x41: {  	s21 =	rddreg [dreg:$0x7];
	[sflag:s12] =	ssyncadd.s32 $0xFFFFB1E0  }
0x42: {  	[tilespmem:s13], [sflag:$0x2] =	stream.linear.gather [hbm4b:s21+s22], $0x4E20, $0x38;
	[tilespmem:$0x19200] =	vst v63  }
0x43: {  	s25 =	simm.s32 $0x9D80;
	s31 =	rddreg [dreg:$0x8]  }
0x44: {  	[tilespmem:s14], [sflag:$0x4] =	stream.linear.gather [hbm4b:s31+s22], $0x4E20, $0x38;
	[tilespmem:$0x19200] =	vst v63  }
0x45: {  	v2 =	vld [tilespmem:s25+$0x70]  }
0x46: {  	v3 =	vld [tilespmem:s25+$0xFFFFFF90]  }
0x47: {  	v4 =	vld [tilespmem:s25+$0xFFFFFFA0]  }
0x48: {  	s23 =	simm.s32 $0x80;
	v5 =	vld [tilespmem:s25+$0xFFFFFFB0]  }
0x49: {  	v6 =	vld [tilespmem:s23+$0x70]  }
0x4a: {  	v7 =	vld [tilespmem:s25+$0xFFFFFFC0]  }
0x4b: {  	v8 =	vld [tilespmem:s25+$0xFFFFFFD0]  }
0x4c: {  	v9 =	vld [tilespmem:s25+$0xFFFFFFE0]  }
0x4d: {  	v10 =	vld [tilespmem:s25+$0xFFFFFFF0]  }
0x4e: {  	v11 =	vld [tilespmem:s25+$0x0]  }
0x4f: {  	v12 =	vld [tilespmem:s25+$0x10]  }
0x50: {  	v44 =	vld [tilespmem:s25+$0x30]  }
0x51: {  	v13 =	vld [tilespmem:s25+$0x40]  }
0x52: {  	v14 =	vld [tilespmem:s25+$0x50]  }
0x53: {  	v15 =	vld [tilespmem:s25+$0x60]  }
0x54: {  	v16 =	vld [tilespmem:s25+$0xFFFFFF80]  }
0x55: {  	v17 =	vld [tilespmem:s23+$0xFFFFFF80]  }
0x56: {  	v18 =	vld [tilespmem:s23+$0xFFFFFF90]  }
0x57: {  	v19 =	vld [tilespmem:s23+$0xFFFFFFA0]  }
0x58: {  	v20 =	vld [tilespmem:s23+$0xFFFFFFB0]  }
0x59: {  	v21 =	vld [tilespmem:s23+$0xFFFFFFC0]  }
0x5a: {  	v22 =	vld [tilespmem:s23+$0xFFFFFFD0]  }
0x5b: {  	v23 =	vld [tilespmem:s23+$0xFFFFFFE0]  }
0x5c: {  	v24 =	vld [tilespmem:s23+$0xFFFFFFF0]  }
0x5d: {  	v25 =	vld [tilespmem:s23+$0x0]  }
0x5e: {  	v26 =	vld [tilespmem:s23+$0x10];
	v2 =	vshll.u32 v2, $0x4  }
0x5f: {  	v27 =	vld [tilespmem:s23+$0x20];
	v2 =	vor.u32 v1, v2  }
0x60: {  	v28 =	vld [tilespmem:s23+$0x30];
	v16 =	vshll.u32 v16, $0x4  }
0x61: {  	v29 =	vld [tilespmem:s23+$0x40];
	v3 =	vshll.u32 v3, $0x4;
	v16 =	vor.u32 v1, v16  }
0x62: {  	v30 =	vld [tilespmem:s23+$0x50];
	v6 =	vadd.f32 $4.096000000e+03, v6;
	v4 =	vshll.u32 v4, $0x4;
	v3 =	vor.u32 v1, v3  }
0x63: {  	v31 =	vld [tilespmem:s23+$0x60];
	v5 =	vshll.u32 v5, $0x4;
	v4 =	vor.u32 v1, v4  }
0x64: {  	v7 =	vshll.u32 v7, $0x4;
	v17 =	vadd.f32 $4.096000000e+03, v17;
	v5 =	vor.u32 v1, v5;
	[tilespmem:v2+s15+$0x0] =	vst.idx.add.f32.msk $0xffff, v6  }
0x65: {  	v8 =	vshll.u32 v8, $0x4;
	v18 =	vadd.f32 $4.096000000e+03, v18;
	v7 =	vor.u32 v1, v7;
	v2 =	vld [tilespmem:s25+$0x20]  }
0x66: {  	v9 =	vshll.u32 v9, $0x4;
	v19 =	vadd.f32 $4.096000000e+03, v19;
	v8 =	vor.u32 v1, v8;
	[tilespmem:v16+s15+$0x0] =	vst.idx.add.f32.msk $0xffff, v17  }
0x67: {  	v45 =	vadd.f32 $4.096000000e+03, v20;
	v46 =	vshll.u32 v11, $0x4;
	v9 =	vor.u32 v1, v9;
	[tilespmem:v3+s15+$0x0] =	vst.idx.add.f32.msk $0xffff, v18  }
0x68: {  	v47 =	vadd.f32 $4.096000000e+03, v21;
	v49 =	vshll.u32 v12, $0x4;
	v48 =	vor.u32 v1, v46;
	[tilespmem:v4+s15+$0x0] =	vst.idx.add.f32.msk $0xffff, v19  }
0x69: {  	v10 =	vshll.u32 v10, $0x4;
	v50 =	vadd.f32 $4.096000000e+03, v22;
	v51 =	vor.u32 v1, v49;
	[tilespmem:v5+s15+$0x0] =	vst.idx.add.f32.msk $0xffff, v45  }
0x6a: {  	v52 =	vadd.f32 $4.096000000e+03, v23;
	v58 =	vshll.u32 v15, $0x4;
	v3 =	vor.u32 v1, v10;
	[tilespmem:v7+s15+$0x0] =	vst.idx.add.f32.msk $0xffff, v47  }
0x6b: {  	v54 =	vshll.u32 v13, $0x4;
	v55 =	vadd.f32 $4.096000000e+03, v25;
	v60 =	vor.u32 v1, v58;
	[tilespmem:v8+s15+$0x0] =	vst.idx.add.f32.msk $0xffff, v50  }
0x6c: {  	v57 =	vadd.f32 $4.096000000e+03, v26;
	[tilespmem:v9+s15+$0x0] =	vst.idx.add.f32.msk $0xffff, v52;
	v8 =	vor.u32 v1, v54;
	v2 =	vshll.u32 v2, $0x4  }
0x6d: {  	v53 =	vadd.f32 $4.096000000e+03, v24;
	v6 =	vshll.u32 v44, $0x4;
	[tilespmem:v48+s15+$0x0] =	vst.idx.add.f32.msk $0xffff, v55;
	v2 =	vor.u32 v1, v2  }
0x6e: {  	v56 =	vshll.u32 v14, $0x4;
	v63 =	vadd.f32 $4.096000000e+03, v31;
	[tilespmem:v51+s15+$0x0] =	vst.idx.add.f32.msk $0xffff, v57;
	v6 =	vor.u32 v1, v6  }
0x6f: {  	v62 =	vadd.f32 $4.096000000e+03, v29;
	[tilespmem:v3+s15+$0x0] =	vst.idx.add.f32.msk $0xffff, v53;
	v3 =	vor.u32 v1, v56  }
0x70: {  	v59 =	vadd.f32 $4.096000000e+03, v27;
	[tilespmem:v60+s15+$0x0] =	vst.idx.add.f32.msk $0xffff, v63  }
0x71: {  	v61 =	vadd.f32 $4.096000000e+03, v28;
	[tilespmem:v8+s15+$0x0] =	vst.idx.add.f32.msk $0xffff, v62  }
0x72: {  	[tilespmem:v2+s15+$0x0] =	vst.idx.add.f32.msk $0xffff, v59;
	v2 =	vadd.f32 $4.096000000e+03, v30  }
0x73: {  	[tilespmem:v6+s15+$0x0] =	vst.idx.add.f32.msk $0xffff, v61  }
0x74: {  	s26 =	simm.s32 $0x9E80;
	s25 =	simm.s32 $0x0;
	[tilespmem:v3+s15+$0x0] =	vst.idx.add.f32.msk $0xffff, v2  }
.LBB2_4:
0x75: {  	v2 =	vld [tilespmem:s26+$0x70];
	s25 =	sadd.s32 $0x10, s25  }
0x76: {  	v3 =	vld [tilespmem:s26+$0xFFFFFF90];
	p0 =	slt.u32 s25, $0x4D0  }
0x77: {  	v4 =	vld [tilespmem:s26+$0xFFFFFFA0]  }
0x78: {  	s23 =	sadd.s32 $0x100, s23;
	v5 =	vld [tilespmem:s26+$0xFFFFFFB0]  }
0x79: {  	v6 =	vld [tilespmem:s23+$0x70]  }
0x7a: {  	v7 =	vld [tilespmem:s26+$0xFFFFFFC0];
	v2 =	vshll.u32 v2, $0x4  }
0x7b: {  	v3 =	vshll.u32 v3, $0x4;
	v8 =	vld [tilespmem:s26+$0xFFFFFFD0];
	v2 =	vor.u32 v1, v2  }
0x7c: {  	v3 =	vor.u32 v1, v3;
	v4 =	vshll.u32 v4, $0x4;
	v9 =	vld [tilespmem:s26+$0xFFFFFFE0]  }
0x7d: {  	v4 =	vor.u32 v1, v4;
	v5 =	vshll.u32 v5, $0x4;
	v10 =	vld [tilespmem:s26+$0xFFFFFFF0]  }
0x7e: {  	v5 =	vor.u32 v1, v5;
	v11 =	vld [tilespmem:s26+$0x0];
	v6 =	vadd.f32 $4.096000000e+03, v6  }
0x7f: {  	v7 =	vshll.u32 v7, $0x4;
	v12 =	vld [tilespmem:s26+$0x10]  }
0x80: {  	s28 =	simm.s32 $0x0;
	v7 =	vor.u32 v1, v7;
	v8 =	vshll.u32 v8, $0x4;
	[tilespmem:v2+s15+$0x0] =	vst.idx.add.f32.msk $0xffff, v6  }
0x81: {  	v2 =	vor.u32 v1, v8;
	v6 =	vshll.u32 v9, $0x4;
	v8 =	vld [tilespmem:s26+$0x20]  }
0x82: {  	v6 =	vor.u32 v1, v6;
	v9 =	vshll.u32 v10, $0x4;
	v10 =	vld [tilespmem:s26+$0x30]  }
0x83: {  	v9 =	vor.u32 v1, v9;
	v11 =	vshll.u32 v11, $0x4;
	v13 =	vld [tilespmem:s26+$0x40]  }
0x84: {  	v11 =	vor.u32 v1, v11;
	v12 =	vshll.u32 v12, $0x4;
	v14 =	vld [tilespmem:s26+$0x50]  }
0x85: {  	v12 =	vor.u32 v1, v12;
	v15 =	vld [tilespmem:s26+$0x60]  }
0x86: {  	v16 =	vld [tilespmem:s26+$0xFFFFFF80];
	v8 =	vshll.u32 v8, $0x4  }
0x87: {  	v17 =	vld [tilespmem:s23+$0xFFFFFF80];
	v8 =	vor.u32 v1, v8;
	v10 =	vshll.u32 v10, $0x4  }
0x88: {  	v18 =	vld [tilespmem:s23+$0xFFFFFF90];
	v10 =	vor.u32 v1, v10;
	v13 =	vshll.u32 v13, $0x4  }
0x89: {  	v19 =	vld [tilespmem:s23+$0xFFFFFFA0];
	v13 =	vor.u32 v1, v13;
	v14 =	vshll.u32 v14, $0x4  }
0x8a: {  	v20 =	vld [tilespmem:s23+$0xFFFFFFB0];
	v14 =	vor.u32 v1, v14;
	v15 =	vshll.u32 v15, $0x4  }
0x8b: {  	v16 =	vshll.u32 v16, $0x4;
	v21 =	vld [tilespmem:s23+$0xFFFFFFC0];
	v15 =	vor.u32 v1, v15  }
0x8c: {  	v17 =	vadd.f32 $4.096000000e+03, v17;
	v16 =	vor.u32 v1, v16;
	v22 =	vld [tilespmem:s23+$0xFFFFFFD0]  }
0x8d: {  	v18 =	vadd.f32 $4.096000000e+03, v18;
	v23 =	vld [tilespmem:s23+$0xFFFFFFE0]  }
0x8e: {  	v19 =	vadd.f32 $4.096000000e+03, v19;
	v24 =	vld [tilespmem:s23+$0xFFFFFFF0]  }
0x8f: {  	v20 =	vadd.f32 $4.096000000e+03, v20;
	v25 =	vld [tilespmem:s23+$0x0]  }
0x90: {  	v21 =	vadd.f32 $4.096000000e+03, v21;
	v26 =	vld [tilespmem:s23+$0x10]  }
0x91: {  	v22 =	vadd.f32 $4.096000000e+03, v22;
	v27 =	vld [tilespmem:s23+$0x20]  }
0x92: {  	v23 =	vadd.f32 $4.096000000e+03, v23;
	v28 =	vld [tilespmem:s23+$0x30]  }
0x93: {  	v24 =	vadd.f32 $4.096000000e+03, v24;
	v29 =	vld [tilespmem:s23+$0x40]  }
0x94: {  	v25 =	vadd.f32 $4.096000000e+03, v25;
	v30 =	vld [tilespmem:s23+$0x50]  }
0x95: {  	v26 =	vadd.f32 $4.096000000e+03, v26;
	v31 =	vld [tilespmem:s23+$0x60]  }
0x96: {  	[tilespmem:v16+s15+$0x0] =	vst.idx.add.f32.msk $0xffff, v17;
	v16 =	vadd.f32 $4.096000000e+03, v27  }
0x97: {  	[tilespmem:v3+s15+$0x0] =	vst.idx.add.f32.msk $0xffff, v18;
	v3 =	vadd.f32 $4.096000000e+03, v28  }
0x98: {  	[tilespmem:v4+s15+$0x0] =	vst.idx.add.f32.msk $0xffff, v19;
	v4 =	vadd.f32 $4.096000000e+03, v29  }
0x99: {  	[tilespmem:v5+s15+$0x0] =	vst.idx.add.f32.msk $0xffff, v20;
	v5 =	vadd.f32 $4.096000000e+03, v30  }
0x9a: {  	[tilespmem:v7+s15+$0x0] =	vst.idx.add.f32.msk $0xffff, v21;
	v7 =	vadd.f32 $4.096000000e+03, v31  }
0x9b: {  	[tilespmem:v2+s15+$0x0] =	vst.idx.add.f32.msk $0xffff, v22  }
0x9c: {  	[tilespmem:v6+s15+$0x0] =	vst.idx.add.f32.msk $0xffff, v23  }
0x9d: {  	[tilespmem:v9+s15+$0x0] =	vst.idx.add.f32.msk $0xffff, v24  }
0x9e: {  	[tilespmem:v11+s15+$0x0] =	vst.idx.add.f32.msk $0xffff, v25  }
0x9f: {  	[tilespmem:v12+s15+$0x0] =	vst.idx.add.f32.msk $0xffff, v26  }
.Ltmp1:
0xa0: {  	[tilespmem:v8+s15+$0x0] =	vst.idx.add.f32.msk $0xffff, v16;
	(pc) =	sbr.rel @p0 .LBB2_4-.Ltmp1, $4  }
0xa1: {  	[tilespmem:v10+s15+$0x0] =	vst.idx.add.f32.msk $0xffff, v3  }
0xa2: {  	[tilespmem:v13+s15+$0x0] =	vst.idx.add.f32.msk $0xffff, v4  }
0xa3: {  	[tilespmem:v14+s15+$0x0] =	vst.idx.add.f32.msk $0xffff, v5  }
0xa4: {  	s26 =	sadd.s32 $0x100, s26;
	[tilespmem:v15+s15+$0x0] =	vst.idx.add.f32.msk $0xffff, v7  }
.LBB2_5:
0xa5: {  	s23 =	sshra.s32 s28, $0x2  }
0xa6: {  	v2 =	vld [tilespmem:s23+$0xEB00];
	_ =	sdelay $0x3  }
0xa7: {  	v3 =	vld [tilespmem:s23+$0x4E00]  }
0xa8: {  	v2 =	vshll.u32 v2, $0x4  }
0xa9: {  	p0 =	sne.s32 s28, $0x40;
	v2 =	vor.u32 v1, v2  }
.Ltmp2:
0xaa: {  	_ = 	snop;
	(pc) =	sbr.rel @p0 .LBB2_5-.Ltmp2, $3  }
0xab: {  	_ = 	snop  }
0xac: {  	v3 =	vadd.f32 $4.096000000e+03, v3;
	_ =	sdelay $0x1  }
0xad: {  	s28 =	sadd.s32 $0x40, s28;
	[tilespmem:v2+s15+$0x0] =	vst.idx.add.f32.msk $0xffff, v3  }
0xae: {  	_ =	swait.ge [sflag:s16], $0x4E20  }
0xaf: {  	[sflag:s16] =	ssyncset.done $0x0  }
0xb0: {  	[sflag:s16] =	ssyncadd.s32 $0xFFFFB1E0  }
0xb1: {  	_ =	swait.ge [sflag:s17], $0x4E20  }
0xb2: {  	[sflag:s17] =	ssyncset.done $0x0  }
0xb3: {  	s21 =	rddreg [dreg:$0x9];
	[sflag:s17] =	ssyncadd.s32 $0xFFFFB1E0  }
0xb4: {  	[tilespmem:s22], [sflag:$0x1] =	stream.linear.gather [hbm4b:s21+s22], $0x4E20, $0x38;
	[tilespmem:$0x19200] =	vst v63  }
0xb5: {  	s25 =	simm.s32 $0xEC00;
	s31 =	rddreg [dreg:$0xa]  }
0xb6: {  	[tilespmem:s10], [sflag:$0x3] =	stream.linear.gather [hbm4b:s31+s22], $0x4E20, $0x38;
	[tilespmem:$0x19200] =	vst v63  }
0xb7: {  	v2 =	vld [tilespmem:s25+$0x70]  }
0xb8: {  	v3 =	vld [tilespmem:s25+$0xFFFFFF90]  }
0xb9: {  	v4 =	vld [tilespmem:s25+$0xFFFFFFA0]  }
0xba: {  	s23 =	simm.s32 $0x4F00;
	v5 =	vld [tilespmem:s25+$0xFFFFFFB0]  }
0xbb: {  	v6 =	vld [tilespmem:s23+$0x70]  }
0xbc: {  	v7 =	vld [tilespmem:s25+$0xFFFFFFC0]  }
0xbd: {  	v8 =	vld [tilespmem:s25+$0xFFFFFFD0]  }
0xbe: {  	v9 =	vld [tilespmem:s25+$0xFFFFFFE0]  }
0xbf: {  	v10 =	vld [tilespmem:s25+$0xFFFFFFF0]  }
0xc0: {  	v11 =	vld [tilespmem:s25+$0x0]  }
0xc1: {  	v12 =	vld [tilespmem:s25+$0x10]  }
0xc2: {  	v44 =	vld [tilespmem:s25+$0x30]  }
0xc3: {  	v13 =	vld [tilespmem:s25+$0x40]  }
0xc4: {  	v14 =	vld [tilespmem:s25+$0x50]  }
0xc5: {  	v15 =	vld [tilespmem:s25+$0x60]  }
0xc6: {  	v16 =	vld [tilespmem:s25+$0xFFFFFF80]  }
0xc7: {  	v17 =	vld [tilespmem:s23+$0xFFFFFF80]  }
0xc8: {  	v18 =	vld [tilespmem:s23+$0xFFFFFF90]  }
0xc9: {  	v19 =	vld [tilespmem:s23+$0xFFFFFFA0]  }
0xca: {  	v20 =	vld [tilespmem:s23+$0xFFFFFFB0]  }
0xcb: {  	v21 =	vld [tilespmem:s23+$0xFFFFFFC0]  }
0xcc: {  	v22 =	vld [tilespmem:s23+$0xFFFFFFD0]  }
0xcd: {  	v23 =	vld [tilespmem:s23+$0xFFFFFFE0]  }
0xce: {  	v24 =	vld [tilespmem:s23+$0xFFFFFFF0]  }
0xcf: {  	v25 =	vld [tilespmem:s23+$0x0]  }
0xd0: {  	v26 =	vld [tilespmem:s23+$0x10];
	v2 =	vshll.u32 v2, $0x4  }
0xd1: {  	v27 =	vld [tilespmem:s23+$0x20];
	v2 =	vor.u32 v1, v2  }
0xd2: {  	v28 =	vld [tilespmem:s23+$0x30];
	v16 =	vshll.u32 v16, $0x4  }
0xd3: {  	v29 =	vld [tilespmem:s23+$0x40];
	v3 =	vshll.u32 v3, $0x4;
	v16 =	vor.u32 v1, v16  }
0xd4: {  	v30 =	vld [tilespmem:s23+$0x50];
	v6 =	vadd.f32 $4.096000000e+03, v6;
	v4 =	vshll.u32 v4, $0x4;
	v3 =	vor.u32 v1, v3  }
0xd5: {  	v31 =	vld [tilespmem:s23+$0x60];
	v5 =	vshll.u32 v5, $0x4;
	v4 =	vor.u32 v1, v4  }
0xd6: {  	v7 =	vshll.u32 v7, $0x4;
	v17 =	vadd.f32 $4.096000000e+03, v17;
	v5 =	vor.u32 v1, v5;
	[tilespmem:v2+s15+$0x0] =	vst.idx.add.f32.msk $0xffff, v6  }
0xd7: {  	v8 =	vshll.u32 v8, $0x4;
	v18 =	vadd.f32 $4.096000000e+03, v18;
	v7 =	vor.u32 v1, v7;
	v2 =	vld [tilespmem:s25+$0x20]  }
0xd8: {  	v9 =	vshll.u32 v9, $0x4;
	v19 =	vadd.f32 $4.096000000e+03, v19;
	v8 =	vor.u32 v1, v8;
	[tilespmem:v16+s15+$0x0] =	vst.idx.add.f32.msk $0xffff, v17  }
0xd9: {  	v45 =	vadd.f32 $4.096000000e+03, v20;
	v46 =	vshll.u32 v11, $0x4;
	v9 =	vor.u32 v1, v9;
	[tilespmem:v3+s15+$0x0] =	vst.idx.add.f32.msk $0xffff, v18  }
0xda: {  	v47 =	vadd.f32 $4.096000000e+03, v21;
	v49 =	vshll.u32 v12, $0x4;
	v48 =	vor.u32 v1, v46;
	[tilespmem:v4+s15+$0x0] =	vst.idx.add.f32.msk $0xffff, v19  }
0xdb: {  	v10 =	vshll.u32 v10, $0x4;
	v50 =	vadd.f32 $4.096000000e+03, v22;
	v51 =	vor.u32 v1, v49;
	[tilespmem:v5+s15+$0x0] =	vst.idx.add.f32.msk $0xffff, v45  }
0xdc: {  	v52 =	vadd.f32 $4.096000000e+03, v23;
	v58 =	vshll.u32 v15, $0x4;
	v3 =	vor.u32 v1, v10;
	[tilespmem:v7+s15+$0x0] =	vst.idx.add.f32.msk $0xffff, v47  }
0xdd: {  	v54 =	vshll.u32 v13, $0x4;
	v55 =	vadd.f32 $4.096000000e+03, v25;
	v60 =	vor.u32 v1, v58;
	[tilespmem:v8+s15+$0x0] =	vst.idx.add.f32.msk $0xffff, v50  }
0xde: {  	v57 =	vadd.f32 $4.096000000e+03, v26;
	[tilespmem:v9+s15+$0x0] =	vst.idx.add.f32.msk $0xffff, v52;
	v8 =	vor.u32 v1, v54;
	v2 =	vshll.u32 v2, $0x4  }
0xdf: {  	v53 =	vadd.f32 $4.096000000e+03, v24;
	v6 =	vshll.u32 v44, $0x4;
	[tilespmem:v48+s15+$0x0] =	vst.idx.add.f32.msk $0xffff, v55;
	v2 =	vor.u32 v1, v2  }
0xe0: {  	v56 =	vshll.u32 v14, $0x4;
	v63 =	vadd.f32 $4.096000000e+03, v31;
	[tilespmem:v51+s15+$0x0] =	vst.idx.add.f32.msk $0xffff, v57;
	v6 =	vor.u32 v1, v6  }
0xe1: {  	v62 =	vadd.f32 $4.096000000e+03, v29;
	[tilespmem:v3+s15+$0x0] =	vst.idx.add.f32.msk $0xffff, v53;
	v3 =	vor.u32 v1, v56  }
0xe2: {  	v59 =	vadd.f32 $4.096000000e+03, v27;
	[tilespmem:v60+s15+$0x0] =	vst.idx.add.f32.msk $0xffff, v63  }
0xe3: {  	v61 =	vadd.f32 $4.096000000e+03, v28;
	[tilespmem:v8+s15+$0x0] =	vst.idx.add.f32.msk $0xffff, v62  }
0xe4: {  	[tilespmem:v2+s15+$0x0] =	vst.idx.add.f32.msk $0xffff, v59;
	v2 =	vadd.f32 $4.096000000e+03, v30  }
0xe5: {  	[tilespmem:v6+s15+$0x0] =	vst.idx.add.f32.msk $0xffff, v61  }
0xe6: {  	s26 =	simm.s32 $0xED00;
	s25 =	simm.s32 $0x0;
	[tilespmem:v3+s15+$0x0] =	vst.idx.add.f32.msk $0xffff, v2  }
.LBB2_7:
0xe7: {  	v2 =	vld [tilespmem:s26+$0x70];
	s25 =	sadd.s32 $0x10, s25  }
0xe8: {  	v3 =	vld [tilespmem:s26+$0xFFFFFF90];
	p0 =	slt.u32 s25, $0x4D0  }
0xe9: {  	v4 =	vld [tilespmem:s26+$0xFFFFFFA0]  }
0xea: {  	s23 =	sadd.s32 $0x100, s23;
	v5 =	vld [tilespmem:s26+$0xFFFFFFB0]  }
0xeb: {  	v6 =	vld [tilespmem:s23+$0x70]  }
0xec: {  	v7 =	vld [tilespmem:s26+$0xFFFFFFC0];
	v2 =	vshll.u32 v2, $0x4  }
0xed: {  	v3 =	vshll.u32 v3, $0x4;
	v8 =	vld [tilespmem:s26+$0xFFFFFFD0];
	v2 =	vor.u32 v1, v2  }
0xee: {  	v3 =	vor.u32 v1, v3;
	v4 =	vshll.u32 v4, $0x4;
	v9 =	vld [tilespmem:s26+$0xFFFFFFE0]  }
0xef: {  	v4 =	vor.u32 v1, v4;
	v5 =	vshll.u32 v5, $0x4;
	v10 =	vld [tilespmem:s26+$0xFFFFFFF0]  }
0xf0: {  	v5 =	vor.u32 v1, v5;
	v11 =	vld [tilespmem:s26+$0x0];
	v6 =	vadd.f32 $4.096000000e+03, v6  }
0xf1: {  	v7 =	vshll.u32 v7, $0x4;
	v12 =	vld [tilespmem:s26+$0x10]  }
0xf2: {  	s28 =	simm.s32 $0x0;
	v7 =	vor.u32 v1, v7;
	v8 =	vshll.u32 v8, $0x4;
	[tilespmem:v2+s15+$0x0] =	vst.idx.add.f32.msk $0xffff, v6  }
0xf3: {  	v2 =	vor.u32 v1, v8;
	v6 =	vshll.u32 v9, $0x4;
	v8 =	vld [tilespmem:s26+$0x20]  }
0xf4: {  	v6 =	vor.u32 v1, v6;
	v9 =	vshll.u32 v10, $0x4;
	v10 =	vld [tilespmem:s26+$0x30]  }
0xf5: {  	v9 =	vor.u32 v1, v9;
	v11 =	vshll.u32 v11, $0x4;
	v13 =	vld [tilespmem:s26+$0x40]  }
0xf6: {  	v11 =	vor.u32 v1, v11;
	v12 =	vshll.u32 v12, $0x4;
	v14 =	vld [tilespmem:s26+$0x50]  }
0xf7: {  	v12 =	vor.u32 v1, v12;
	v15 =	vld [tilespmem:s26+$0x60]  }
0xf8: {  	v16 =	vld [tilespmem:s26+$0xFFFFFF80];
	v8 =	vshll.u32 v8, $0x4  }
0xf9: {  	v17 =	vld [tilespmem:s23+$0xFFFFFF80];
	v8 =	vor.u32 v1, v8;
	v10 =	vshll.u32 v10, $0x4  }
0xfa: {  	v18 =	vld [tilespmem:s23+$0xFFFFFF90];
	v10 =	vor.u32 v1, v10;
	v13 =	vshll.u32 v13, $0x4  }
0xfb: {  	v19 =	vld [tilespmem:s23+$0xFFFFFFA0];
	v13 =	vor.u32 v1, v13;
	v14 =	vshll.u32 v14, $0x4  }
0xfc: {  	v20 =	vld [tilespmem:s23+$0xFFFFFFB0];
	v14 =	vor.u32 v1, v14;
	v15 =	vshll.u32 v15, $0x4  }
0xfd: {  	v16 =	vshll.u32 v16, $0x4;
	v21 =	vld [tilespmem:s23+$0xFFFFFFC0];
	v15 =	vor.u32 v1, v15  }
0xfe: {  	v17 =	vadd.f32 $4.096000000e+03, v17;
	v16 =	vor.u32 v1, v16;
	v22 =	vld [tilespmem:s23+$0xFFFFFFD0]  }
0xff: {  	v18 =	vadd.f32 $4.096000000e+03, v18;
	v23 =	vld [tilespmem:s23+$0xFFFFFFE0]  }
0x100: {  	v19 =	vadd.f32 $4.096000000e+03, v19;
	v24 =	vld [tilespmem:s23+$0xFFFFFFF0]  }
0x101: {  	v20 =	vadd.f32 $4.096000000e+03, v20;
	v25 =	vld [tilespmem:s23+$0x0]  }
0x102: {  	v21 =	vadd.f32 $4.096000000e+03, v21;
	v26 =	vld [tilespmem:s23+$0x10]  }
0x103: {  	v22 =	vadd.f32 $4.096000000e+03, v22;
	v27 =	vld [tilespmem:s23+$0x20]  }
0x104: {  	v23 =	vadd.f32 $4.096000000e+03, v23;
	v28 =	vld [tilespmem:s23+$0x30]  }
0x105: {  	v24 =	vadd.f32 $4.096000000e+03, v24;
	v29 =	vld [tilespmem:s23+$0x40]  }
0x106: {  	v25 =	vadd.f32 $4.096000000e+03, v25;
	v30 =	vld [tilespmem:s23+$0x50]  }
0x107: {  	v26 =	vadd.f32 $4.096000000e+03, v26;
	v31 =	vld [tilespmem:s23+$0x60]  }
0x108: {  	[tilespmem:v16+s15+$0x0] =	vst.idx.add.f32.msk $0xffff, v17;
	v16 =	vadd.f32 $4.096000000e+03, v27  }
0x109: {  	[tilespmem:v3+s15+$0x0] =	vst.idx.add.f32.msk $0xffff, v18;
	v3 =	vadd.f32 $4.096000000e+03, v28  }
0x10a: {  	[tilespmem:v4+s15+$0x0] =	vst.idx.add.f32.msk $0xffff, v19;
	v4 =	vadd.f32 $4.096000000e+03, v29  }
0x10b: {  	[tilespmem:v5+s15+$0x0] =	vst.idx.add.f32.msk $0xffff, v20;
	v5 =	vadd.f32 $4.096000000e+03, v30  }
0x10c: {  	[tilespmem:v7+s15+$0x0] =	vst.idx.add.f32.msk $0xffff, v21;
	v7 =	vadd.f32 $4.096000000e+03, v31  }
0x10d: {  	[tilespmem:v2+s15+$0x0] =	vst.idx.add.f32.msk $0xffff, v22  }
0x10e: {  	[tilespmem:v6+s15+$0x0] =	vst.idx.add.f32.msk $0xffff, v23  }
0x10f: {  	[tilespmem:v9+s15+$0x0] =	vst.idx.add.f32.msk $0xffff, v24  }
0x110: {  	[tilespmem:v11+s15+$0x0] =	vst.idx.add.f32.msk $0xffff, v25  }
0x111: {  	[tilespmem:v12+s15+$0x0] =	vst.idx.add.f32.msk $0xffff, v26  }
.Ltmp3:
0x112: {  	[tilespmem:v8+s15+$0x0] =	vst.idx.add.f32.msk $0xffff, v16;
	(pc) =	sbr.rel @p0 .LBB2_7-.Ltmp3, $4  }
0x113: {  	[tilespmem:v10+s15+$0x0] =	vst.idx.add.f32.msk $0xffff, v3  }
0x114: {  	[tilespmem:v13+s15+$0x0] =	vst.idx.add.f32.msk $0xffff, v4  }
0x115: {  	[tilespmem:v14+s15+$0x0] =	vst.idx.add.f32.msk $0xffff, v5  }
0x116: {  	s26 =	sadd.s32 $0x100, s26;
	[tilespmem:v15+s15+$0x0] =	vst.idx.add.f32.msk $0xffff, v7  }
.LBB2_8:
0x117: {  	s23 =	sshra.s32 s28, $0x2  }
0x118: {  	v2 =	vld [tilespmem:s23+$0x13980];
	_ =	sdelay $0x3  }
0x119: {  	v3 =	vld [tilespmem:s23+$0x9C80]  }
0x11a: {  	v2 =	vshll.u32 v2, $0x4  }
0x11b: {  	p0 =	sne.s32 s28, $0x40;
	v2 =	vor.u32 v1, v2  }
.Ltmp4:
0x11c: {  	_ = 	snop;
	(pc) =	sbr.rel @p0 .LBB2_8-.Ltmp4, $3  }
0x11d: {  	_ = 	snop  }
0x11e: {  	v3 =	vadd.f32 $4.096000000e+03, v3;
	_ =	sdelay $0x1  }
0x11f: {  	s28 =	sadd.s32 $0x40, s28;
	[tilespmem:v2+s15+$0x0] =	vst.idx.add.f32.msk $0xffff, v3  }
0x120: {  	_ =	swait.ge [sflag:s11], $0x4E20  }
0x121: {  	[sflag:s11] =	ssyncset.done $0x0  }
0x122: {  	[sflag:s11] =	ssyncadd.s32 $0xFFFFB1E0  }
0x123: {  	_ =	swait.ge [sflag:s12], $0x4E20  }
0x124: {  	[sflag:s12] =	ssyncset.done $0x0  }
0x125: {  	s21 =	rddreg [dreg:$0xb];
	[sflag:s12] =	ssyncadd.s32 $0xFFFFB1E0  }
0x126: {  	[tilespmem:s13], [sflag:$0x2] =	stream.linear.gather [hbm4b:s21+s22], $0x4E20, $0x38;
	[tilespmem:$0x19200] =	vst v63  }
0x127: {  	s25 =	simm.s32 $0x9D80;
	s31 =	rddreg [dreg:$0xc]  }
0x128: {  	[tilespmem:s14], [sflag:$0x4] =	stream.linear.gather [hbm4b:s31+s22], $0x4E20, $0x38;
	[tilespmem:$0x19200] =	vst v63  }
0x129: {  	v2 =	vld [tilespmem:s25+$0x70]  }
0x12a: {  	v3 =	vld [tilespmem:s25+$0xFFFFFF90]  }
0x12b: {  	v4 =	vld [tilespmem:s25+$0xFFFFFFA0]  }
0x12c: {  	s23 =	simm.s32 $0x80;
	v5 =	vld [tilespmem:s25+$0xFFFFFFB0]  }
0x12d: {  	v6 =	vld [tilespmem:s23+$0x70]  }
0x12e: {  	v7 =	vld [tilespmem:s25+$0xFFFFFFC0]  }
0x12f: {  	v8 =	vld [tilespmem:s25+$0xFFFFFFD0]  }
0x130: {  	v9 =	vld [tilespmem:s25+$0xFFFFFFE0]  }
0x131: {  	v10 =	vld [tilespmem:s25+$0xFFFFFFF0]  }
0x132: {  	v11 =	vld [tilespmem:s25+$0x0]  }
0x133: {  	v12 =	vld [tilespmem:s25+$0x10]  }
0x134: {  	v44 =	vld [tilespmem:s25+$0x30]  }
0x135: {  	v13 =	vld [tilespmem:s25+$0x40]  }
0x136: {  	v14 =	vld [tilespmem:s25+$0x50]  }
0x137: {  	v15 =	vld [tilespmem:s25+$0x60]  }
0x138: {  	v16 =	vld [tilespmem:s25+$0xFFFFFF80]  }
0x139: {  	v17 =	vld [tilespmem:s23+$0xFFFFFF80]  }
0x13a: {  	v18 =	vld [tilespmem:s23+$0xFFFFFF90]  }
0x13b: {  	v19 =	vld [tilespmem:s23+$0xFFFFFFA0]  }
0x13c: {  	v20 =	vld [tilespmem:s23+$0xFFFFFFB0]  }
0x13d: {  	v21 =	vld [tilespmem:s23+$0xFFFFFFC0]  }
0x13e: {  	v22 =	vld [tilespmem:s23+$0xFFFFFFD0]  }
0x13f: {  	v23 =	vld [tilespmem:s23+$0xFFFFFFE0]  }
0x140: {  	v24 =	vld [tilespmem:s23+$0xFFFFFFF0]  }
0x141: {  	v25 =	vld [tilespmem:s23+$0x0]  }
0x142: {  	v26 =	vld [tilespmem:s23+$0x10];
	v2 =	vshll.u32 v2, $0x4  }
0x143: {  	v27 =	vld [tilespmem:s23+$0x20];
	v2 =	vor.u32 v1, v2  }
0x144: {  	v28 =	vld [tilespmem:s23+$0x30];
	v16 =	vshll.u32 v16, $0x4  }
0x145: {  	v29 =	vld [tilespmem:s23+$0x40];
	v3 =	vshll.u32 v3, $0x4;
	v16 =	vor.u32 v1, v16  }
0x146: {  	v30 =	vld [tilespmem:s23+$0x50];
	v6 =	vadd.f32 $4.096000000e+03, v6;
	v4 =	vshll.u32 v4, $0x4;
	v3 =	vor.u32 v1, v3  }
0x147: {  	v31 =	vld [tilespmem:s23+$0x60];
	v5 =	vshll.u32 v5, $0x4;
	v4 =	vor.u32 v1, v4  }
0x148: {  	v7 =	vshll.u32 v7, $0x4;
	v17 =	vadd.f32 $4.096000000e+03, v17;
	v5 =	vor.u32 v1, v5;
	[tilespmem:v2+s15+$0x0] =	vst.idx.add.f32.msk $0xffff, v6  }
0x149: {  	v8 =	vshll.u32 v8, $0x4;
	v18 =	vadd.f32 $4.096000000e+03, v18;
	v7 =	vor.u32 v1, v7;
	v2 =	vld [tilespmem:s25+$0x20]  }
0x14a: {  	v9 =	vshll.u32 v9, $0x4;
	v19 =	vadd.f32 $4.096000000e+03, v19;
	v8 =	vor.u32 v1, v8;
	[tilespmem:v16+s15+$0x0] =	vst.idx.add.f32.msk $0xffff, v17  }
0x14b: {  	v45 =	vadd.f32 $4.096000000e+03, v20;
	v46 =	vshll.u32 v11, $0x4;
	v9 =	vor.u32 v1, v9;
	[tilespmem:v3+s15+$0x0] =	vst.idx.add.f32.msk $0xffff, v18  }
0x14c: {  	v47 =	vadd.f32 $4.096000000e+03, v21;
	v49 =	vshll.u32 v12, $0x4;
	v48 =	vor.u32 v1, v46;
	[tilespmem:v4+s15+$0x0] =	vst.idx.add.f32.msk $0xffff, v19  }
0x14d: {  	v10 =	vshll.u32 v10, $0x4;
	v50 =	vadd.f32 $4.096000000e+03, v22;
	v51 =	vor.u32 v1, v49;
	[tilespmem:v5+s15+$0x0] =	vst.idx.add.f32.msk $0xffff, v45  }
0x14e: {  	v52 =	vadd.f32 $4.096000000e+03, v23;
	v58 =	vshll.u32 v15, $0x4;
	v3 =	vor.u32 v1, v10;
	[tilespmem:v7+s15+$0x0] =	vst.idx.add.f32.msk $0xffff, v47  }
0x14f: {  	v54 =	vshll.u32 v13, $0x4;
	v55 =	vadd.f32 $4.096000000e+03, v25;
	v60 =	vor.u32 v1, v58;
	[tilespmem:v8+s15+$0x0] =	vst.idx.add.f32.msk $0xffff, v50  }
0x150: {  	v57 =	vadd.f32 $4.096000000e+03, v26;
	[tilespmem:v9+s15+$0x0] =	vst.idx.add.f32.msk $0xffff, v52;
	v8 =	vor.u32 v1, v54;
	v2 =	vshll.u32 v2, $0x4  }
0x151: {  	v53 =	vadd.f32 $4.096000000e+03, v24;
	v6 =	vshll.u32 v44, $0x4;
	[tilespmem:v48+s15+$0x0] =	vst.idx.add.f32.msk $0xffff, v55;
	v2 =	vor.u32 v1, v2  }
0x152: {  	v56 =	vshll.u32 v14, $0x4;
	v63 =	vadd.f32 $4.096000000e+03, v31;
	[tilespmem:v51+s15+$0x0] =	vst.idx.add.f32.msk $0xffff, v57;
	v6 =	vor.u32 v1, v6  }
0x153: {  	v62 =	vadd.f32 $4.096000000e+03, v29;
	[tilespmem:v3+s15+$0x0] =	vst.idx.add.f32.msk $0xffff, v53;
	v3 =	vor.u32 v1, v56  }
0x154: {  	v59 =	vadd.f32 $4.096000000e+03, v27;
	[tilespmem:v60+s15+$0x0] =	vst.idx.add.f32.msk $0xffff, v63  }
0x155: {  	v61 =	vadd.f32 $4.096000000e+03, v28;
	[tilespmem:v8+s15+$0x0] =	vst.idx.add.f32.msk $0xffff, v62  }
0x156: {  	[tilespmem:v2+s15+$0x0] =	vst.idx.add.f32.msk $0xffff, v59;
	v2 =	vadd.f32 $4.096000000e+03, v30  }
0x157: {  	[tilespmem:v6+s15+$0x0] =	vst.idx.add.f32.msk $0xffff, v61  }
0x158: {  	s26 =	simm.s32 $0x9E80;
	s25 =	simm.s32 $0x0;
	[tilespmem:v3+s15+$0x0] =	vst.idx.add.f32.msk $0xffff, v2  }
.LBB2_10:
0x159: {  	v2 =	vld [tilespmem:s26+$0x70];
	s25 =	sadd.s32 $0x10, s25  }
0x15a: {  	v3 =	vld [tilespmem:s26+$0xFFFFFF90];
	p0 =	slt.u32 s25, $0x4D0  }
0x15b: {  	v4 =	vld [tilespmem:s26+$0xFFFFFFA0]  }
0x15c: {  	s23 =	sadd.s32 $0x100, s23;
	v5 =	vld [tilespmem:s26+$0xFFFFFFB0]  }
0x15d: {  	v6 =	vld [tilespmem:s23+$0x70]  }
0x15e: {  	v7 =	vld [tilespmem:s26+$0xFFFFFFC0];
	v2 =	vshll.u32 v2, $0x4  }
0x15f: {  	v3 =	vshll.u32 v3, $0x4;
	v8 =	vld [tilespmem:s26+$0xFFFFFFD0];
	v2 =	vor.u32 v1, v2  }
0x160: {  	v3 =	vor.u32 v1, v3;
	v4 =	vshll.u32 v4, $0x4;
	v9 =	vld [tilespmem:s26+$0xFFFFFFE0]  }
0x161: {  	v4 =	vor.u32 v1, v4;
	v5 =	vshll.u32 v5, $0x4;
	v10 =	vld [tilespmem:s26+$0xFFFFFFF0]  }
0x162: {  	v5 =	vor.u32 v1, v5;
	v11 =	vld [tilespmem:s26+$0x0];
	v6 =	vadd.f32 $4.096000000e+03, v6  }
0x163: {  	v7 =	vshll.u32 v7, $0x4;
	v12 =	vld [tilespmem:s26+$0x10]  }
0x164: {  	s28 =	simm.s32 $0x0;
	v7 =	vor.u32 v1, v7;
	v8 =	vshll.u32 v8, $0x4;
	[tilespmem:v2+s15+$0x0] =	vst.idx.add.f32.msk $0xffff, v6  }
0x165: {  	v2 =	vor.u32 v1, v8;
	v6 =	vshll.u32 v9, $0x4;
	v8 =	vld [tilespmem:s26+$0x20]  }
0x166: {  	v6 =	vor.u32 v1, v6;
	v9 =	vshll.u32 v10, $0x4;
	v10 =	vld [tilespmem:s26+$0x30]  }
0x167: {  	v9 =	vor.u32 v1, v9;
	v11 =	vshll.u32 v11, $0x4;
	v13 =	vld [tilespmem:s26+$0x40]  }
0x168: {  	v11 =	vor.u32 v1, v11;
	v12 =	vshll.u32 v12, $0x4;
	v14 =	vld [tilespmem:s26+$0x50]  }
0x169: {  	v12 =	vor.u32 v1, v12;
	v15 =	vld [tilespmem:s26+$0x60]  }
0x16a: {  	v16 =	vld [tilespmem:s26+$0xFFFFFF80];
	v8 =	vshll.u32 v8, $0x4  }
0x16b: {  	v17 =	vld [tilespmem:s23+$0xFFFFFF80];
	v8 =	vor.u32 v1, v8;
	v10 =	vshll.u32 v10, $0x4  }
0x16c: {  	v18 =	vld [tilespmem:s23+$0xFFFFFF90];
	v10 =	vor.u32 v1, v10;
	v13 =	vshll.u32 v13, $0x4  }
0x16d: {  	v19 =	vld [tilespmem:s23+$0xFFFFFFA0];
	v13 =	vor.u32 v1, v13;
	v14 =	vshll.u32 v14, $0x4  }
0x16e: {  	v20 =	vld [tilespmem:s23+$0xFFFFFFB0];
	v14 =	vor.u32 v1, v14;
	v15 =	vshll.u32 v15, $0x4  }
0x16f: {  	v16 =	vshll.u32 v16, $0x4;
	v21 =	vld [tilespmem:s23+$0xFFFFFFC0];
	v15 =	vor.u32 v1, v15  }
0x170: {  	v17 =	vadd.f32 $4.096000000e+03, v17;
	v16 =	vor.u32 v1, v16;
	v22 =	vld [tilespmem:s23+$0xFFFFFFD0]  }
0x171: {  	v18 =	vadd.f32 $4.096000000e+03, v18;
	v23 =	vld [tilespmem:s23+$0xFFFFFFE0]  }
0x172: {  	v19 =	vadd.f32 $4.096000000e+03, v19;
	v24 =	vld [tilespmem:s23+$0xFFFFFFF0]  }
0x173: {  	v20 =	vadd.f32 $4.096000000e+03, v20;
	v25 =	vld [tilespmem:s23+$0x0]  }
0x174: {  	v21 =	vadd.f32 $4.096000000e+03, v21;
	v26 =	vld [tilespmem:s23+$0x10]  }
0x175: {  	v22 =	vadd.f32 $4.096000000e+03, v22;
	v27 =	vld [tilespmem:s23+$0x20]  }
0x176: {  	v23 =	vadd.f32 $4.096000000e+03, v23;
	v28 =	vld [tilespmem:s23+$0x30]  }
0x177: {  	v24 =	vadd.f32 $4.096000000e+03, v24;
	v29 =	vld [tilespmem:s23+$0x40]  }
0x178: {  	v25 =	vadd.f32 $4.096000000e+03, v25;
	v30 =	vld [tilespmem:s23+$0x50]  }
0x179: {  	v26 =	vadd.f32 $4.096000000e+03, v26;
	v31 =	vld [tilespmem:s23+$0x60]  }
0x17a: {  	[tilespmem:v16+s15+$0x0] =	vst.idx.add.f32.msk $0xffff, v17;
	v16 =	vadd.f32 $4.096000000e+03, v27  }
0x17b: {  	[tilespmem:v3+s15+$0x0] =	vst.idx.add.f32.msk $0xffff, v18;
	v3 =	vadd.f32 $4.096000000e+03, v28  }
0x17c: {  	[tilespmem:v4+s15+$0x0] =	vst.idx.add.f32.msk $0xffff, v19;
	v4 =	vadd.f32 $4.096000000e+03, v29  }
0x17d: {  	[tilespmem:v5+s15+$0x0] =	vst.idx.add.f32.msk $0xffff, v20;
	v5 =	vadd.f32 $4.096000000e+03, v30  }
0x17e: {  	[tilespmem:v7+s15+$0x0] =	vst.idx.add.f32.msk $0xffff, v21;
	v7 =	vadd.f32 $4.096000000e+03, v31  }
0x17f: {  	[tilespmem:v2+s15+$0x0] =	vst.idx.add.f32.msk $0xffff, v22  }
0x180: {  	[tilespmem:v6+s15+$0x0] =	vst.idx.add.f32.msk $0xffff, v23  }
0x181: {  	[tilespmem:v9+s15+$0x0] =	vst.idx.add.f32.msk $0xffff, v24  }
0x182: {  	[tilespmem:v11+s15+$0x0] =	vst.idx.add.f32.msk $0xffff, v25  }
0x183: {  	[tilespmem:v12+s15+$0x0] =	vst.idx.add.f32.msk $0xffff, v26  }
.Ltmp5:
0x184: {  	[tilespmem:v8+s15+$0x0] =	vst.idx.add.f32.msk $0xffff, v16;
	(pc) =	sbr.rel @p0 .LBB2_10-.Ltmp5, $4  }
0x185: {  	[tilespmem:v10+s15+$0x0] =	vst.idx.add.f32.msk $0xffff, v3  }
0x186: {  	[tilespmem:v13+s15+$0x0] =	vst.idx.add.f32.msk $0xffff, v4  }
0x187: {  	[tilespmem:v14+s15+$0x0] =	vst.idx.add.f32.msk $0xffff, v5  }
0x188: {  	s26 =	sadd.s32 $0x100, s26;
	[tilespmem:v15+s15+$0x0] =	vst.idx.add.f32.msk $0xffff, v7  }
.LBB2_11:
0x189: {  	s23 =	sshra.s32 s28, $0x2  }
0x18a: {  	v2 =	vld [tilespmem:s23+$0xEB00];
	_ =	sdelay $0x3  }
0x18b: {  	v3 =	vld [tilespmem:s23+$0x4E00]  }
0x18c: {  	v2 =	vshll.u32 v2, $0x4  }
0x18d: {  	p0 =	sne.s32 s28, $0x40;
	v2 =	vor.u32 v1, v2  }
.Ltmp6:
0x18e: {  	_ = 	snop;
	(pc) =	sbr.rel @p0 .LBB2_11-.Ltmp6, $3  }
0x18f: {  	_ = 	snop  }
0x190: {  	v3 =	vadd.f32 $4.096000000e+03, v3;
	_ =	sdelay $0x1  }
0x191: {  	s28 =	sadd.s32 $0x40, s28;
	[tilespmem:v2+s15+$0x0] =	vst.idx.add.f32.msk $0xffff, v3  }
0x192: {  	_ =	swait.ge [sflag:s16], $0x4E20  }
0x193: {  	[sflag:s16] =	ssyncset.done $0x0  }
0x194: {  	[sflag:s16] =	ssyncadd.s32 $0xFFFFB1E0  }
0x195: {  	_ =	swait.ge [sflag:s17], $0x4E20  }
0x196: {  	[sflag:s17] =	ssyncset.done $0x0  }
0x197: {  	s21 =	rddreg [dreg:$0xd];
	[sflag:s17] =	ssyncadd.s32 $0xFFFFB1E0  }
0x198: {  	[tilespmem:s22], [sflag:$0x1] =	stream.linear.gather [hbm4b:s21+s22], $0x4E20, $0x38;
	[tilespmem:$0x19200] =	vst v63  }
0x199: {  	s25 =	simm.s32 $0xEC00;
	s31 =	rddreg [dreg:$0xe]  }
0x19a: {  	[tilespmem:s10], [sflag:$0x3] =	stream.linear.gather [hbm4b:s31+s22], $0x4E20, $0x38;
	[tilespmem:$0x19200] =	vst v63  }
0x19b: {  	v2 =	vld [tilespmem:s25+$0x70]  }
0x19c: {  	v3 =	vld [tilespmem:s25+$0xFFFFFF90]  }
0x19d: {  	v4 =	vld [tilespmem:s25+$0xFFFFFFA0]  }
0x19e: {  	s23 =	simm.s32 $0x4F00;
	v5 =	vld [tilespmem:s25+$0xFFFFFFB0]  }
0x19f: {  	v6 =	vld [tilespmem:s23+$0x70]  }
0x1a0: {  	v7 =	vld [tilespmem:s25+$0xFFFFFFC0]  }
0x1a1: {  	v8 =	vld [tilespmem:s25+$0xFFFFFFD0]  }
0x1a2: {  	v9 =	vld [tilespmem:s25+$0xFFFFFFE0]  }
0x1a3: {  	v10 =	vld [tilespmem:s25+$0xFFFFFFF0]  }
0x1a4: {  	v11 =	vld [tilespmem:s25+$0x0]  }
0x1a5: {  	v12 =	vld [tilespmem:s25+$0x10]  }
0x1a6: {  	v44 =	vld [tilespmem:s25+$0x30]  }
0x1a7: {  	v13 =	vld [tilespmem:s25+$0x40]  }
0x1a8: {  	v14 =	vld [tilespmem:s25+$0x50]  }
0x1a9: {  	v15 =	vld [tilespmem:s25+$0x60]  }
0x1aa: {  	v16 =	vld [tilespmem:s25+$0xFFFFFF80]  }
0x1ab: {  	v17 =	vld [tilespmem:s23+$0xFFFFFF80]  }
0x1ac: {  	v18 =	vld [tilespmem:s23+$0xFFFFFF90]  }
0x1ad: {  	v19 =	vld [tilespmem:s23+$0xFFFFFFA0]  }
0x1ae: {  	v20 =	vld [tilespmem:s23+$0xFFFFFFB0]  }
0x1af: {  	v21 =	vld [tilespmem:s23+$0xFFFFFFC0]  }
0x1b0: {  	v22 =	vld [tilespmem:s23+$0xFFFFFFD0]  }
0x1b1: {  	v23 =	vld [tilespmem:s23+$0xFFFFFFE0]  }
0x1b2: {  	v24 =	vld [tilespmem:s23+$0xFFFFFFF0]  }
0x1b3: {  	v25 =	vld [tilespmem:s23+$0x0]  }
0x1b4: {  	v26 =	vld [tilespmem:s23+$0x10];
	v2 =	vshll.u32 v2, $0x4  }
0x1b5: {  	v27 =	vld [tilespmem:s23+$0x20];
	v2 =	vor.u32 v1, v2  }
0x1b6: {  	v28 =	vld [tilespmem:s23+$0x30];
	v16 =	vshll.u32 v16, $0x4  }
0x1b7: {  	v29 =	vld [tilespmem:s23+$0x40];
	v3 =	vshll.u32 v3, $0x4;
	v16 =	vor.u32 v1, v16  }
0x1b8: {  	v30 =	vld [tilespmem:s23+$0x50];
	v6 =	vadd.f32 $4.096000000e+03, v6;
	v4 =	vshll.u32 v4, $0x4;
	v3 =	vor.u32 v1, v3  }
0x1b9: {  	v31 =	vld [tilespmem:s23+$0x60];
	v5 =	vshll.u32 v5, $0x4;
	v4 =	vor.u32 v1, v4  }
0x1ba: {  	v7 =	vshll.u32 v7, $0x4;
	v17 =	vadd.f32 $4.096000000e+03, v17;
	v5 =	vor.u32 v1, v5;
	[tilespmem:v2+s15+$0x0] =	vst.idx.add.f32.msk $0xffff, v6  }
0x1bb: {  	v8 =	vshll.u32 v8, $0x4;
	v18 =	vadd.f32 $4.096000000e+03, v18;
	v7 =	vor.u32 v1, v7;
	v2 =	vld [tilespmem:s25+$0x20]  }
0x1bc: {  	v9 =	vshll.u32 v9, $0x4;
	v19 =	vadd.f32 $4.096000000e+03, v19;
	v8 =	vor.u32 v1, v8;
	[tilespmem:v16+s15+$0x0] =	vst.idx.add.f32.msk $0xffff, v17  }
0x1bd: {  	v45 =	vadd.f32 $4.096000000e+03, v20;
	v46 =	vshll.u32 v11, $0x4;
	v9 =	vor.u32 v1, v9;
	[tilespmem:v3+s15+$0x0] =	vst.idx.add.f32.msk $0xffff, v18  }
0x1be: {  	v47 =	vadd.f32 $4.096000000e+03, v21;
	v49 =	vshll.u32 v12, $0x4;
	v48 =	vor.u32 v1, v46;
	[tilespmem:v4+s15+$0x0] =	vst.idx.add.f32.msk $0xffff, v19  }
0x1bf: {  	v10 =	vshll.u32 v10, $0x4;
	v50 =	vadd.f32 $4.096000000e+03, v22;
	v51 =	vor.u32 v1, v49;
	[tilespmem:v5+s15+$0x0] =	vst.idx.add.f32.msk $0xffff, v45  }
0x1c0: {  	v52 =	vadd.f32 $4.096000000e+03, v23;
	v58 =	vshll.u32 v15, $0x4;
	v3 =	vor.u32 v1, v10;
	[tilespmem:v7+s15+$0x0] =	vst.idx.add.f32.msk $0xffff, v47  }
0x1c1: {  	v54 =	vshll.u32 v13, $0x4;
	v55 =	vadd.f32 $4.096000000e+03, v25;
	v60 =	vor.u32 v1, v58;
	[tilespmem:v8+s15+$0x0] =	vst.idx.add.f32.msk $0xffff, v50  }
0x1c2: {  	v57 =	vadd.f32 $4.096000000e+03, v26;
	[tilespmem:v9+s15+$0x0] =	vst.idx.add.f32.msk $0xffff, v52;
	v8 =	vor.u32 v1, v54;
	v2 =	vshll.u32 v2, $0x4  }
0x1c3: {  	v53 =	vadd.f32 $4.096000000e+03, v24;
	v6 =	vshll.u32 v44, $0x4;
	[tilespmem:v48+s15+$0x0] =	vst.idx.add.f32.msk $0xffff, v55;
	v2 =	vor.u32 v1, v2  }
0x1c4: {  	v56 =	vshll.u32 v14, $0x4;
	v63 =	vadd.f32 $4.096000000e+03, v31;
	[tilespmem:v51+s15+$0x0] =	vst.idx.add.f32.msk $0xffff, v57;
	v6 =	vor.u32 v1, v6  }
0x1c5: {  	v62 =	vadd.f32 $4.096000000e+03, v29;
	[tilespmem:v3+s15+$0x0] =	vst.idx.add.f32.msk $0xffff, v53;
	v3 =	vor.u32 v1, v56  }
0x1c6: {  	v59 =	vadd.f32 $4.096000000e+03, v27;
	[tilespmem:v60+s15+$0x0] =	vst.idx.add.f32.msk $0xffff, v63  }
0x1c7: {  	v61 =	vadd.f32 $4.096000000e+03, v28;
	[tilespmem:v8+s15+$0x0] =	vst.idx.add.f32.msk $0xffff, v62  }
0x1c8: {  	[tilespmem:v2+s15+$0x0] =	vst.idx.add.f32.msk $0xffff, v59;
	v2 =	vadd.f32 $4.096000000e+03, v30  }
0x1c9: {  	[tilespmem:v6+s15+$0x0] =	vst.idx.add.f32.msk $0xffff, v61  }
0x1ca: {  	s26 =	simm.s32 $0xED00;
	s25 =	simm.s32 $0x0;
	[tilespmem:v3+s15+$0x0] =	vst.idx.add.f32.msk $0xffff, v2  }
.LBB2_13:
0x1cb: {  	v2 =	vld [tilespmem:s26+$0x70];
	s25 =	sadd.s32 $0x10, s25  }
0x1cc: {  	v3 =	vld [tilespmem:s26+$0xFFFFFF90];
	p0 =	slt.u32 s25, $0x4D0  }
0x1cd: {  	v4 =	vld [tilespmem:s26+$0xFFFFFFA0]  }
0x1ce: {  	s23 =	sadd.s32 $0x100, s23;
	v5 =	vld [tilespmem:s26+$0xFFFFFFB0]  }
0x1cf: {  	v6 =	vld [tilespmem:s23+$0x70]  }
0x1d0: {  	v7 =	vld [tilespmem:s26+$0xFFFFFFC0];
	v2 =	vshll.u32 v2, $0x4  }
0x1d1: {  	v3 =	vshll.u32 v3, $0x4;
	v8 =	vld [tilespmem:s26+$0xFFFFFFD0];
	v2 =	vor.u32 v1, v2  }
0x1d2: {  	v3 =	vor.u32 v1, v3;
	v4 =	vshll.u32 v4, $0x4;
	v9 =	vld [tilespmem:s26+$0xFFFFFFE0]  }
0x1d3: {  	v4 =	vor.u32 v1, v4;
	v5 =	vshll.u32 v5, $0x4;
	v10 =	vld [tilespmem:s26+$0xFFFFFFF0]  }
0x1d4: {  	v5 =	vor.u32 v1, v5;
	v11 =	vld [tilespmem:s26+$0x0];
	v6 =	vadd.f32 $4.096000000e+03, v6  }
0x1d5: {  	v7 =	vshll.u32 v7, $0x4;
	v12 =	vld [tilespmem:s26+$0x10]  }
0x1d6: {  	s28 =	simm.s32 $0x0;
	v7 =	vor.u32 v1, v7;
	v8 =	vshll.u32 v8, $0x4;
	[tilespmem:v2+s15+$0x0] =	vst.idx.add.f32.msk $0xffff, v6  }
0x1d7: {  	v2 =	vor.u32 v1, v8;
	v6 =	vshll.u32 v9, $0x4;
	v8 =	vld [tilespmem:s26+$0x20]  }
0x1d8: {  	v6 =	vor.u32 v1, v6;
	v9 =	vshll.u32 v10, $0x4;
	v10 =	vld [tilespmem:s26+$0x30]  }
0x1d9: {  	v9 =	vor.u32 v1, v9;
	v11 =	vshll.u32 v11, $0x4;
	v13 =	vld [tilespmem:s26+$0x40]  }
0x1da: {  	v11 =	vor.u32 v1, v11;
	v12 =	vshll.u32 v12, $0x4;
	v14 =	vld [tilespmem:s26+$0x50]  }
0x1db: {  	v12 =	vor.u32 v1, v12;
	v15 =	vld [tilespmem:s26+$0x60]  }
0x1dc: {  	v16 =	vld [tilespmem:s26+$0xFFFFFF80];
	v8 =	vshll.u32 v8, $0x4  }
0x1dd: {  	v17 =	vld [tilespmem:s23+$0xFFFFFF80];
	v8 =	vor.u32 v1, v8;
	v10 =	vshll.u32 v10, $0x4  }
0x1de: {  	v18 =	vld [tilespmem:s23+$0xFFFFFF90];
	v10 =	vor.u32 v1, v10;
	v13 =	vshll.u32 v13, $0x4  }
0x1df: {  	v19 =	vld [tilespmem:s23+$0xFFFFFFA0];
	v13 =	vor.u32 v1, v13;
	v14 =	vshll.u32 v14, $0x4  }
0x1e0: {  	v20 =	vld [tilespmem:s23+$0xFFFFFFB0];
	v14 =	vor.u32 v1, v14;
	v15 =	vshll.u32 v15, $0x4  }
0x1e1: {  	v16 =	vshll.u32 v16, $0x4;
	v21 =	vld [tilespmem:s23+$0xFFFFFFC0];
	v15 =	vor.u32 v1, v15  }
0x1e2: {  	v17 =	vadd.f32 $4.096000000e+03, v17;
	v16 =	vor.u32 v1, v16;
	v22 =	vld [tilespmem:s23+$0xFFFFFFD0]  }
0x1e3: {  	v18 =	vadd.f32 $4.096000000e+03, v18;
	v23 =	vld [tilespmem:s23+$0xFFFFFFE0]  }
0x1e4: {  	v19 =	vadd.f32 $4.096000000e+03, v19;
	v24 =	vld [tilespmem:s23+$0xFFFFFFF0]  }
0x1e5: {  	v20 =	vadd.f32 $4.096000000e+03, v20;
	v25 =	vld [tilespmem:s23+$0x0]  }
0x1e6: {  	v21 =	vadd.f32 $4.096000000e+03, v21;
	v26 =	vld [tilespmem:s23+$0x10]  }
0x1e7: {  	v22 =	vadd.f32 $4.096000000e+03, v22;
	v27 =	vld [tilespmem:s23+$0x20]  }
0x1e8: {  	v23 =	vadd.f32 $4.096000000e+03, v23;
	v28 =	vld [tilespmem:s23+$0x30]  }
0x1e9: {  	v24 =	vadd.f32 $4.096000000e+03, v24;
	v29 =	vld [tilespmem:s23+$0x40]  }
0x1ea: {  	v25 =	vadd.f32 $4.096000000e+03, v25;
	v30 =	vld [tilespmem:s23+$0x50]  }
0x1eb: {  	v26 =	vadd.f32 $4.096000000e+03, v26;
	v31 =	vld [tilespmem:s23+$0x60]  }
0x1ec: {  	[tilespmem:v16+s15+$0x0] =	vst.idx.add.f32.msk $0xffff, v17;
	v16 =	vadd.f32 $4.096000000e+03, v27  }
0x1ed: {  	[tilespmem:v3+s15+$0x0] =	vst.idx.add.f32.msk $0xffff, v18;
	v3 =	vadd.f32 $4.096000000e+03, v28  }
0x1ee: {  	[tilespmem:v4+s15+$0x0] =	vst.idx.add.f32.msk $0xffff, v19;
	v4 =	vadd.f32 $4.096000000e+03, v29  }
0x1ef: {  	[tilespmem:v5+s15+$0x0] =	vst.idx.add.f32.msk $0xffff, v20;
	v5 =	vadd.f32 $4.096000000e+03, v30  }
0x1f0: {  	[tilespmem:v7+s15+$0x0] =	vst.idx.add.f32.msk $0xffff, v21;
	v7 =	vadd.f32 $4.096000000e+03, v31  }
0x1f1: {  	[tilespmem:v2+s15+$0x0] =	vst.idx.add.f32.msk $0xffff, v22  }
0x1f2: {  	[tilespmem:v6+s15+$0x0] =	vst.idx.add.f32.msk $0xffff, v23  }
0x1f3: {  	[tilespmem:v9+s15+$0x0] =	vst.idx.add.f32.msk $0xffff, v24  }
0x1f4: {  	[tilespmem:v11+s15+$0x0] =	vst.idx.add.f32.msk $0xffff, v25  }
0x1f5: {  	[tilespmem:v12+s15+$0x0] =	vst.idx.add.f32.msk $0xffff, v26  }
.Ltmp7:
0x1f6: {  	[tilespmem:v8+s15+$0x0] =	vst.idx.add.f32.msk $0xffff, v16;
	(pc) =	sbr.rel @p0 .LBB2_13-.Ltmp7, $4  }
0x1f7: {  	[tilespmem:v10+s15+$0x0] =	vst.idx.add.f32.msk $0xffff, v3  }
0x1f8: {  	[tilespmem:v13+s15+$0x0] =	vst.idx.add.f32.msk $0xffff, v4  }
0x1f9: {  	[tilespmem:v14+s15+$0x0] =	vst.idx.add.f32.msk $0xffff, v5  }
0x1fa: {  	s26 =	sadd.s32 $0x100, s26;
	[tilespmem:v15+s15+$0x0] =	vst.idx.add.f32.msk $0xffff, v7  }
.LBB2_14:
0x1fb: {  	s23 =	sshra.s32 s28, $0x2  }
0x1fc: {  	v2 =	vld [tilespmem:s23+$0x13980];
	_ =	sdelay $0x3  }
0x1fd: {  	v3 =	vld [tilespmem:s23+$0x9C80]  }
0x1fe: {  	v2 =	vshll.u32 v2, $0x4  }
0x1ff: {  	p0 =	sne.s32 s28, $0x40;
	v2 =	vor.u32 v1, v2  }
.Ltmp8:
0x200: {  	_ = 	snop;
	(pc) =	sbr.rel @p0 .LBB2_14-.Ltmp8, $3  }
0x201: {  	_ = 	snop  }
0x202: {  	v3 =	vadd.f32 $4.096000000e+03, v3;
	_ =	sdelay $0x1  }
0x203: {  	s28 =	sadd.s32 $0x40, s28;
	[tilespmem:v2+s15+$0x0] =	vst.idx.add.f32.msk $0xffff, v3  }
0x204: {  	_ =	swait.ge [sflag:s11], $0x4E20  }
0x205: {  	[sflag:s11] =	ssyncset.done $0x0  }
0x206: {  	[sflag:s11] =	ssyncadd.s32 $0xFFFFB1E0  }
0x207: {  	_ =	swait.ge [sflag:s12], $0x4E20  }
0x208: {  	[sflag:s12] =	ssyncset.done $0x0  }
0x209: {  	s21 =	rddreg [dreg:$0xf];
	[sflag:s12] =	ssyncadd.s32 $0xFFFFB1E0  }
0x20a: {  	[tilespmem:s13], [sflag:$0x2] =	stream.linear.gather [hbm4b:s21+s22], $0x4E20, $0x38;
	[tilespmem:$0x19200] =	vst v63  }
0x20b: {  	s25 =	simm.s32 $0x9D80;
	s31 =	rddreg [dreg:$0x10]  }
0x20c: {  	[tilespmem:s14], [sflag:$0x4] =	stream.linear.gather [hbm4b:s31+s22], $0x4E20, $0x38;
	[tilespmem:$0x19200] =	vst v63  }
0x20d: {  	v2 =	vld [tilespmem:s25+$0x70]  }
0x20e: {  	v3 =	vld [tilespmem:s25+$0xFFFFFF90]  }
0x20f: {  	v4 =	vld [tilespmem:s25+$0xFFFFFFA0]  }
0x210: {  	s23 =	simm.s32 $0x80;
	v5 =	vld [tilespmem:s25+$0xFFFFFFB0]  }
0x211: {  	v6 =	vld [tilespmem:s23+$0x70]  }
0x212: {  	v7 =	vld [tilespmem:s25+$0xFFFFFFC0]  }
0x213: {  	v8 =	vld [tilespmem:s25+$0xFFFFFFD0]  }
0x214: {  	v9 =	vld [tilespmem:s25+$0xFFFFFFE0]  }
0x215: {  	v10 =	vld [tilespmem:s25+$0xFFFFFFF0]  }
0x216: {  	v11 =	vld [tilespmem:s25+$0x0]  }
0x217: {  	v12 =	vld [tilespmem:s25+$0x10]  }
0x218: {  	v44 =	vld [tilespmem:s25+$0x30]  }
0x219: {  	v13 =	vld [tilespmem:s25+$0x40]  }
0x21a: {  	v14 =	vld [tilespmem:s25+$0x50]  }
0x21b: {  	v15 =	vld [tilespmem:s25+$0x60]  }
0x21c: {  	v16 =	vld [tilespmem:s25+$0xFFFFFF80]  }
0x21d: {  	v17 =	vld [tilespmem:s23+$0xFFFFFF80]  }
0x21e: {  	v18 =	vld [tilespmem:s23+$0xFFFFFF90]  }
0x21f: {  	v19 =	vld [tilespmem:s23+$0xFFFFFFA0]  }
0x220: {  	v20 =	vld [tilespmem:s23+$0xFFFFFFB0]  }
0x221: {  	v21 =	vld [tilespmem:s23+$0xFFFFFFC0]  }
0x222: {  	v22 =	vld [tilespmem:s23+$0xFFFFFFD0]  }
0x223: {  	v23 =	vld [tilespmem:s23+$0xFFFFFFE0]  }
0x224: {  	v24 =	vld [tilespmem:s23+$0xFFFFFFF0]  }
0x225: {  	v25 =	vld [tilespmem:s23+$0x0]  }
0x226: {  	v26 =	vld [tilespmem:s23+$0x10];
	v2 =	vshll.u32 v2, $0x4  }
0x227: {  	v27 =	vld [tilespmem:s23+$0x20];
	v2 =	vor.u32 v1, v2  }
0x228: {  	v28 =	vld [tilespmem:s23+$0x30];
	v16 =	vshll.u32 v16, $0x4  }
0x229: {  	v29 =	vld [tilespmem:s23+$0x40];
	v3 =	vshll.u32 v3, $0x4;
	v16 =	vor.u32 v1, v16  }
0x22a: {  	v30 =	vld [tilespmem:s23+$0x50];
	v6 =	vadd.f32 $4.096000000e+03, v6;
	v4 =	vshll.u32 v4, $0x4;
	v3 =	vor.u32 v1, v3  }
0x22b: {  	v31 =	vld [tilespmem:s23+$0x60];
	v5 =	vshll.u32 v5, $0x4;
	v4 =	vor.u32 v1, v4  }
0x22c: {  	v7 =	vshll.u32 v7, $0x4;
	v17 =	vadd.f32 $4.096000000e+03, v17;
	v5 =	vor.u32 v1, v5;
	[tilespmem:v2+s15+$0x0] =	vst.idx.add.f32.msk $0xffff, v6  }
0x22d: {  	v8 =	vshll.u32 v8, $0x4;
	v18 =	vadd.f32 $4.096000000e+03, v18;
	v7 =	vor.u32 v1, v7;
	v2 =	vld [tilespmem:s25+$0x20]  }
0x22e: {  	v9 =	vshll.u32 v9, $0x4;
	v19 =	vadd.f32 $4.096000000e+03, v19;
	v8 =	vor.u32 v1, v8;
	[tilespmem:v16+s15+$0x0] =	vst.idx.add.f32.msk $0xffff, v17  }
0x22f: {  	v45 =	vadd.f32 $4.096000000e+03, v20;
	v46 =	vshll.u32 v11, $0x4;
	v9 =	vor.u32 v1, v9;
	[tilespmem:v3+s15+$0x0] =	vst.idx.add.f32.msk $0xffff, v18  }
0x230: {  	v47 =	vadd.f32 $4.096000000e+03, v21;
	v49 =	vshll.u32 v12, $0x4;
	v48 =	vor.u32 v1, v46;
	[tilespmem:v4+s15+$0x0] =	vst.idx.add.f32.msk $0xffff, v19  }
0x231: {  	v10 =	vshll.u32 v10, $0x4;
	v50 =	vadd.f32 $4.096000000e+03, v22;
	v51 =	vor.u32 v1, v49;
	[tilespmem:v5+s15+$0x0] =	vst.idx.add.f32.msk $0xffff, v45  }
0x232: {  	v52 =	vadd.f32 $4.096000000e+03, v23;
	v58 =	vshll.u32 v15, $0x4;
	v3 =	vor.u32 v1, v10;
	[tilespmem:v7+s15+$0x0] =	vst.idx.add.f32.msk $0xffff, v47  }
0x233: {  	v54 =	vshll.u32 v13, $0x4;
	v55 =	vadd.f32 $4.096000000e+03, v25;
	v60 =	vor.u32 v1, v58;
	[tilespmem:v8+s15+$0x0] =	vst.idx.add.f32.msk $0xffff, v50  }
0x234: {  	v57 =	vadd.f32 $4.096000000e+03, v26;
	[tilespmem:v9+s15+$0x0] =	vst.idx.add.f32.msk $0xffff, v52;
	v8 =	vor.u32 v1, v54;
	v2 =	vshll.u32 v2, $0x4  }
0x235: {  	v53 =	vadd.f32 $4.096000000e+03, v24;
	v6 =	vshll.u32 v44, $0x4;
	[tilespmem:v48+s15+$0x0] =	vst.idx.add.f32.msk $0xffff, v55;
	v2 =	vor.u32 v1, v2  }
0x236: {  	v56 =	vshll.u32 v14, $0x4;
	v63 =	vadd.f32 $4.096000000e+03, v31;
	[tilespmem:v51+s15+$0x0] =	vst.idx.add.f32.msk $0xffff, v57;
	v6 =	vor.u32 v1, v6  }
0x237: {  	v62 =	vadd.f32 $4.096000000e+03, v29;
	[tilespmem:v3+s15+$0x0] =	vst.idx.add.f32.msk $0xffff, v53;
	v3 =	vor.u32 v1, v56  }
0x238: {  	v59 =	vadd.f32 $4.096000000e+03, v27;
	[tilespmem:v60+s15+$0x0] =	vst.idx.add.f32.msk $0xffff, v63  }
0x239: {  	v61 =	vadd.f32 $4.096000000e+03, v28;
	[tilespmem:v8+s15+$0x0] =	vst.idx.add.f32.msk $0xffff, v62  }
0x23a: {  	[tilespmem:v2+s15+$0x0] =	vst.idx.add.f32.msk $0xffff, v59;
	v2 =	vadd.f32 $4.096000000e+03, v30  }
0x23b: {  	[tilespmem:v6+s15+$0x0] =	vst.idx.add.f32.msk $0xffff, v61  }
0x23c: {  	s26 =	simm.s32 $0x9E80;
	s25 =	simm.s32 $0x0;
	[tilespmem:v3+s15+$0x0] =	vst.idx.add.f32.msk $0xffff, v2  }
.LBB2_16:
0x23d: {  	v2 =	vld [tilespmem:s26+$0x70];
	s25 =	sadd.s32 $0x10, s25  }
0x23e: {  	v3 =	vld [tilespmem:s26+$0xFFFFFF90];
	p0 =	slt.u32 s25, $0x4D0  }
0x23f: {  	v4 =	vld [tilespmem:s26+$0xFFFFFFA0]  }
0x240: {  	s23 =	sadd.s32 $0x100, s23;
	v5 =	vld [tilespmem:s26+$0xFFFFFFB0]  }
0x241: {  	v6 =	vld [tilespmem:s23+$0x70]  }
0x242: {  	v7 =	vld [tilespmem:s26+$0xFFFFFFC0];
	v2 =	vshll.u32 v2, $0x4  }
0x243: {  	v3 =	vshll.u32 v3, $0x4;
	v8 =	vld [tilespmem:s26+$0xFFFFFFD0];
	v2 =	vor.u32 v1, v2  }
0x244: {  	v3 =	vor.u32 v1, v3;
	v4 =	vshll.u32 v4, $0x4;
	v9 =	vld [tilespmem:s26+$0xFFFFFFE0]  }
0x245: {  	v4 =	vor.u32 v1, v4;
	v5 =	vshll.u32 v5, $0x4;
	v10 =	vld [tilespmem:s26+$0xFFFFFFF0]  }
0x246: {  	v5 =	vor.u32 v1, v5;
	v11 =	vld [tilespmem:s26+$0x0];
	v6 =	vadd.f32 $4.096000000e+03, v6  }
0x247: {  	v7 =	vshll.u32 v7, $0x4;
	v12 =	vld [tilespmem:s26+$0x10]  }
0x248: {  	s28 =	simm.s32 $0x0;
	v7 =	vor.u32 v1, v7;
	v8 =	vshll.u32 v8, $0x4;
	[tilespmem:v2+s15+$0x0] =	vst.idx.add.f32.msk $0xffff, v6  }
0x249: {  	v2 =	vor.u32 v1, v8;
	v6 =	vshll.u32 v9, $0x4;
	v8 =	vld [tilespmem:s26+$0x20]  }
0x24a: {  	v6 =	vor.u32 v1, v6;
	v9 =	vshll.u32 v10, $0x4;
	v10 =	vld [tilespmem:s26+$0x30]  }
0x24b: {  	v9 =	vor.u32 v1, v9;
	v11 =	vshll.u32 v11, $0x4;
	v13 =	vld [tilespmem:s26+$0x40]  }
0x24c: {  	v11 =	vor.u32 v1, v11;
	v12 =	vshll.u32 v12, $0x4;
	v14 =	vld [tilespmem:s26+$0x50]  }
0x24d: {  	v12 =	vor.u32 v1, v12;
	v15 =	vld [tilespmem:s26+$0x60]  }
0x24e: {  	v16 =	vld [tilespmem:s26+$0xFFFFFF80];
	v8 =	vshll.u32 v8, $0x4  }
0x24f: {  	v17 =	vld [tilespmem:s23+$0xFFFFFF80];
	v8 =	vor.u32 v1, v8;
	v10 =	vshll.u32 v10, $0x4  }
0x250: {  	v18 =	vld [tilespmem:s23+$0xFFFFFF90];
	v10 =	vor.u32 v1, v10;
	v13 =	vshll.u32 v13, $0x4  }
0x251: {  	v19 =	vld [tilespmem:s23+$0xFFFFFFA0];
	v13 =	vor.u32 v1, v13;
	v14 =	vshll.u32 v14, $0x4  }
0x252: {  	v20 =	vld [tilespmem:s23+$0xFFFFFFB0];
	v14 =	vor.u32 v1, v14;
	v15 =	vshll.u32 v15, $0x4  }
0x253: {  	v16 =	vshll.u32 v16, $0x4;
	v21 =	vld [tilespmem:s23+$0xFFFFFFC0];
	v15 =	vor.u32 v1, v15  }
0x254: {  	v17 =	vadd.f32 $4.096000000e+03, v17;
	v16 =	vor.u32 v1, v16;
	v22 =	vld [tilespmem:s23+$0xFFFFFFD0]  }
0x255: {  	v18 =	vadd.f32 $4.096000000e+03, v18;
	v23 =	vld [tilespmem:s23+$0xFFFFFFE0]  }
0x256: {  	v19 =	vadd.f32 $4.096000000e+03, v19;
	v24 =	vld [tilespmem:s23+$0xFFFFFFF0]  }
0x257: {  	v20 =	vadd.f32 $4.096000000e+03, v20;
	v25 =	vld [tilespmem:s23+$0x0]  }
0x258: {  	v21 =	vadd.f32 $4.096000000e+03, v21;
	v26 =	vld [tilespmem:s23+$0x10]  }
0x259: {  	v22 =	vadd.f32 $4.096000000e+03, v22;
	v27 =	vld [tilespmem:s23+$0x20]  }
0x25a: {  	v23 =	vadd.f32 $4.096000000e+03, v23;
	v28 =	vld [tilespmem:s23+$0x30]  }
0x25b: {  	v24 =	vadd.f32 $4.096000000e+03, v24;
	v29 =	vld [tilespmem:s23+$0x40]  }
0x25c: {  	v25 =	vadd.f32 $4.096000000e+03, v25;
	v30 =	vld [tilespmem:s23+$0x50]  }
0x25d: {  	v26 =	vadd.f32 $4.096000000e+03, v26;
	v31 =	vld [tilespmem:s23+$0x60]  }
0x25e: {  	[tilespmem:v16+s15+$0x0] =	vst.idx.add.f32.msk $0xffff, v17;
	v16 =	vadd.f32 $4.096000000e+03, v27  }
0x25f: {  	[tilespmem:v3+s15+$0x0] =	vst.idx.add.f32.msk $0xffff, v18;
	v3 =	vadd.f32 $4.096000000e+03, v28  }
0x260: {  	[tilespmem:v4+s15+$0x0] =	vst.idx.add.f32.msk $0xffff, v19;
	v4 =	vadd.f32 $4.096000000e+03, v29  }
0x261: {  	[tilespmem:v5+s15+$0x0] =	vst.idx.add.f32.msk $0xffff, v20;
	v5 =	vadd.f32 $4.096000000e+03, v30  }
0x262: {  	[tilespmem:v7+s15+$0x0] =	vst.idx.add.f32.msk $0xffff, v21;
	v7 =	vadd.f32 $4.096000000e+03, v31  }
0x263: {  	[tilespmem:v2+s15+$0x0] =	vst.idx.add.f32.msk $0xffff, v22  }
0x264: {  	[tilespmem:v6+s15+$0x0] =	vst.idx.add.f32.msk $0xffff, v23  }
0x265: {  	[tilespmem:v9+s15+$0x0] =	vst.idx.add.f32.msk $0xffff, v24  }
0x266: {  	[tilespmem:v11+s15+$0x0] =	vst.idx.add.f32.msk $0xffff, v25  }
0x267: {  	[tilespmem:v12+s15+$0x0] =	vst.idx.add.f32.msk $0xffff, v26  }
.Ltmp9:
0x268: {  	[tilespmem:v8+s15+$0x0] =	vst.idx.add.f32.msk $0xffff, v16;
	(pc) =	sbr.rel @p0 .LBB2_16-.Ltmp9, $4  }
0x269: {  	[tilespmem:v10+s15+$0x0] =	vst.idx.add.f32.msk $0xffff, v3  }
0x26a: {  	[tilespmem:v13+s15+$0x0] =	vst.idx.add.f32.msk $0xffff, v4  }
0x26b: {  	[tilespmem:v14+s15+$0x0] =	vst.idx.add.f32.msk $0xffff, v5  }
0x26c: {  	s26 =	sadd.s32 $0x100, s26;
	[tilespmem:v15+s15+$0x0] =	vst.idx.add.f32.msk $0xffff, v7  }
.LBB2_17:
0x26d: {  	s23 =	sshra.s32 s28, $0x2  }
0x26e: {  	v2 =	vld [tilespmem:s23+$0xEB00];
	_ =	sdelay $0x3  }
0x26f: {  	v3 =	vld [tilespmem:s23+$0x4E00]  }
0x270: {  	v2 =	vshll.u32 v2, $0x4  }
0x271: {  	p0 =	sne.s32 s28, $0x40;
	v2 =	vor.u32 v1, v2  }
.Ltmp10:
0x272: {  	_ = 	snop;
	(pc) =	sbr.rel @p0 .LBB2_17-.Ltmp10, $3  }
0x273: {  	_ = 	snop  }
0x274: {  	v3 =	vadd.f32 $4.096000000e+03, v3;
	_ =	sdelay $0x1  }
0x275: {  	s28 =	sadd.s32 $0x40, s28;
	[tilespmem:v2+s15+$0x0] =	vst.idx.add.f32.msk $0xffff, v3  }
0x276: {  	_ =	swait.ge [sflag:s16], $0x4E20  }
0x277: {  	[sflag:s16] =	ssyncset.done $0x0  }
0x278: {  	[sflag:s16] =	ssyncadd.s32 $0xFFFFB1E0  }
0x279: {  	_ =	swait.ge [sflag:s17], $0x4E20  }
0x27a: {  	[sflag:s17] =	ssyncset.done $0x0  }
0x27b: {  	s21 =	rddreg [dreg:$0x11];
	[sflag:s17] =	ssyncadd.s32 $0xFFFFB1E0  }
0x27c: {  	[tilespmem:s22], [sflag:$0x1] =	stream.linear.gather [hbm4b:s21+s22], $0x4E20, $0x38;
	[tilespmem:$0x19200] =	vst v63  }
0x27d: {  	s25 =	simm.s32 $0xEC00;
	s31 =	rddreg [dreg:$0x12]  }
0x27e: {  	[tilespmem:s10], [sflag:$0x3] =	stream.linear.gather [hbm4b:s31+s22], $0x4E20, $0x38;
	[tilespmem:$0x19200] =	vst v63  }
0x27f: {  	v2 =	vld [tilespmem:s25+$0x70]  }
0x280: {  	v3 =	vld [tilespmem:s25+$0xFFFFFF90]  }
0x281: {  	v4 =	vld [tilespmem:s25+$0xFFFFFFA0]  }
0x282: {  	s23 =	simm.s32 $0x4F00;
	v5 =	vld [tilespmem:s25+$0xFFFFFFB0]  }
0x283: {  	v6 =	vld [tilespmem:s23+$0x70]  }
0x284: {  	v7 =	vld [tilespmem:s25+$0xFFFFFFC0]  }
0x285: {  	v8 =	vld [tilespmem:s25+$0xFFFFFFD0]  }
0x286: {  	v9 =	vld [tilespmem:s25+$0xFFFFFFE0]  }
0x287: {  	v10 =	vld [tilespmem:s25+$0xFFFFFFF0]  }
0x288: {  	v11 =	vld [tilespmem:s25+$0x0]  }
0x289: {  	v12 =	vld [tilespmem:s25+$0x10]  }
0x28a: {  	v44 =	vld [tilespmem:s25+$0x30]  }
0x28b: {  	v13 =	vld [tilespmem:s25+$0x40]  }
0x28c: {  	v14 =	vld [tilespmem:s25+$0x50]  }
0x28d: {  	v15 =	vld [tilespmem:s25+$0x60]  }
0x28e: {  	v16 =	vld [tilespmem:s25+$0xFFFFFF80]  }
0x28f: {  	v17 =	vld [tilespmem:s23+$0xFFFFFF80]  }
0x290: {  	v18 =	vld [tilespmem:s23+$0xFFFFFF90]  }
0x291: {  	v19 =	vld [tilespmem:s23+$0xFFFFFFA0]  }
0x292: {  	v20 =	vld [tilespmem:s23+$0xFFFFFFB0]  }
0x293: {  	v21 =	vld [tilespmem:s23+$0xFFFFFFC0]  }
0x294: {  	v22 =	vld [tilespmem:s23+$0xFFFFFFD0]  }
0x295: {  	v23 =	vld [tilespmem:s23+$0xFFFFFFE0]  }
0x296: {  	v24 =	vld [tilespmem:s23+$0xFFFFFFF0]  }
0x297: {  	v25 =	vld [tilespmem:s23+$0x0]  }
0x298: {  	v26 =	vld [tilespmem:s23+$0x10];
	v2 =	vshll.u32 v2, $0x4  }
0x299: {  	v27 =	vld [tilespmem:s23+$0x20];
	v2 =	vor.u32 v1, v2  }
0x29a: {  	v28 =	vld [tilespmem:s23+$0x30];
	v16 =	vshll.u32 v16, $0x4  }
0x29b: {  	v29 =	vld [tilespmem:s23+$0x40];
	v3 =	vshll.u32 v3, $0x4;
	v16 =	vor.u32 v1, v16  }
0x29c: {  	v30 =	vld [tilespmem:s23+$0x50];
	v6 =	vadd.f32 $4.096000000e+03, v6;
	v4 =	vshll.u32 v4, $0x4;
	v3 =	vor.u32 v1, v3  }
0x29d: {  	v31 =	vld [tilespmem:s23+$0x60];
	v5 =	vshll.u32 v5, $0x4;
	v4 =	vor.u32 v1, v4  }
0x29e: {  	v7 =	vshll.u32 v7, $0x4;
	v17 =	vadd.f32 $4.096000000e+03, v17;
	v5 =	vor.u32 v1, v5;
	[tilespmem:v2+s15+$0x0] =	vst.idx.add.f32.msk $0xffff, v6  }
0x29f: {  	v8 =	vshll.u32 v8, $0x4;
	v18 =	vadd.f32 $4.096000000e+03, v18;
	v7 =	vor.u32 v1, v7;
	v2 =	vld [tilespmem:s25+$0x20]  }
0x2a0: {  	v9 =	vshll.u32 v9, $0x4;
	v19 =	vadd.f32 $4.096000000e+03, v19;
	v8 =	vor.u32 v1, v8;
	[tilespmem:v16+s15+$0x0] =	vst.idx.add.f32.msk $0xffff, v17  }
0x2a1: {  	v45 =	vadd.f32 $4.096000000e+03, v20;
	v46 =	vshll.u32 v11, $0x4;
	v9 =	vor.u32 v1, v9;
	[tilespmem:v3+s15+$0x0] =	vst.idx.add.f32.msk $0xffff, v18  }
0x2a2: {  	v47 =	vadd.f32 $4.096000000e+03, v21;
	v49 =	vshll.u32 v12, $0x4;
	v48 =	vor.u32 v1, v46;
	[tilespmem:v4+s15+$0x0] =	vst.idx.add.f32.msk $0xffff, v19  }
0x2a3: {  	v10 =	vshll.u32 v10, $0x4;
	v50 =	vadd.f32 $4.096000000e+03, v22;
	v51 =	vor.u32 v1, v49;
	[tilespmem:v5+s15+$0x0] =	vst.idx.add.f32.msk $0xffff, v45  }
0x2a4: {  	v52 =	vadd.f32 $4.096000000e+03, v23;
	v58 =	vshll.u32 v15, $0x4;
	v3 =	vor.u32 v1, v10;
	[tilespmem:v7+s15+$0x0] =	vst.idx.add.f32.msk $0xffff, v47  }
0x2a5: {  	v54 =	vshll.u32 v13, $0x4;
	v55 =	vadd.f32 $4.096000000e+03, v25;
	v60 =	vor.u32 v1, v58;
	[tilespmem:v8+s15+$0x0] =	vst.idx.add.f32.msk $0xffff, v50  }
0x2a6: {  	v57 =	vadd.f32 $4.096000000e+03, v26;
	[tilespmem:v9+s15+$0x0] =	vst.idx.add.f32.msk $0xffff, v52;
	v8 =	vor.u32 v1, v54;
	v2 =	vshll.u32 v2, $0x4  }
0x2a7: {  	v53 =	vadd.f32 $4.096000000e+03, v24;
	v6 =	vshll.u32 v44, $0x4;
	[tilespmem:v48+s15+$0x0] =	vst.idx.add.f32.msk $0xffff, v55;
	v2 =	vor.u32 v1, v2  }
0x2a8: {  	v56 =	vshll.u32 v14, $0x4;
	v63 =	vadd.f32 $4.096000000e+03, v31;
	[tilespmem:v51+s15+$0x0] =	vst.idx.add.f32.msk $0xffff, v57;
	v6 =	vor.u32 v1, v6  }
0x2a9: {  	v62 =	vadd.f32 $4.096000000e+03, v29;
	[tilespmem:v3+s15+$0x0] =	vst.idx.add.f32.msk $0xffff, v53;
	v3 =	vor.u32 v1, v56  }
0x2aa: {  	v59 =	vadd.f32 $4.096000000e+03, v27;
	[tilespmem:v60+s15+$0x0] =	vst.idx.add.f32.msk $0xffff, v63  }
0x2ab: {  	v61 =	vadd.f32 $4.096000000e+03, v28;
	[tilespmem:v8+s15+$0x0] =	vst.idx.add.f32.msk $0xffff, v62  }
0x2ac: {  	[tilespmem:v2+s15+$0x0] =	vst.idx.add.f32.msk $0xffff, v59;
	v2 =	vadd.f32 $4.096000000e+03, v30  }
0x2ad: {  	[tilespmem:v6+s15+$0x0] =	vst.idx.add.f32.msk $0xffff, v61  }
0x2ae: {  	s26 =	simm.s32 $0xED00;
	s25 =	simm.s32 $0x0;
	[tilespmem:v3+s15+$0x0] =	vst.idx.add.f32.msk $0xffff, v2  }
.LBB2_19:
0x2af: {  	v2 =	vld [tilespmem:s26+$0x70];
	s25 =	sadd.s32 $0x10, s25  }
0x2b0: {  	v3 =	vld [tilespmem:s26+$0xFFFFFF90];
	p0 =	slt.u32 s25, $0x4D0  }
0x2b1: {  	v4 =	vld [tilespmem:s26+$0xFFFFFFA0]  }
0x2b2: {  	s23 =	sadd.s32 $0x100, s23;
	v5 =	vld [tilespmem:s26+$0xFFFFFFB0]  }
0x2b3: {  	v6 =	vld [tilespmem:s23+$0x70]  }
0x2b4: {  	v7 =	vld [tilespmem:s26+$0xFFFFFFC0];
	v2 =	vshll.u32 v2, $0x4  }
0x2b5: {  	v3 =	vshll.u32 v3, $0x4;
	v8 =	vld [tilespmem:s26+$0xFFFFFFD0];
	v2 =	vor.u32 v1, v2  }
0x2b6: {  	v3 =	vor.u32 v1, v3;
	v4 =	vshll.u32 v4, $0x4;
	v9 =	vld [tilespmem:s26+$0xFFFFFFE0]  }
0x2b7: {  	v4 =	vor.u32 v1, v4;
	v5 =	vshll.u32 v5, $0x4;
	v10 =	vld [tilespmem:s26+$0xFFFFFFF0]  }
0x2b8: {  	v5 =	vor.u32 v1, v5;
	v11 =	vld [tilespmem:s26+$0x0];
	v6 =	vadd.f32 $4.096000000e+03, v6  }
0x2b9: {  	v7 =	vshll.u32 v7, $0x4;
	v12 =	vld [tilespmem:s26+$0x10]  }
0x2ba: {  	s28 =	simm.s32 $0x0;
	v7 =	vor.u32 v1, v7;
	v8 =	vshll.u32 v8, $0x4;
	[tilespmem:v2+s15+$0x0] =	vst.idx.add.f32.msk $0xffff, v6  }
0x2bb: {  	v2 =	vor.u32 v1, v8;
	v6 =	vshll.u32 v9, $0x4;
	v8 =	vld [tilespmem:s26+$0x20]  }
0x2bc: {  	v6 =	vor.u32 v1, v6;
	v9 =	vshll.u32 v10, $0x4;
	v10 =	vld [tilespmem:s26+$0x30]  }
0x2bd: {  	v9 =	vor.u32 v1, v9;
	v11 =	vshll.u32 v11, $0x4;
	v13 =	vld [tilespmem:s26+$0x40]  }
0x2be: {  	v11 =	vor.u32 v1, v11;
	v12 =	vshll.u32 v12, $0x4;
	v14 =	vld [tilespmem:s26+$0x50]  }
0x2bf: {  	v12 =	vor.u32 v1, v12;
	v15 =	vld [tilespmem:s26+$0x60]  }
0x2c0: {  	v16 =	vld [tilespmem:s26+$0xFFFFFF80];
	v8 =	vshll.u32 v8, $0x4  }
0x2c1: {  	v17 =	vld [tilespmem:s23+$0xFFFFFF80];
	v8 =	vor.u32 v1, v8;
	v10 =	vshll.u32 v10, $0x4  }
0x2c2: {  	v18 =	vld [tilespmem:s23+$0xFFFFFF90];
	v10 =	vor.u32 v1, v10;
	v13 =	vshll.u32 v13, $0x4  }
0x2c3: {  	v19 =	vld [tilespmem:s23+$0xFFFFFFA0];
	v13 =	vor.u32 v1, v13;
	v14 =	vshll.u32 v14, $0x4  }
0x2c4: {  	v20 =	vld [tilespmem:s23+$0xFFFFFFB0];
	v14 =	vor.u32 v1, v14;
	v15 =	vshll.u32 v15, $0x4  }
0x2c5: {  	v16 =	vshll.u32 v16, $0x4;
	v21 =	vld [tilespmem:s23+$0xFFFFFFC0];
	v15 =	vor.u32 v1, v15  }
0x2c6: {  	v17 =	vadd.f32 $4.096000000e+03, v17;
	v16 =	vor.u32 v1, v16;
	v22 =	vld [tilespmem:s23+$0xFFFFFFD0]  }
0x2c7: {  	v18 =	vadd.f32 $4.096000000e+03, v18;
	v23 =	vld [tilespmem:s23+$0xFFFFFFE0]  }
0x2c8: {  	v19 =	vadd.f32 $4.096000000e+03, v19;
	v24 =	vld [tilespmem:s23+$0xFFFFFFF0]  }
0x2c9: {  	v20 =	vadd.f32 $4.096000000e+03, v20;
	v25 =	vld [tilespmem:s23+$0x0]  }
0x2ca: {  	v21 =	vadd.f32 $4.096000000e+03, v21;
	v26 =	vld [tilespmem:s23+$0x10]  }
0x2cb: {  	v22 =	vadd.f32 $4.096000000e+03, v22;
	v27 =	vld [tilespmem:s23+$0x20]  }
0x2cc: {  	v23 =	vadd.f32 $4.096000000e+03, v23;
	v28 =	vld [tilespmem:s23+$0x30]  }
0x2cd: {  	v24 =	vadd.f32 $4.096000000e+03, v24;
	v29 =	vld [tilespmem:s23+$0x40]  }
0x2ce: {  	v25 =	vadd.f32 $4.096000000e+03, v25;
	v30 =	vld [tilespmem:s23+$0x50]  }
0x2cf: {  	v26 =	vadd.f32 $4.096000000e+03, v26;
	v31 =	vld [tilespmem:s23+$0x60]  }
0x2d0: {  	[tilespmem:v16+s15+$0x0] =	vst.idx.add.f32.msk $0xffff, v17;
	v16 =	vadd.f32 $4.096000000e+03, v27  }
0x2d1: {  	[tilespmem:v3+s15+$0x0] =	vst.idx.add.f32.msk $0xffff, v18;
	v3 =	vadd.f32 $4.096000000e+03, v28  }
0x2d2: {  	[tilespmem:v4+s15+$0x0] =	vst.idx.add.f32.msk $0xffff, v19;
	v4 =	vadd.f32 $4.096000000e+03, v29  }
0x2d3: {  	[tilespmem:v5+s15+$0x0] =	vst.idx.add.f32.msk $0xffff, v20;
	v5 =	vadd.f32 $4.096000000e+03, v30  }
0x2d4: {  	[tilespmem:v7+s15+$0x0] =	vst.idx.add.f32.msk $0xffff, v21;
	v7 =	vadd.f32 $4.096000000e+03, v31  }
0x2d5: {  	[tilespmem:v2+s15+$0x0] =	vst.idx.add.f32.msk $0xffff, v22  }
0x2d6: {  	[tilespmem:v6+s15+$0x0] =	vst.idx.add.f32.msk $0xffff, v23  }
0x2d7: {  	[tilespmem:v9+s15+$0x0] =	vst.idx.add.f32.msk $0xffff, v24  }
0x2d8: {  	[tilespmem:v11+s15+$0x0] =	vst.idx.add.f32.msk $0xffff, v25  }
0x2d9: {  	[tilespmem:v12+s15+$0x0] =	vst.idx.add.f32.msk $0xffff, v26  }
.Ltmp11:
0x2da: {  	[tilespmem:v8+s15+$0x0] =	vst.idx.add.f32.msk $0xffff, v16;
	(pc) =	sbr.rel @p0 .LBB2_19-.Ltmp11, $4  }
0x2db: {  	[tilespmem:v10+s15+$0x0] =	vst.idx.add.f32.msk $0xffff, v3  }
0x2dc: {  	[tilespmem:v13+s15+$0x0] =	vst.idx.add.f32.msk $0xffff, v4  }
0x2dd: {  	[tilespmem:v14+s15+$0x0] =	vst.idx.add.f32.msk $0xffff, v5  }
0x2de: {  	s26 =	sadd.s32 $0x100, s26;
	[tilespmem:v15+s15+$0x0] =	vst.idx.add.f32.msk $0xffff, v7  }
.LBB2_20:
0x2df: {  	s23 =	sshra.s32 s28, $0x2  }
0x2e0: {  	v2 =	vld [tilespmem:s23+$0x13980];
	_ =	sdelay $0x3  }
0x2e1: {  	v3 =	vld [tilespmem:s23+$0x9C80]  }
0x2e2: {  	v2 =	vshll.u32 v2, $0x4  }
0x2e3: {  	p0 =	sne.s32 s28, $0x40;
	v2 =	vor.u32 v1, v2  }
.Ltmp12:
0x2e4: {  	_ = 	snop;
	(pc) =	sbr.rel @p0 .LBB2_20-.Ltmp12, $3  }
0x2e5: {  	_ = 	snop  }
0x2e6: {  	v3 =	vadd.f32 $4.096000000e+03, v3;
	_ =	sdelay $0x1  }
0x2e7: {  	s28 =	sadd.s32 $0x40, s28;
	[tilespmem:v2+s15+$0x0] =	vst.idx.add.f32.msk $0xffff, v3  }
0x2e8: {  	_ =	swait.ge [sflag:s11], $0x4E20  }
0x2e9: {  	[sflag:s11] =	ssyncset.done $0x0  }
0x2ea: {  	[sflag:s11] =	ssyncadd.s32 $0xFFFFB1E0  }
0x2eb: {  	_ =	swait.ge [sflag:s12], $0x4E20  }
0x2ec: {  	[sflag:s12] =	ssyncset.done $0x0  }
0x2ed: {  	s21 =	rddreg [dreg:$0x13];
	[sflag:s12] =	ssyncadd.s32 $0xFFFFB1E0  }
0x2ee: {  	[tilespmem:s13], [sflag:$0x2] =	stream.linear.gather [hbm4b:s21+s22], $0x4E20, $0x38;
	[tilespmem:$0x19200] =	vst v63  }
0x2ef: {  	s25 =	simm.s32 $0x9D80;
	s31 =	rddreg [dreg:$0x14]  }
0x2f0: {  	[tilespmem:s14], [sflag:$0x4] =	stream.linear.gather [hbm4b:s31+s22], $0x4E20, $0x38;
	[tilespmem:$0x19200] =	vst v63  }
0x2f1: {  	v2 =	vld [tilespmem:s25+$0x70]  }
0x2f2: {  	v3 =	vld [tilespmem:s25+$0xFFFFFF90]  }
0x2f3: {  	v4 =	vld [tilespmem:s25+$0xFFFFFFA0]  }
0x2f4: {  	s23 =	simm.s32 $0x80;
	v5 =	vld [tilespmem:s25+$0xFFFFFFB0]  }
0x2f5: {  	v6 =	vld [tilespmem:s23+$0x70]  }
0x2f6: {  	v7 =	vld [tilespmem:s25+$0xFFFFFFC0]  }
0x2f7: {  	v8 =	vld [tilespmem:s25+$0xFFFFFFD0]  }
0x2f8: {  	v9 =	vld [tilespmem:s25+$0xFFFFFFE0]  }
0x2f9: {  	v10 =	vld [tilespmem:s25+$0xFFFFFFF0]  }
0x2fa: {  	v11 =	vld [tilespmem:s25+$0x0]  }
0x2fb: {  	v12 =	vld [tilespmem:s25+$0x10]  }
0x2fc: {  	v44 =	vld [tilespmem:s25+$0x30]  }
0x2fd: {  	v13 =	vld [tilespmem:s25+$0x40]  }
0x2fe: {  	v14 =	vld [tilespmem:s25+$0x50]  }
0x2ff: {  	v15 =	vld [tilespmem:s25+$0x60]  }
0x300: {  	v16 =	vld [tilespmem:s25+$0xFFFFFF80]  }
0x301: {  	v17 =	vld [tilespmem:s23+$0xFFFFFF80]  }
0x302: {  	v18 =	vld [tilespmem:s23+$0xFFFFFF90]  }
0x303: {  	v19 =	vld [tilespmem:s23+$0xFFFFFFA0]  }
0x304: {  	v20 =	vld [tilespmem:s23+$0xFFFFFFB0]  }
0x305: {  	v21 =	vld [tilespmem:s23+$0xFFFFFFC0]  }
0x306: {  	v22 =	vld [tilespmem:s23+$0xFFFFFFD0]  }
0x307: {  	v23 =	vld [tilespmem:s23+$0xFFFFFFE0]  }
0x308: {  	v24 =	vld [tilespmem:s23+$0xFFFFFFF0]  }
0x309: {  	v25 =	vld [tilespmem:s23+$0x0]  }
0x30a: {  	v26 =	vld [tilespmem:s23+$0x10];
	v2 =	vshll.u32 v2, $0x4  }
0x30b: {  	v27 =	vld [tilespmem:s23+$0x20];
	v2 =	vor.u32 v1, v2  }
0x30c: {  	v28 =	vld [tilespmem:s23+$0x30];
	v16 =	vshll.u32 v16, $0x4  }
0x30d: {  	v29 =	vld [tilespmem:s23+$0x40];
	v3 =	vshll.u32 v3, $0x4;
	v16 =	vor.u32 v1, v16  }
0x30e: {  	v30 =	vld [tilespmem:s23+$0x50];
	v6 =	vadd.f32 $4.096000000e+03, v6;
	v4 =	vshll.u32 v4, $0x4;
	v3 =	vor.u32 v1, v3  }
0x30f: {  	v31 =	vld [tilespmem:s23+$0x60];
	v5 =	vshll.u32 v5, $0x4;
	v4 =	vor.u32 v1, v4  }
0x310: {  	v7 =	vshll.u32 v7, $0x4;
	v17 =	vadd.f32 $4.096000000e+03, v17;
	v5 =	vor.u32 v1, v5;
	[tilespmem:v2+s15+$0x0] =	vst.idx.add.f32.msk $0xffff, v6  }
0x311: {  	v8 =	vshll.u32 v8, $0x4;
	v18 =	vadd.f32 $4.096000000e+03, v18;
	v7 =	vor.u32 v1, v7;
	v2 =	vld [tilespmem:s25+$0x20]  }
0x312: {  	v9 =	vshll.u32 v9, $0x4;
	v19 =	vadd.f32 $4.096000000e+03, v19;
	v8 =	vor.u32 v1, v8;
	[tilespmem:v16+s15+$0x0] =	vst.idx.add.f32.msk $0xffff, v17  }
0x313: {  	v45 =	vadd.f32 $4.096000000e+03, v20;
	v46 =	vshll.u32 v11, $0x4;
	v9 =	vor.u32 v1, v9;
	[tilespmem:v3+s15+$0x0] =	vst.idx.add.f32.msk $0xffff, v18  }
0x314: {  	v47 =	vadd.f32 $4.096000000e+03, v21;
	v49 =	vshll.u32 v12, $0x4;
	v48 =	vor.u32 v1, v46;
	[tilespmem:v4+s15+$0x0] =	vst.idx.add.f32.msk $0xffff, v19  }
0x315: {  	v10 =	vshll.u32 v10, $0x4;
	v50 =	vadd.f32 $4.096000000e+03, v22;
	v51 =	vor.u32 v1, v49;
	[tilespmem:v5+s15+$0x0] =	vst.idx.add.f32.msk $0xffff, v45  }
0x316: {  	v52 =	vadd.f32 $4.096000000e+03, v23;
	v58 =	vshll.u32 v15, $0x4;
	v3 =	vor.u32 v1, v10;
	[tilespmem:v7+s15+$0x0] =	vst.idx.add.f32.msk $0xffff, v47  }
0x317: {  	v54 =	vshll.u32 v13, $0x4;
	v55 =	vadd.f32 $4.096000000e+03, v25;
	v60 =	vor.u32 v1, v58;
	[tilespmem:v8+s15+$0x0] =	vst.idx.add.f32.msk $0xffff, v50  }
0x318: {  	v57 =	vadd.f32 $4.096000000e+03, v26;
	[tilespmem:v9+s15+$0x0] =	vst.idx.add.f32.msk $0xffff, v52;
	v8 =	vor.u32 v1, v54;
	v2 =	vshll.u32 v2, $0x4  }
0x319: {  	v53 =	vadd.f32 $4.096000000e+03, v24;
	v6 =	vshll.u32 v44, $0x4;
	[tilespmem:v48+s15+$0x0] =	vst.idx.add.f32.msk $0xffff, v55;
	v2 =	vor.u32 v1, v2  }
0x31a: {  	v56 =	vshll.u32 v14, $0x4;
	v63 =	vadd.f32 $4.096000000e+03, v31;
	[tilespmem:v51+s15+$0x0] =	vst.idx.add.f32.msk $0xffff, v57;
	v6 =	vor.u32 v1, v6  }
0x31b: {  	v62 =	vadd.f32 $4.096000000e+03, v29;
	[tilespmem:v3+s15+$0x0] =	vst.idx.add.f32.msk $0xffff, v53;
	v3 =	vor.u32 v1, v56  }
0x31c: {  	v59 =	vadd.f32 $4.096000000e+03, v27;
	[tilespmem:v60+s15+$0x0] =	vst.idx.add.f32.msk $0xffff, v63  }
0x31d: {  	v61 =	vadd.f32 $4.096000000e+03, v28;
	[tilespmem:v8+s15+$0x0] =	vst.idx.add.f32.msk $0xffff, v62  }
0x31e: {  	[tilespmem:v2+s15+$0x0] =	vst.idx.add.f32.msk $0xffff, v59;
	v2 =	vadd.f32 $4.096000000e+03, v30  }
0x31f: {  	[tilespmem:v6+s15+$0x0] =	vst.idx.add.f32.msk $0xffff, v61  }
0x320: {  	s26 =	simm.s32 $0x9E80;
	s25 =	simm.s32 $0x0;
	[tilespmem:v3+s15+$0x0] =	vst.idx.add.f32.msk $0xffff, v2  }
.LBB2_22:
0x321: {  	v2 =	vld [tilespmem:s26+$0x70];
	s25 =	sadd.s32 $0x10, s25  }
0x322: {  	v3 =	vld [tilespmem:s26+$0xFFFFFF90];
	p0 =	slt.u32 s25, $0x4D0  }
0x323: {  	v4 =	vld [tilespmem:s26+$0xFFFFFFA0]  }
0x324: {  	s23 =	sadd.s32 $0x100, s23;
	v5 =	vld [tilespmem:s26+$0xFFFFFFB0]  }
0x325: {  	v6 =	vld [tilespmem:s23+$0x70]  }
0x326: {  	v7 =	vld [tilespmem:s26+$0xFFFFFFC0];
	v2 =	vshll.u32 v2, $0x4  }
0x327: {  	v3 =	vshll.u32 v3, $0x4;
	v8 =	vld [tilespmem:s26+$0xFFFFFFD0];
	v2 =	vor.u32 v1, v2  }
0x328: {  	v3 =	vor.u32 v1, v3;
	v4 =	vshll.u32 v4, $0x4;
	v9 =	vld [tilespmem:s26+$0xFFFFFFE0]  }
0x329: {  	v4 =	vor.u32 v1, v4;
	v5 =	vshll.u32 v5, $0x4;
	v10 =	vld [tilespmem:s26+$0xFFFFFFF0]  }
0x32a: {  	v5 =	vor.u32 v1, v5;
	v11 =	vld [tilespmem:s26+$0x0];
	v6 =	vadd.f32 $4.096000000e+03, v6  }
0x32b: {  	v7 =	vshll.u32 v7, $0x4;
	v12 =	vld [tilespmem:s26+$0x10]  }
0x32c: {  	s28 =	simm.s32 $0x0;
	v7 =	vor.u32 v1, v7;
	v8 =	vshll.u32 v8, $0x4;
	[tilespmem:v2+s15+$0x0] =	vst.idx.add.f32.msk $0xffff, v6  }
0x32d: {  	v2 =	vor.u32 v1, v8;
	v6 =	vshll.u32 v9, $0x4;
	v8 =	vld [tilespmem:s26+$0x20]  }
0x32e: {  	v6 =	vor.u32 v1, v6;
	v9 =	vshll.u32 v10, $0x4;
	v10 =	vld [tilespmem:s26+$0x30]  }
0x32f: {  	v9 =	vor.u32 v1, v9;
	v11 =	vshll.u32 v11, $0x4;
	v13 =	vld [tilespmem:s26+$0x40]  }
0x330: {  	v11 =	vor.u32 v1, v11;
	v12 =	vshll.u32 v12, $0x4;
	v14 =	vld [tilespmem:s26+$0x50]  }
0x331: {  	v12 =	vor.u32 v1, v12;
	v15 =	vld [tilespmem:s26+$0x60]  }
0x332: {  	v16 =	vld [tilespmem:s26+$0xFFFFFF80];
	v8 =	vshll.u32 v8, $0x4  }
0x333: {  	v17 =	vld [tilespmem:s23+$0xFFFFFF80];
	v8 =	vor.u32 v1, v8;
	v10 =	vshll.u32 v10, $0x4  }
0x334: {  	v18 =	vld [tilespmem:s23+$0xFFFFFF90];
	v10 =	vor.u32 v1, v10;
	v13 =	vshll.u32 v13, $0x4  }
0x335: {  	v19 =	vld [tilespmem:s23+$0xFFFFFFA0];
	v13 =	vor.u32 v1, v13;
	v14 =	vshll.u32 v14, $0x4  }
0x336: {  	v20 =	vld [tilespmem:s23+$0xFFFFFFB0];
	v14 =	vor.u32 v1, v14;
	v15 =	vshll.u32 v15, $0x4  }
0x337: {  	v16 =	vshll.u32 v16, $0x4;
	v21 =	vld [tilespmem:s23+$0xFFFFFFC0];
	v15 =	vor.u32 v1, v15  }
0x338: {  	v17 =	vadd.f32 $4.096000000e+03, v17;
	v16 =	vor.u32 v1, v16;
	v22 =	vld [tilespmem:s23+$0xFFFFFFD0]  }
0x339: {  	v18 =	vadd.f32 $4.096000000e+03, v18;
	v23 =	vld [tilespmem:s23+$0xFFFFFFE0]  }
0x33a: {  	v19 =	vadd.f32 $4.096000000e+03, v19;
	v24 =	vld [tilespmem:s23+$0xFFFFFFF0]  }
0x33b: {  	v20 =	vadd.f32 $4.096000000e+03, v20;
	v25 =	vld [tilespmem:s23+$0x0]  }
0x33c: {  	v21 =	vadd.f32 $4.096000000e+03, v21;
	v26 =	vld [tilespmem:s23+$0x10]  }
0x33d: {  	v22 =	vadd.f32 $4.096000000e+03, v22;
	v27 =	vld [tilespmem:s23+$0x20]  }
0x33e: {  	v23 =	vadd.f32 $4.096000000e+03, v23;
	v28 =	vld [tilespmem:s23+$0x30]  }
0x33f: {  	v24 =	vadd.f32 $4.096000000e+03, v24;
	v29 =	vld [tilespmem:s23+$0x40]  }
0x340: {  	v25 =	vadd.f32 $4.096000000e+03, v25;
	v30 =	vld [tilespmem:s23+$0x50]  }
0x341: {  	v26 =	vadd.f32 $4.096000000e+03, v26;
	v31 =	vld [tilespmem:s23+$0x60]  }
0x342: {  	[tilespmem:v16+s15+$0x0] =	vst.idx.add.f32.msk $0xffff, v17;
	v16 =	vadd.f32 $4.096000000e+03, v27  }
0x343: {  	[tilespmem:v3+s15+$0x0] =	vst.idx.add.f32.msk $0xffff, v18;
	v3 =	vadd.f32 $4.096000000e+03, v28  }
0x344: {  	[tilespmem:v4+s15+$0x0] =	vst.idx.add.f32.msk $0xffff, v19;
	v4 =	vadd.f32 $4.096000000e+03, v29  }
0x345: {  	[tilespmem:v5+s15+$0x0] =	vst.idx.add.f32.msk $0xffff, v20;
	v5 =	vadd.f32 $4.096000000e+03, v30  }
0x346: {  	[tilespmem:v7+s15+$0x0] =	vst.idx.add.f32.msk $0xffff, v21;
	v7 =	vadd.f32 $4.096000000e+03, v31  }
0x347: {  	[tilespmem:v2+s15+$0x0] =	vst.idx.add.f32.msk $0xffff, v22  }
0x348: {  	[tilespmem:v6+s15+$0x0] =	vst.idx.add.f32.msk $0xffff, v23  }
0x349: {  	[tilespmem:v9+s15+$0x0] =	vst.idx.add.f32.msk $0xffff, v24  }
0x34a: {  	[tilespmem:v11+s15+$0x0] =	vst.idx.add.f32.msk $0xffff, v25  }
0x34b: {  	[tilespmem:v12+s15+$0x0] =	vst.idx.add.f32.msk $0xffff, v26  }
.Ltmp13:
0x34c: {  	[tilespmem:v8+s15+$0x0] =	vst.idx.add.f32.msk $0xffff, v16;
	(pc) =	sbr.rel @p0 .LBB2_22-.Ltmp13, $4  }
0x34d: {  	[tilespmem:v10+s15+$0x0] =	vst.idx.add.f32.msk $0xffff, v3  }
0x34e: {  	[tilespmem:v13+s15+$0x0] =	vst.idx.add.f32.msk $0xffff, v4  }
0x34f: {  	[tilespmem:v14+s15+$0x0] =	vst.idx.add.f32.msk $0xffff, v5  }
0x350: {  	s26 =	sadd.s32 $0x100, s26;
	[tilespmem:v15+s15+$0x0] =	vst.idx.add.f32.msk $0xffff, v7  }
.LBB2_23:
0x351: {  	s23 =	sshra.s32 s28, $0x2  }
0x352: {  	v2 =	vld [tilespmem:s23+$0xEB00];
	_ =	sdelay $0x3  }
0x353: {  	v3 =	vld [tilespmem:s23+$0x4E00]  }
0x354: {  	v2 =	vshll.u32 v2, $0x4  }
0x355: {  	p0 =	sne.s32 s28, $0x40;
	v2 =	vor.u32 v1, v2  }
.Ltmp14:
0x356: {  	_ = 	snop;
	(pc) =	sbr.rel @p0 .LBB2_23-.Ltmp14, $3  }
0x357: {  	_ = 	snop  }
0x358: {  	v3 =	vadd.f32 $4.096000000e+03, v3;
	_ =	sdelay $0x1  }
0x359: {  	s28 =	sadd.s32 $0x40, s28;
	[tilespmem:v2+s15+$0x0] =	vst.idx.add.f32.msk $0xffff, v3  }
0x35a: {  	_ =	swait.ge [sflag:s16], $0x4E20  }
0x35b: {  	[sflag:s16] =	ssyncset.done $0x0  }
0x35c: {  	[sflag:s16] =	ssyncadd.s32 $0xFFFFB1E0  }
0x35d: {  	_ =	swait.ge [sflag:s17], $0x4E20  }
0x35e: {  	[sflag:s17] =	ssyncset.done $0x0  }
0x35f: {  	s21 =	rddreg [dreg:$0x15];
	[sflag:s17] =	ssyncadd.s32 $0xFFFFB1E0  }
0x360: {  	[tilespmem:s22], [sflag:$0x1] =	stream.linear.gather [hbm4b:s21+s22], $0x4E20, $0x38;
	[tilespmem:$0x19200] =	vst v63  }
0x361: {  	s25 =	simm.s32 $0xEC00;
	s31 =	rddreg [dreg:$0x16]  }
0x362: {  	[tilespmem:s10], [sflag:$0x3] =	stream.linear.gather [hbm4b:s31+s22], $0x4E20, $0x38;
	[tilespmem:$0x19200] =	vst v63  }
0x363: {  	v2 =	vld [tilespmem:s25+$0x70]  }
0x364: {  	v3 =	vld [tilespmem:s25+$0xFFFFFF90]  }
0x365: {  	v4 =	vld [tilespmem:s25+$0xFFFFFFA0]  }
0x366: {  	s23 =	simm.s32 $0x4F00;
	v5 =	vld [tilespmem:s25+$0xFFFFFFB0]  }
0x367: {  	v6 =	vld [tilespmem:s23+$0x70]  }
0x368: {  	v7 =	vld [tilespmem:s25+$0xFFFFFFC0]  }
0x369: {  	v8 =	vld [tilespmem:s25+$0xFFFFFFD0]  }
0x36a: {  	v9 =	vld [tilespmem:s25+$0xFFFFFFE0]  }
0x36b: {  	v10 =	vld [tilespmem:s25+$0xFFFFFFF0]  }
0x36c: {  	v11 =	vld [tilespmem:s25+$0x0]  }
0x36d: {  	v12 =	vld [tilespmem:s25+$0x10]  }
0x36e: {  	v44 =	vld [tilespmem:s25+$0x30]  }
0x36f: {  	v13 =	vld [tilespmem:s25+$0x40]  }
0x370: {  	v14 =	vld [tilespmem:s25+$0x50]  }
0x371: {  	v15 =	vld [tilespmem:s25+$0x60]  }
0x372: {  	v16 =	vld [tilespmem:s25+$0xFFFFFF80]  }
0x373: {  	v17 =	vld [tilespmem:s23+$0xFFFFFF80]  }
0x374: {  	v18 =	vld [tilespmem:s23+$0xFFFFFF90]  }
0x375: {  	v19 =	vld [tilespmem:s23+$0xFFFFFFA0]  }
0x376: {  	v20 =	vld [tilespmem:s23+$0xFFFFFFB0]  }
0x377: {  	v21 =	vld [tilespmem:s23+$0xFFFFFFC0]  }
0x378: {  	v22 =	vld [tilespmem:s23+$0xFFFFFFD0]  }
0x379: {  	v23 =	vld [tilespmem:s23+$0xFFFFFFE0]  }
0x37a: {  	v24 =	vld [tilespmem:s23+$0xFFFFFFF0]  }
0x37b: {  	v25 =	vld [tilespmem:s23+$0x0]  }
0x37c: {  	v26 =	vld [tilespmem:s23+$0x10];
	v2 =	vshll.u32 v2, $0x4  }
0x37d: {  	v27 =	vld [tilespmem:s23+$0x20];
	v2 =	vor.u32 v1, v2  }
0x37e: {  	v28 =	vld [tilespmem:s23+$0x30];
	v16 =	vshll.u32 v16, $0x4  }
0x37f: {  	v29 =	vld [tilespmem:s23+$0x40];
	v3 =	vshll.u32 v3, $0x4;
	v16 =	vor.u32 v1, v16  }
0x380: {  	v30 =	vld [tilespmem:s23+$0x50];
	v6 =	vadd.f32 $4.096000000e+03, v6;
	v4 =	vshll.u32 v4, $0x4;
	v3 =	vor.u32 v1, v3  }
0x381: {  	v31 =	vld [tilespmem:s23+$0x60];
	v5 =	vshll.u32 v5, $0x4;
	v4 =	vor.u32 v1, v4  }
0x382: {  	v7 =	vshll.u32 v7, $0x4;
	v17 =	vadd.f32 $4.096000000e+03, v17;
	v5 =	vor.u32 v1, v5;
	[tilespmem:v2+s15+$0x0] =	vst.idx.add.f32.msk $0xffff, v6  }
0x383: {  	v8 =	vshll.u32 v8, $0x4;
	v18 =	vadd.f32 $4.096000000e+03, v18;
	v7 =	vor.u32 v1, v7;
	v2 =	vld [tilespmem:s25+$0x20]  }
0x384: {  	v9 =	vshll.u32 v9, $0x4;
	v19 =	vadd.f32 $4.096000000e+03, v19;
	v8 =	vor.u32 v1, v8;
	[tilespmem:v16+s15+$0x0] =	vst.idx.add.f32.msk $0xffff, v17  }
0x385: {  	v45 =	vadd.f32 $4.096000000e+03, v20;
	v46 =	vshll.u32 v11, $0x4;
	v9 =	vor.u32 v1, v9;
	[tilespmem:v3+s15+$0x0] =	vst.idx.add.f32.msk $0xffff, v18  }
0x386: {  	v47 =	vadd.f32 $4.096000000e+03, v21;
	v49 =	vshll.u32 v12, $0x4;
	v48 =	vor.u32 v1, v46;
	[tilespmem:v4+s15+$0x0] =	vst.idx.add.f32.msk $0xffff, v19  }
0x387: {  	v10 =	vshll.u32 v10, $0x4;
	v50 =	vadd.f32 $4.096000000e+03, v22;
	v51 =	vor.u32 v1, v49;
	[tilespmem:v5+s15+$0x0] =	vst.idx.add.f32.msk $0xffff, v45  }
0x388: {  	v52 =	vadd.f32 $4.096000000e+03, v23;
	v58 =	vshll.u32 v15, $0x4;
	v3 =	vor.u32 v1, v10;
	[tilespmem:v7+s15+$0x0] =	vst.idx.add.f32.msk $0xffff, v47  }
0x389: {  	v54 =	vshll.u32 v13, $0x4;
	v55 =	vadd.f32 $4.096000000e+03, v25;
	v60 =	vor.u32 v1, v58;
	[tilespmem:v8+s15+$0x0] =	vst.idx.add.f32.msk $0xffff, v50  }
0x38a: {  	v57 =	vadd.f32 $4.096000000e+03, v26;
	[tilespmem:v9+s15+$0x0] =	vst.idx.add.f32.msk $0xffff, v52;
	v8 =	vor.u32 v1, v54;
	v2 =	vshll.u32 v2, $0x4  }
0x38b: {  	v53 =	vadd.f32 $4.096000000e+03, v24;
	v6 =	vshll.u32 v44, $0x4;
	[tilespmem:v48+s15+$0x0] =	vst.idx.add.f32.msk $0xffff, v55;
	v2 =	vor.u32 v1, v2  }
0x38c: {  	v56 =	vshll.u32 v14, $0x4;
	v63 =	vadd.f32 $4.096000000e+03, v31;
	[tilespmem:v51+s15+$0x0] =	vst.idx.add.f32.msk $0xffff, v57;
	v6 =	vor.u32 v1, v6  }
0x38d: {  	v62 =	vadd.f32 $4.096000000e+03, v29;
	[tilespmem:v3+s15+$0x0] =	vst.idx.add.f32.msk $0xffff, v53;
	v3 =	vor.u32 v1, v56  }
0x38e: {  	v59 =	vadd.f32 $4.096000000e+03, v27;
	[tilespmem:v60+s15+$0x0] =	vst.idx.add.f32.msk $0xffff, v63  }
0x38f: {  	v61 =	vadd.f32 $4.096000000e+03, v28;
	[tilespmem:v8+s15+$0x0] =	vst.idx.add.f32.msk $0xffff, v62  }
0x390: {  	[tilespmem:v2+s15+$0x0] =	vst.idx.add.f32.msk $0xffff, v59;
	v2 =	vadd.f32 $4.096000000e+03, v30  }
0x391: {  	[tilespmem:v6+s15+$0x0] =	vst.idx.add.f32.msk $0xffff, v61  }
0x392: {  	s26 =	simm.s32 $0xED00;
	s25 =	simm.s32 $0x0;
	[tilespmem:v3+s15+$0x0] =	vst.idx.add.f32.msk $0xffff, v2  }
.LBB2_25:
0x393: {  	v2 =	vld [tilespmem:s26+$0x70];
	s25 =	sadd.s32 $0x10, s25  }
0x394: {  	v3 =	vld [tilespmem:s26+$0xFFFFFF90];
	p0 =	slt.u32 s25, $0x4D0  }
0x395: {  	v4 =	vld [tilespmem:s26+$0xFFFFFFA0]  }
0x396: {  	s23 =	sadd.s32 $0x100, s23;
	v5 =	vld [tilespmem:s26+$0xFFFFFFB0]  }
0x397: {  	v6 =	vld [tilespmem:s23+$0x70]  }
0x398: {  	v7 =	vld [tilespmem:s26+$0xFFFFFFC0];
	v2 =	vshll.u32 v2, $0x4  }
0x399: {  	v3 =	vshll.u32 v3, $0x4;
	v8 =	vld [tilespmem:s26+$0xFFFFFFD0];
	v2 =	vor.u32 v1, v2  }
0x39a: {  	v3 =	vor.u32 v1, v3;
	v4 =	vshll.u32 v4, $0x4;
	v9 =	vld [tilespmem:s26+$0xFFFFFFE0]  }
0x39b: {  	v4 =	vor.u32 v1, v4;
	v5 =	vshll.u32 v5, $0x4;
	v10 =	vld [tilespmem:s26+$0xFFFFFFF0]  }
0x39c: {  	v5 =	vor.u32 v1, v5;
	v11 =	vld [tilespmem:s26+$0x0];
	v6 =	vadd.f32 $4.096000000e+03, v6  }
0x39d: {  	v7 =	vshll.u32 v7, $0x4;
	v12 =	vld [tilespmem:s26+$0x10]  }
0x39e: {  	s28 =	simm.s32 $0x0;
	v7 =	vor.u32 v1, v7;
	v8 =	vshll.u32 v8, $0x4;
	[tilespmem:v2+s15+$0x0] =	vst.idx.add.f32.msk $0xffff, v6  }
0x39f: {  	v2 =	vor.u32 v1, v8;
	v6 =	vshll.u32 v9, $0x4;
	v8 =	vld [tilespmem:s26+$0x20]  }
0x3a0: {  	v6 =	vor.u32 v1, v6;
	v9 =	vshll.u32 v10, $0x4;
	v10 =	vld [tilespmem:s26+$0x30]  }
0x3a1: {  	v9 =	vor.u32 v1, v9;
	v11 =	vshll.u32 v11, $0x4;
	v13 =	vld [tilespmem:s26+$0x40]  }
0x3a2: {  	v11 =	vor.u32 v1, v11;
	v12 =	vshll.u32 v12, $0x4;
	v14 =	vld [tilespmem:s26+$0x50]  }
0x3a3: {  	v12 =	vor.u32 v1, v12;
	v15 =	vld [tilespmem:s26+$0x60]  }
0x3a4: {  	v16 =	vld [tilespmem:s26+$0xFFFFFF80];
	v8 =	vshll.u32 v8, $0x4  }
0x3a5: {  	v17 =	vld [tilespmem:s23+$0xFFFFFF80];
	v8 =	vor.u32 v1, v8;
	v10 =	vshll.u32 v10, $0x4  }
0x3a6: {  	v18 =	vld [tilespmem:s23+$0xFFFFFF90];
	v10 =	vor.u32 v1, v10;
	v13 =	vshll.u32 v13, $0x4  }
0x3a7: {  	v19 =	vld [tilespmem:s23+$0xFFFFFFA0];
	v13 =	vor.u32 v1, v13;
	v14 =	vshll.u32 v14, $0x4  }
0x3a8: {  	v20 =	vld [tilespmem:s23+$0xFFFFFFB0];
	v14 =	vor.u32 v1, v14;
	v15 =	vshll.u32 v15, $0x4  }
0x3a9: {  	v16 =	vshll.u32 v16, $0x4;
	v21 =	vld [tilespmem:s23+$0xFFFFFFC0];
	v15 =	vor.u32 v1, v15  }
0x3aa: {  	v17 =	vadd.f32 $4.096000000e+03, v17;
	v16 =	vor.u32 v1, v16;
	v22 =	vld [tilespmem:s23+$0xFFFFFFD0]  }
0x3ab: {  	v18 =	vadd.f32 $4.096000000e+03, v18;
	v23 =	vld [tilespmem:s23+$0xFFFFFFE0]  }
0x3ac: {  	v19 =	vadd.f32 $4.096000000e+03, v19;
	v24 =	vld [tilespmem:s23+$0xFFFFFFF0]  }
0x3ad: {  	v20 =	vadd.f32 $4.096000000e+03, v20;
	v25 =	vld [tilespmem:s23+$0x0]  }
0x3ae: {  	v21 =	vadd.f32 $4.096000000e+03, v21;
	v26 =	vld [tilespmem:s23+$0x10]  }
0x3af: {  	v22 =	vadd.f32 $4.096000000e+03, v22;
	v27 =	vld [tilespmem:s23+$0x20]  }
0x3b0: {  	v23 =	vadd.f32 $4.096000000e+03, v23;
	v28 =	vld [tilespmem:s23+$0x30]  }
0x3b1: {  	v24 =	vadd.f32 $4.096000000e+03, v24;
	v29 =	vld [tilespmem:s23+$0x40]  }
0x3b2: {  	v25 =	vadd.f32 $4.096000000e+03, v25;
	v30 =	vld [tilespmem:s23+$0x50]  }
0x3b3: {  	v26 =	vadd.f32 $4.096000000e+03, v26;
	v31 =	vld [tilespmem:s23+$0x60]  }
0x3b4: {  	[tilespmem:v16+s15+$0x0] =	vst.idx.add.f32.msk $0xffff, v17;
	v16 =	vadd.f32 $4.096000000e+03, v27  }
0x3b5: {  	[tilespmem:v3+s15+$0x0] =	vst.idx.add.f32.msk $0xffff, v18;
	v3 =	vadd.f32 $4.096000000e+03, v28  }
0x3b6: {  	[tilespmem:v4+s15+$0x0] =	vst.idx.add.f32.msk $0xffff, v19;
	v4 =	vadd.f32 $4.096000000e+03, v29  }
0x3b7: {  	[tilespmem:v5+s15+$0x0] =	vst.idx.add.f32.msk $0xffff, v20;
	v5 =	vadd.f32 $4.096000000e+03, v30  }
0x3b8: {  	[tilespmem:v7+s15+$0x0] =	vst.idx.add.f32.msk $0xffff, v21;
	v7 =	vadd.f32 $4.096000000e+03, v31  }
0x3b9: {  	[tilespmem:v2+s15+$0x0] =	vst.idx.add.f32.msk $0xffff, v22  }
0x3ba: {  	[tilespmem:v6+s15+$0x0] =	vst.idx.add.f32.msk $0xffff, v23  }
0x3bb: {  	[tilespmem:v9+s15+$0x0] =	vst.idx.add.f32.msk $0xffff, v24  }
0x3bc: {  	[tilespmem:v11+s15+$0x0] =	vst.idx.add.f32.msk $0xffff, v25  }
0x3bd: {  	[tilespmem:v12+s15+$0x0] =	vst.idx.add.f32.msk $0xffff, v26  }
.Ltmp15:
0x3be: {  	[tilespmem:v8+s15+$0x0] =	vst.idx.add.f32.msk $0xffff, v16;
	(pc) =	sbr.rel @p0 .LBB2_25-.Ltmp15, $4  }
0x3bf: {  	[tilespmem:v10+s15+$0x0] =	vst.idx.add.f32.msk $0xffff, v3  }
0x3c0: {  	[tilespmem:v13+s15+$0x0] =	vst.idx.add.f32.msk $0xffff, v4  }
0x3c1: {  	[tilespmem:v14+s15+$0x0] =	vst.idx.add.f32.msk $0xffff, v5  }
0x3c2: {  	s26 =	sadd.s32 $0x100, s26;
	[tilespmem:v15+s15+$0x0] =	vst.idx.add.f32.msk $0xffff, v7  }
.LBB2_26:
0x3c3: {  	s23 =	sshra.s32 s28, $0x2  }
0x3c4: {  	v2 =	vld [tilespmem:s23+$0x13980];
	_ =	sdelay $0x3  }
0x3c5: {  	v3 =	vld [tilespmem:s23+$0x9C80]  }
0x3c6: {  	v2 =	vshll.u32 v2, $0x4  }
0x3c7: {  	p0 =	sne.s32 s28, $0x40;
	v2 =	vor.u32 v1, v2  }
.Ltmp16:
0x3c8: {  	_ = 	snop;
	(pc) =	sbr.rel @p0 .LBB2_26-.Ltmp16, $3  }
0x3c9: {  	_ = 	snop  }
0x3ca: {  	v3 =	vadd.f32 $4.096000000e+03, v3;
	_ =	sdelay $0x1  }
0x3cb: {  	s28 =	sadd.s32 $0x40, s28;
	[tilespmem:v2+s15+$0x0] =	vst.idx.add.f32.msk $0xffff, v3  }
0x3cc: {  	_ =	swait.ge [sflag:s11], $0x4E20  }
0x3cd: {  	[sflag:s11] =	ssyncset.done $0x0  }
0x3ce: {  	[sflag:s11] =	ssyncadd.s32 $0xFFFFB1E0  }
0x3cf: {  	_ =	swait.ge [sflag:s12], $0x4E20  }
0x3d0: {  	[sflag:s12] =	ssyncset.done $0x0  }
0x3d1: {  	s21 =	rddreg [dreg:$0x17];
	[sflag:s12] =	ssyncadd.s32 $0xFFFFB1E0  }
0x3d2: {  	[tilespmem:s13], [sflag:$0x2] =	stream.linear.gather [hbm4b:s21+s22], $0x4E20, $0x38;
	[tilespmem:$0x19200] =	vst v63  }
0x3d3: {  	s25 =	simm.s32 $0x9D80;
	s31 =	rddreg [dreg:$0x18]  }
0x3d4: {  	[tilespmem:s14], [sflag:$0x4] =	stream.linear.gather [hbm4b:s31+s22], $0x4E20, $0x38;
	[tilespmem:$0x19200] =	vst v63  }
0x3d5: {  	v2 =	vld [tilespmem:s25+$0x70]  }
0x3d6: {  	v3 =	vld [tilespmem:s25+$0xFFFFFF90]  }
0x3d7: {  	v4 =	vld [tilespmem:s25+$0xFFFFFFA0]  }
0x3d8: {  	s23 =	simm.s32 $0x80;
	v5 =	vld [tilespmem:s25+$0xFFFFFFB0]  }
0x3d9: {  	v6 =	vld [tilespmem:s23+$0x70]  }
0x3da: {  	v7 =	vld [tilespmem:s25+$0xFFFFFFC0]  }
0x3db: {  	v8 =	vld [tilespmem:s25+$0xFFFFFFD0]  }
0x3dc: {  	v9 =	vld [tilespmem:s25+$0xFFFFFFE0]  }
0x3dd: {  	v10 =	vld [tilespmem:s25+$0xFFFFFFF0]  }
0x3de: {  	v11 =	vld [tilespmem:s25+$0x0]  }
0x3df: {  	v12 =	vld [tilespmem:s25+$0x10]  }
0x3e0: {  	v44 =	vld [tilespmem:s25+$0x30]  }
0x3e1: {  	v13 =	vld [tilespmem:s25+$0x40]  }
0x3e2: {  	v14 =	vld [tilespmem:s25+$0x50]  }
0x3e3: {  	v15 =	vld [tilespmem:s25+$0x60]  }
0x3e4: {  	v16 =	vld [tilespmem:s25+$0xFFFFFF80]  }
0x3e5: {  	v17 =	vld [tilespmem:s23+$0xFFFFFF80]  }
0x3e6: {  	v18 =	vld [tilespmem:s23+$0xFFFFFF90]  }
0x3e7: {  	v19 =	vld [tilespmem:s23+$0xFFFFFFA0]  }
0x3e8: {  	v20 =	vld [tilespmem:s23+$0xFFFFFFB0]  }
0x3e9: {  	v21 =	vld [tilespmem:s23+$0xFFFFFFC0]  }
0x3ea: {  	v22 =	vld [tilespmem:s23+$0xFFFFFFD0]  }
0x3eb: {  	v23 =	vld [tilespmem:s23+$0xFFFFFFE0]  }
0x3ec: {  	v24 =	vld [tilespmem:s23+$0xFFFFFFF0]  }
0x3ed: {  	v25 =	vld [tilespmem:s23+$0x0]  }
0x3ee: {  	v26 =	vld [tilespmem:s23+$0x10];
	v2 =	vshll.u32 v2, $0x4  }
0x3ef: {  	v27 =	vld [tilespmem:s23+$0x20];
	v2 =	vor.u32 v1, v2  }
0x3f0: {  	v28 =	vld [tilespmem:s23+$0x30];
	v16 =	vshll.u32 v16, $0x4  }
0x3f1: {  	v29 =	vld [tilespmem:s23+$0x40];
	v3 =	vshll.u32 v3, $0x4;
	v16 =	vor.u32 v1, v16  }
0x3f2: {  	v30 =	vld [tilespmem:s23+$0x50];
	v6 =	vadd.f32 $4.096000000e+03, v6;
	v4 =	vshll.u32 v4, $0x4;
	v3 =	vor.u32 v1, v3  }
0x3f3: {  	v31 =	vld [tilespmem:s23+$0x60];
	v5 =	vshll.u32 v5, $0x4;
	v4 =	vor.u32 v1, v4  }
0x3f4: {  	v7 =	vshll.u32 v7, $0x4;
	v17 =	vadd.f32 $4.096000000e+03, v17;
	v5 =	vor.u32 v1, v5;
	[tilespmem:v2+s15+$0x0] =	vst.idx.add.f32.msk $0xffff, v6  }
0x3f5: {  	v8 =	vshll.u32 v8, $0x4;
	v18 =	vadd.f32 $4.096000000e+03, v18;
	v7 =	vor.u32 v1, v7;
	v2 =	vld [tilespmem:s25+$0x20]  }
0x3f6: {  	v9 =	vshll.u32 v9, $0x4;
	v19 =	vadd.f32 $4.096000000e+03, v19;
	v8 =	vor.u32 v1, v8;
	[tilespmem:v16+s15+$0x0] =	vst.idx.add.f32.msk $0xffff, v17  }
0x3f7: {  	v45 =	vadd.f32 $4.096000000e+03, v20;
	v46 =	vshll.u32 v11, $0x4;
	v9 =	vor.u32 v1, v9;
	[tilespmem:v3+s15+$0x0] =	vst.idx.add.f32.msk $0xffff, v18  }
0x3f8: {  	v47 =	vadd.f32 $4.096000000e+03, v21;
	v49 =	vshll.u32 v12, $0x4;
	v48 =	vor.u32 v1, v46;
	[tilespmem:v4+s15+$0x0] =	vst.idx.add.f32.msk $0xffff, v19  }
0x3f9: {  	v10 =	vshll.u32 v10, $0x4;
	v50 =	vadd.f32 $4.096000000e+03, v22;
	v51 =	vor.u32 v1, v49;
	[tilespmem:v5+s15+$0x0] =	vst.idx.add.f32.msk $0xffff, v45  }
0x3fa: {  	v52 =	vadd.f32 $4.096000000e+03, v23;
	v58 =	vshll.u32 v15, $0x4;
	v3 =	vor.u32 v1, v10;
	[tilespmem:v7+s15+$0x0] =	vst.idx.add.f32.msk $0xffff, v47  }
0x3fb: {  	v54 =	vshll.u32 v13, $0x4;
	v55 =	vadd.f32 $4.096000000e+03, v25;
	v60 =	vor.u32 v1, v58;
	[tilespmem:v8+s15+$0x0] =	vst.idx.add.f32.msk $0xffff, v50  }
0x3fc: {  	v57 =	vadd.f32 $4.096000000e+03, v26;
	[tilespmem:v9+s15+$0x0] =	vst.idx.add.f32.msk $0xffff, v52;
	v8 =	vor.u32 v1, v54;
	v2 =	vshll.u32 v2, $0x4  }
0x3fd: {  	v53 =	vadd.f32 $4.096000000e+03, v24;
	v6 =	vshll.u32 v44, $0x4;
	[tilespmem:v48+s15+$0x0] =	vst.idx.add.f32.msk $0xffff, v55;
	v2 =	vor.u32 v1, v2  }
0x3fe: {  	v56 =	vshll.u32 v14, $0x4;
	v63 =	vadd.f32 $4.096000000e+03, v31;
	[tilespmem:v51+s15+$0x0] =	vst.idx.add.f32.msk $0xffff, v57;
	v6 =	vor.u32 v1, v6  }
0x3ff: {  	v62 =	vadd.f32 $4.096000000e+03, v29;
	[tilespmem:v3+s15+$0x0] =	vst.idx.add.f32.msk $0xffff, v53;
	v3 =	vor.u32 v1, v56  }
0x400: {  	v59 =	vadd.f32 $4.096000000e+03, v27;
	[tilespmem:v60+s15+$0x0] =	vst.idx.add.f32.msk $0xffff, v63  }
0x401: {  	v61 =	vadd.f32 $4.096000000e+03, v28;
	[tilespmem:v8+s15+$0x0] =	vst.idx.add.f32.msk $0xffff, v62  }
0x402: {  	[tilespmem:v2+s15+$0x0] =	vst.idx.add.f32.msk $0xffff, v59;
	v2 =	vadd.f32 $4.096000000e+03, v30  }
0x403: {  	[tilespmem:v6+s15+$0x0] =	vst.idx.add.f32.msk $0xffff, v61  }
0x404: {  	s26 =	simm.s32 $0x9E80;
	s25 =	simm.s32 $0x0;
	[tilespmem:v3+s15+$0x0] =	vst.idx.add.f32.msk $0xffff, v2  }
.LBB2_28:
0x405: {  	v2 =	vld [tilespmem:s26+$0x70];
	s25 =	sadd.s32 $0x10, s25  }
0x406: {  	v3 =	vld [tilespmem:s26+$0xFFFFFF90];
	p0 =	slt.u32 s25, $0x4D0  }
0x407: {  	v4 =	vld [tilespmem:s26+$0xFFFFFFA0]  }
0x408: {  	s23 =	sadd.s32 $0x100, s23;
	v5 =	vld [tilespmem:s26+$0xFFFFFFB0]  }
0x409: {  	v6 =	vld [tilespmem:s23+$0x70]  }
0x40a: {  	v7 =	vld [tilespmem:s26+$0xFFFFFFC0];
	v2 =	vshll.u32 v2, $0x4  }
0x40b: {  	v3 =	vshll.u32 v3, $0x4;
	v8 =	vld [tilespmem:s26+$0xFFFFFFD0];
	v2 =	vor.u32 v1, v2  }
0x40c: {  	v3 =	vor.u32 v1, v3;
	v4 =	vshll.u32 v4, $0x4;
	v9 =	vld [tilespmem:s26+$0xFFFFFFE0]  }
0x40d: {  	v4 =	vor.u32 v1, v4;
	v5 =	vshll.u32 v5, $0x4;
	v10 =	vld [tilespmem:s26+$0xFFFFFFF0]  }
0x40e: {  	v5 =	vor.u32 v1, v5;
	v11 =	vld [tilespmem:s26+$0x0];
	v6 =	vadd.f32 $4.096000000e+03, v6  }
0x40f: {  	v7 =	vshll.u32 v7, $0x4;
	v12 =	vld [tilespmem:s26+$0x10]  }
0x410: {  	s28 =	simm.s32 $0x0;
	v7 =	vor.u32 v1, v7;
	v8 =	vshll.u32 v8, $0x4;
	[tilespmem:v2+s15+$0x0] =	vst.idx.add.f32.msk $0xffff, v6  }
0x411: {  	v2 =	vor.u32 v1, v8;
	v6 =	vshll.u32 v9, $0x4;
	v8 =	vld [tilespmem:s26+$0x20]  }
0x412: {  	v6 =	vor.u32 v1, v6;
	v9 =	vshll.u32 v10, $0x4;
	v10 =	vld [tilespmem:s26+$0x30]  }
0x413: {  	v9 =	vor.u32 v1, v9;
	v11 =	vshll.u32 v11, $0x4;
	v13 =	vld [tilespmem:s26+$0x40]  }
0x414: {  	v11 =	vor.u32 v1, v11;
	v12 =	vshll.u32 v12, $0x4;
	v14 =	vld [tilespmem:s26+$0x50]  }
0x415: {  	v12 =	vor.u32 v1, v12;
	v15 =	vld [tilespmem:s26+$0x60]  }
0x416: {  	v16 =	vld [tilespmem:s26+$0xFFFFFF80];
	v8 =	vshll.u32 v8, $0x4  }
0x417: {  	v17 =	vld [tilespmem:s23+$0xFFFFFF80];
	v8 =	vor.u32 v1, v8;
	v10 =	vshll.u32 v10, $0x4  }
0x418: {  	v18 =	vld [tilespmem:s23+$0xFFFFFF90];
	v10 =	vor.u32 v1, v10;
	v13 =	vshll.u32 v13, $0x4  }
0x419: {  	v19 =	vld [tilespmem:s23+$0xFFFFFFA0];
	v13 =	vor.u32 v1, v13;
	v14 =	vshll.u32 v14, $0x4  }
0x41a: {  	v20 =	vld [tilespmem:s23+$0xFFFFFFB0];
	v14 =	vor.u32 v1, v14;
	v15 =	vshll.u32 v15, $0x4  }
0x41b: {  	v16 =	vshll.u32 v16, $0x4;
	v21 =	vld [tilespmem:s23+$0xFFFFFFC0];
	v15 =	vor.u32 v1, v15  }
0x41c: {  	v17 =	vadd.f32 $4.096000000e+03, v17;
	v16 =	vor.u32 v1, v16;
	v22 =	vld [tilespmem:s23+$0xFFFFFFD0]  }
0x41d: {  	v18 =	vadd.f32 $4.096000000e+03, v18;
	v23 =	vld [tilespmem:s23+$0xFFFFFFE0]  }
0x41e: {  	v19 =	vadd.f32 $4.096000000e+03, v19;
	v24 =	vld [tilespmem:s23+$0xFFFFFFF0]  }
0x41f: {  	v20 =	vadd.f32 $4.096000000e+03, v20;
	v25 =	vld [tilespmem:s23+$0x0]  }
0x420: {  	v21 =	vadd.f32 $4.096000000e+03, v21;
	v26 =	vld [tilespmem:s23+$0x10]  }
0x421: {  	v22 =	vadd.f32 $4.096000000e+03, v22;
	v27 =	vld [tilespmem:s23+$0x20]  }
0x422: {  	v23 =	vadd.f32 $4.096000000e+03, v23;
	v28 =	vld [tilespmem:s23+$0x30]  }
0x423: {  	v24 =	vadd.f32 $4.096000000e+03, v24;
	v29 =	vld [tilespmem:s23+$0x40]  }
0x424: {  	v25 =	vadd.f32 $4.096000000e+03, v25;
	v30 =	vld [tilespmem:s23+$0x50]  }
0x425: {  	v26 =	vadd.f32 $4.096000000e+03, v26;
	v31 =	vld [tilespmem:s23+$0x60]  }
0x426: {  	[tilespmem:v16+s15+$0x0] =	vst.idx.add.f32.msk $0xffff, v17;
	v16 =	vadd.f32 $4.096000000e+03, v27  }
0x427: {  	[tilespmem:v3+s15+$0x0] =	vst.idx.add.f32.msk $0xffff, v18;
	v3 =	vadd.f32 $4.096000000e+03, v28  }
0x428: {  	[tilespmem:v4+s15+$0x0] =	vst.idx.add.f32.msk $0xffff, v19;
	v4 =	vadd.f32 $4.096000000e+03, v29  }
0x429: {  	[tilespmem:v5+s15+$0x0] =	vst.idx.add.f32.msk $0xffff, v20;
	v5 =	vadd.f32 $4.096000000e+03, v30  }
0x42a: {  	[tilespmem:v7+s15+$0x0] =	vst.idx.add.f32.msk $0xffff, v21;
	v7 =	vadd.f32 $4.096000000e+03, v31  }
0x42b: {  	[tilespmem:v2+s15+$0x0] =	vst.idx.add.f32.msk $0xffff, v22  }
0x42c: {  	[tilespmem:v6+s15+$0x0] =	vst.idx.add.f32.msk $0xffff, v23  }
0x42d: {  	[tilespmem:v9+s15+$0x0] =	vst.idx.add.f32.msk $0xffff, v24  }
0x42e: {  	[tilespmem:v11+s15+$0x0] =	vst.idx.add.f32.msk $0xffff, v25  }
0x42f: {  	[tilespmem:v12+s15+$0x0] =	vst.idx.add.f32.msk $0xffff, v26  }
.Ltmp17:
0x430: {  	[tilespmem:v8+s15+$0x0] =	vst.idx.add.f32.msk $0xffff, v16;
	(pc) =	sbr.rel @p0 .LBB2_28-.Ltmp17, $4  }
0x431: {  	[tilespmem:v10+s15+$0x0] =	vst.idx.add.f32.msk $0xffff, v3  }
0x432: {  	[tilespmem:v13+s15+$0x0] =	vst.idx.add.f32.msk $0xffff, v4  }
0x433: {  	[tilespmem:v14+s15+$0x0] =	vst.idx.add.f32.msk $0xffff, v5  }
0x434: {  	s26 =	sadd.s32 $0x100, s26;
	[tilespmem:v15+s15+$0x0] =	vst.idx.add.f32.msk $0xffff, v7  }
.LBB2_29:
0x435: {  	s23 =	sshra.s32 s28, $0x2  }
0x436: {  	v2 =	vld [tilespmem:s23+$0xEB00];
	_ =	sdelay $0x3  }
0x437: {  	v3 =	vld [tilespmem:s23+$0x4E00]  }
0x438: {  	v2 =	vshll.u32 v2, $0x4  }
0x439: {  	p0 =	sne.s32 s28, $0x40;
	v2 =	vor.u32 v1, v2  }
.Ltmp18:
0x43a: {  	_ = 	snop;
	(pc) =	sbr.rel @p0 .LBB2_29-.Ltmp18, $3  }
0x43b: {  	_ = 	snop  }
0x43c: {  	v3 =	vadd.f32 $4.096000000e+03, v3;
	_ =	sdelay $0x1  }
0x43d: {  	s28 =	sadd.s32 $0x40, s28;
	[tilespmem:v2+s15+$0x0] =	vst.idx.add.f32.msk $0xffff, v3  }
0x43e: {  	_ =	swait.ge [sflag:s16], $0x4E20  }
0x43f: {  	[sflag:s16] =	ssyncset.done $0x0  }
0x440: {  	[sflag:s16] =	ssyncadd.s32 $0xFFFFB1E0  }
0x441: {  	_ =	swait.ge [sflag:s17], $0x4E20  }
0x442: {  	[sflag:s17] =	ssyncset.done $0x0  }
0x443: {  	s25 =	simm.s32 $0xEC00;
	[sflag:s17] =	ssyncadd.s32 $0xFFFFB1E0  }
0x444: {  	v2 =	vld [tilespmem:s25+$0x70]  }
0x445: {  	v3 =	vld [tilespmem:s25+$0xFFFFFF90]  }
0x446: {  	v4 =	vld [tilespmem:s25+$0xFFFFFFA0]  }
0x447: {  	s23 =	simm.s32 $0x4F00;
	v5 =	vld [tilespmem:s25+$0xFFFFFFB0]  }
0x448: {  	v6 =	vld [tilespmem:s23+$0x70]  }
0x449: {  	v7 =	vld [tilespmem:s25+$0xFFFFFFC0]  }
0x44a: {  	v8 =	vld [tilespmem:s25+$0xFFFFFFD0]  }
0x44b: {  	v9 =	vld [tilespmem:s25+$0xFFFFFFE0]  }
0x44c: {  	v10 =	vld [tilespmem:s25+$0xFFFFFFF0]  }
0x44d: {  	v11 =	vld [tilespmem:s25+$0x0]  }
0x44e: {  	v12 =	vld [tilespmem:s25+$0x10]  }
0x44f: {  	v44 =	vld [tilespmem:s25+$0x30]  }
0x450: {  	v13 =	vld [tilespmem:s25+$0x40]  }
0x451: {  	v14 =	vld [tilespmem:s25+$0x50]  }
0x452: {  	v15 =	vld [tilespmem:s25+$0x60]  }
0x453: {  	v16 =	vld [tilespmem:s25+$0xFFFFFF80]  }
0x454: {  	v17 =	vld [tilespmem:s23+$0xFFFFFF80]  }
0x455: {  	v18 =	vld [tilespmem:s23+$0xFFFFFF90]  }
0x456: {  	v19 =	vld [tilespmem:s23+$0xFFFFFFA0]  }
0x457: {  	v20 =	vld [tilespmem:s23+$0xFFFFFFB0]  }
0x458: {  	v21 =	vld [tilespmem:s23+$0xFFFFFFC0]  }
0x459: {  	v22 =	vld [tilespmem:s23+$0xFFFFFFD0]  }
0x45a: {  	v23 =	vld [tilespmem:s23+$0xFFFFFFE0]  }
0x45b: {  	v24 =	vld [tilespmem:s23+$0xFFFFFFF0]  }
0x45c: {  	v25 =	vld [tilespmem:s23+$0x0]  }
0x45d: {  	v26 =	vld [tilespmem:s23+$0x10];
	v2 =	vshll.u32 v2, $0x4  }
0x45e: {  	v27 =	vld [tilespmem:s23+$0x20];
	v2 =	vor.u32 v1, v2  }
0x45f: {  	v28 =	vld [tilespmem:s23+$0x30];
	v16 =	vshll.u32 v16, $0x4  }
0x460: {  	v29 =	vld [tilespmem:s23+$0x40];
	v3 =	vshll.u32 v3, $0x4;
	v16 =	vor.u32 v1, v16  }
0x461: {  	v30 =	vld [tilespmem:s23+$0x50];
	v6 =	vadd.f32 $4.096000000e+03, v6;
	v4 =	vshll.u32 v4, $0x4;
	v3 =	vor.u32 v1, v3  }
0x462: {  	v31 =	vld [tilespmem:s23+$0x60];
	v5 =	vshll.u32 v5, $0x4;
	v4 =	vor.u32 v1, v4  }
0x463: {  	v7 =	vshll.u32 v7, $0x4;
	v17 =	vadd.f32 $4.096000000e+03, v17;
	v5 =	vor.u32 v1, v5;
	[tilespmem:v2+s15+$0x0] =	vst.idx.add.f32.msk $0xffff, v6  }
0x464: {  	v8 =	vshll.u32 v8, $0x4;
	v18 =	vadd.f32 $4.096000000e+03, v18;
	v7 =	vor.u32 v1, v7;
	v2 =	vld [tilespmem:s25+$0x20]  }
0x465: {  	v9 =	vshll.u32 v9, $0x4;
	v19 =	vadd.f32 $4.096000000e+03, v19;
	v8 =	vor.u32 v1, v8;
	[tilespmem:v16+s15+$0x0] =	vst.idx.add.f32.msk $0xffff, v17  }
0x466: {  	v45 =	vadd.f32 $4.096000000e+03, v20;
	v46 =	vshll.u32 v11, $0x4;
	v9 =	vor.u32 v1, v9;
	[tilespmem:v3+s15+$0x0] =	vst.idx.add.f32.msk $0xffff, v18  }
0x467: {  	v47 =	vadd.f32 $4.096000000e+03, v21;
	v49 =	vshll.u32 v12, $0x4;
	v48 =	vor.u32 v1, v46;
	[tilespmem:v4+s15+$0x0] =	vst.idx.add.f32.msk $0xffff, v19  }
0x468: {  	v10 =	vshll.u32 v10, $0x4;
	v50 =	vadd.f32 $4.096000000e+03, v22;
	v51 =	vor.u32 v1, v49;
	[tilespmem:v5+s15+$0x0] =	vst.idx.add.f32.msk $0xffff, v45  }
0x469: {  	v52 =	vadd.f32 $4.096000000e+03, v23;
	v58 =	vshll.u32 v15, $0x4;
	v3 =	vor.u32 v1, v10;
	[tilespmem:v7+s15+$0x0] =	vst.idx.add.f32.msk $0xffff, v47  }
0x46a: {  	v54 =	vshll.u32 v13, $0x4;
	v55 =	vadd.f32 $4.096000000e+03, v25;
	v60 =	vor.u32 v1, v58;
	[tilespmem:v8+s15+$0x0] =	vst.idx.add.f32.msk $0xffff, v50  }
0x46b: {  	v57 =	vadd.f32 $4.096000000e+03, v26;
	[tilespmem:v9+s15+$0x0] =	vst.idx.add.f32.msk $0xffff, v52;
	v8 =	vor.u32 v1, v54;
	v2 =	vshll.u32 v2, $0x4  }
0x46c: {  	v53 =	vadd.f32 $4.096000000e+03, v24;
	v6 =	vshll.u32 v44, $0x4;
	[tilespmem:v48+s15+$0x0] =	vst.idx.add.f32.msk $0xffff, v55;
	v2 =	vor.u32 v1, v2  }
0x46d: {  	v56 =	vshll.u32 v14, $0x4;
	v63 =	vadd.f32 $4.096000000e+03, v31;
	[tilespmem:v51+s15+$0x0] =	vst.idx.add.f32.msk $0xffff, v57;
	v6 =	vor.u32 v1, v6  }
0x46e: {  	v62 =	vadd.f32 $4.096000000e+03, v29;
	[tilespmem:v3+s15+$0x0] =	vst.idx.add.f32.msk $0xffff, v53;
	v3 =	vor.u32 v1, v56  }
0x46f: {  	v59 =	vadd.f32 $4.096000000e+03, v27;
	[tilespmem:v60+s15+$0x0] =	vst.idx.add.f32.msk $0xffff, v63  }
0x470: {  	v61 =	vadd.f32 $4.096000000e+03, v28;
	[tilespmem:v8+s15+$0x0] =	vst.idx.add.f32.msk $0xffff, v62  }
0x471: {  	[tilespmem:v2+s15+$0x0] =	vst.idx.add.f32.msk $0xffff, v59;
	v2 =	vadd.f32 $4.096000000e+03, v30  }
0x472: {  	[tilespmem:v6+s15+$0x0] =	vst.idx.add.f32.msk $0xffff, v61  }
0x473: {  	s26 =	simm.s32 $0x0;
	s28 =	simm.s32 $0xED00;
	[tilespmem:v3+s15+$0x0] =	vst.idx.add.f32.msk $0xffff, v2  }
.LBB2_31:
0x474: {  	v2 =	vld [tilespmem:s28+$0x70];
	s26 =	sadd.s32 $0x10, s26  }
0x475: {  	v3 =	vld [tilespmem:s28+$0xFFFFFF90];
	p0 =	slt.u32 s26, $0x4D0  }
0x476: {  	v4 =	vld [tilespmem:s28+$0xFFFFFFA0]  }
0x477: {  	s23 =	sadd.s32 $0x100, s23;
	v5 =	vld [tilespmem:s28+$0xFFFFFFB0]  }
0x478: {  	v6 =	vld [tilespmem:s23+$0x70]  }
0x479: {  	v7 =	vld [tilespmem:s28+$0xFFFFFFC0];
	v2 =	vshll.u32 v2, $0x4  }
0x47a: {  	v3 =	vshll.u32 v3, $0x4;
	v8 =	vld [tilespmem:s28+$0xFFFFFFD0];
	v2 =	vor.u32 v1, v2  }
0x47b: {  	v3 =	vor.u32 v1, v3;
	v4 =	vshll.u32 v4, $0x4;
	v9 =	vld [tilespmem:s28+$0xFFFFFFE0]  }
0x47c: {  	v4 =	vor.u32 v1, v4;
	v5 =	vshll.u32 v5, $0x4;
	v10 =	vld [tilespmem:s28+$0xFFFFFFF0]  }
0x47d: {  	v5 =	vor.u32 v1, v5;
	v11 =	vld [tilespmem:s28+$0x0];
	v6 =	vadd.f32 $4.096000000e+03, v6  }
0x47e: {  	v7 =	vshll.u32 v7, $0x4;
	v12 =	vld [tilespmem:s28+$0x10]  }
0x47f: {  	s25 =	simm.s32 $0x0;
	v7 =	vor.u32 v1, v7;
	v8 =	vshll.u32 v8, $0x4;
	[tilespmem:v2+s15+$0x0] =	vst.idx.add.f32.msk $0xffff, v6  }
0x480: {  	v2 =	vor.u32 v1, v8;
	v6 =	vshll.u32 v9, $0x4;
	v8 =	vld [tilespmem:s28+$0x20]  }
0x481: {  	v6 =	vor.u32 v1, v6;
	v9 =	vshll.u32 v10, $0x4;
	v10 =	vld [tilespmem:s28+$0x30]  }
0x482: {  	v9 =	vor.u32 v1, v9;
	v11 =	vshll.u32 v11, $0x4;
	v13 =	vld [tilespmem:s28+$0x40]  }
0x483: {  	v11 =	vor.u32 v1, v11;
	v12 =	vshll.u32 v12, $0x4;
	v14 =	vld [tilespmem:s28+$0x50]  }
0x484: {  	v12 =	vor.u32 v1, v12;
	v15 =	vld [tilespmem:s28+$0x60]  }
0x485: {  	v16 =	vld [tilespmem:s28+$0xFFFFFF80];
	v8 =	vshll.u32 v8, $0x4  }
0x486: {  	v17 =	vld [tilespmem:s23+$0xFFFFFF80];
	v8 =	vor.u32 v1, v8;
	v10 =	vshll.u32 v10, $0x4  }
0x487: {  	v18 =	vld [tilespmem:s23+$0xFFFFFF90];
	v10 =	vor.u32 v1, v10;
	v13 =	vshll.u32 v13, $0x4  }
0x488: {  	v19 =	vld [tilespmem:s23+$0xFFFFFFA0];
	v13 =	vor.u32 v1, v13;
	v14 =	vshll.u32 v14, $0x4  }
0x489: {  	v20 =	vld [tilespmem:s23+$0xFFFFFFB0];
	v14 =	vor.u32 v1, v14;
	v15 =	vshll.u32 v15, $0x4  }
0x48a: {  	v16 =	vshll.u32 v16, $0x4;
	v21 =	vld [tilespmem:s23+$0xFFFFFFC0];
	v15 =	vor.u32 v1, v15  }
0x48b: {  	v17 =	vadd.f32 $4.096000000e+03, v17;
	v16 =	vor.u32 v1, v16;
	v22 =	vld [tilespmem:s23+$0xFFFFFFD0]  }
0x48c: {  	v18 =	vadd.f32 $4.096000000e+03, v18;
	v23 =	vld [tilespmem:s23+$0xFFFFFFE0]  }
0x48d: {  	v19 =	vadd.f32 $4.096000000e+03, v19;
	v24 =	vld [tilespmem:s23+$0xFFFFFFF0]  }
0x48e: {  	v20 =	vadd.f32 $4.096000000e+03, v20;
	v25 =	vld [tilespmem:s23+$0x0]  }
0x48f: {  	v21 =	vadd.f32 $4.096000000e+03, v21;
	v26 =	vld [tilespmem:s23+$0x10]  }
0x490: {  	v22 =	vadd.f32 $4.096000000e+03, v22;
	v27 =	vld [tilespmem:s23+$0x20]  }
0x491: {  	v23 =	vadd.f32 $4.096000000e+03, v23;
	v28 =	vld [tilespmem:s23+$0x30]  }
0x492: {  	v24 =	vadd.f32 $4.096000000e+03, v24;
	v29 =	vld [tilespmem:s23+$0x40]  }
0x493: {  	v25 =	vadd.f32 $4.096000000e+03, v25;
	v30 =	vld [tilespmem:s23+$0x50]  }
0x494: {  	v26 =	vadd.f32 $4.096000000e+03, v26;
	v31 =	vld [tilespmem:s23+$0x60]  }
0x495: {  	[tilespmem:v16+s15+$0x0] =	vst.idx.add.f32.msk $0xffff, v17;
	v16 =	vadd.f32 $4.096000000e+03, v27  }
0x496: {  	[tilespmem:v3+s15+$0x0] =	vst.idx.add.f32.msk $0xffff, v18;
	v3 =	vadd.f32 $4.096000000e+03, v28  }
0x497: {  	[tilespmem:v4+s15+$0x0] =	vst.idx.add.f32.msk $0xffff, v19;
	v4 =	vadd.f32 $4.096000000e+03, v29  }
0x498: {  	[tilespmem:v5+s15+$0x0] =	vst.idx.add.f32.msk $0xffff, v20;
	v5 =	vadd.f32 $4.096000000e+03, v30  }
0x499: {  	[tilespmem:v7+s15+$0x0] =	vst.idx.add.f32.msk $0xffff, v21;
	v7 =	vadd.f32 $4.096000000e+03, v31  }
0x49a: {  	[tilespmem:v2+s15+$0x0] =	vst.idx.add.f32.msk $0xffff, v22  }
0x49b: {  	[tilespmem:v6+s15+$0x0] =	vst.idx.add.f32.msk $0xffff, v23  }
0x49c: {  	[tilespmem:v9+s15+$0x0] =	vst.idx.add.f32.msk $0xffff, v24  }
0x49d: {  	[tilespmem:v11+s15+$0x0] =	vst.idx.add.f32.msk $0xffff, v25  }
0x49e: {  	[tilespmem:v12+s15+$0x0] =	vst.idx.add.f32.msk $0xffff, v26  }
.Ltmp19:
0x49f: {  	[tilespmem:v8+s15+$0x0] =	vst.idx.add.f32.msk $0xffff, v16;
	(pc) =	sbr.rel @p0 .LBB2_31-.Ltmp19, $4  }
0x4a0: {  	[tilespmem:v10+s15+$0x0] =	vst.idx.add.f32.msk $0xffff, v3  }
0x4a1: {  	[tilespmem:v13+s15+$0x0] =	vst.idx.add.f32.msk $0xffff, v4  }
0x4a2: {  	[tilespmem:v14+s15+$0x0] =	vst.idx.add.f32.msk $0xffff, v5  }
0x4a3: {  	s28 =	sadd.s32 $0x100, s28;
	[tilespmem:v15+s15+$0x0] =	vst.idx.add.f32.msk $0xffff, v7  }
0x4a4: {  	s23 =	simm.s32 $0x0  }
.LBB2_33:
0x4a5: {  	s26 =	sshra.s32 s23, $0x2  }
0x4a6: {  	v2 =	vld [tilespmem:s26+$0x13980];
	_ =	sdelay $0x3  }
0x4a7: {  	v3 =	vld [tilespmem:s26+$0x9C80]  }
0x4a8: {  	v2 =	vshll.u32 v2, $0x4  }
0x4a9: {  	p0 =	sne.s32 s23, $0x40;
	v2 =	vor.u32 v1, v2  }
.Ltmp20:
0x4aa: {  	_ = 	snop;
	(pc) =	sbr.rel @p0 .LBB2_33-.Ltmp20, $3  }
0x4ab: {  	_ = 	snop  }
0x4ac: {  	v3 =	vadd.f32 $4.096000000e+03, v3;
	_ =	sdelay $0x1  }
0x4ad: {  	s23 =	sadd.s32 $0x40, s23;
	[tilespmem:v2+s15+$0x0] =	vst.idx.add.f32.msk $0xffff, v3  }
0x4ae: {  	s23 =	simm.s32 $0x13A40  }
0x4af: {  	v2 =	vld [tilespmem:s23+$0xFFFFFFC0];
	_ =	sdelay $0x4  }
0x4b0: {  	(xrf2) =	vadd.scan.msk.f32 $0xffff, v2  }
0x4b1: {  	v2 =	vld [tilespmem:s23+$0x30]  }
0x4b2: {  	v3 =	vld [tilespmem:s23+$0x0];
	_ =	sdelay $0x1  }
0x4b3: {  	v4 =	vld [tilespmem:s23+$0xFFFFFFD0]  }
0x4b4: {  	v5 =	vld [tilespmem:s23+$0xFFFFFFE0]  }
0x4b5: {  	(xrf2) =	vadd.scan.msk.f32 $0xffff, v2;
	v2 =	vld [tilespmem:s23+$0xFFFFFFF0]  }
0x4b6: {  	(xrf2) =	vadd.scan.msk.f32 $0xffff, v3;
	v3 =	vld [tilespmem:s23+$0x20];
	_ =	sdelay $0x1  }
0x4b7: {  	(xrf2) =	vadd.scan.msk.f32 $0xffff, v4  }
0x4b8: {  	v13, _, _ =	vpop (xrf2);
	(xrf2) =	vadd.scan.msk.f32 $0xffff, v5  }
0x4b9: {  	(xrf2) =	vadd.scan.msk.f32 $0xffff, v2  }
0x4ba: {  	s28 =	simm.s32 $0x13AC0;
	v4 =	vmul.f32 $2.441406250e-04, v13;
	v2 =	vld [tilespmem:s23+$0x10];
	(xrf2) =	vadd.scan.msk.f32 $0xffff, v3  }
0x4bb: {  	v3 =	vld [tilespmem:s28+$0xFFFFFFC0]  }
0x4bc: {  	v14 =	vld [tilespmem:s28+$0x30];
	v4 =	vadd.f32 $5.000000000e-01, v4  }
0x4bd: {  	s31 =	simm.s32 $0x4;
	s26 =	simm.s32 $0x6;
	v27 =	vmov s25  }
0x4be: {  	s29 =	simm.s32 $0x1;
	s30 =	simm.s32 $0xC;
	v20 =	vmov s31;
	v11 =	vmov s26;
	v4 =	vtrunc.f32 v4;
	v28, _, _ =	vpop (xrf2)  }
0x4bf: {  	v6 =	vmov s29;
	s29 =	simm.s32 $0x2;
	v7 =	vmov s30;
	v4 =	vcvt.f32.s32 v4;
	v25, _, _ =	vpop (xrf2);
	(xrf2) =	vadd.scan.msk.f32 $0xffff, v2  }
0x4c0: {  	s21 =	simm.s32 $0x5;
	v17 =	vor.u32 $0x400, v27;
	v9 =	vmov s29;
	v2 =	vmul.f32 $2.441406250e-04, v25;
	(xrf2) =	vadd.scan.msk.f32 $0xffff, v3  }
0x4c1: {  	s29 =	simm.s32 $0x7;
	v5 =	vmov s21;
	s21 =	simm.s32 $0x9;
	v15 =	vmul.f32 $2.441406250e-04, v28;
	v8, _, _ =	vpop (xrf2);
	v12 =	vcvt.s32.f32 v4;
	(xrf2) =	vadd.scan.msk.f32 $0xffff, v14  }
0x4c2: {  	s31 =	simm.s32 $0xE;
	v23 =	vld [tilespmem:s28+$0x0];
	v22 =	vmov s29;
	v3 =	vmov s21;
	v19 =	vadd.f32 $5.000000000e-01, v2;
	v10, _, _ =	vpop (xrf2)  }
0x4c3: {  	s26 =	simm.s32 $0xD;
	v4 =	vmov s31;
	v15 =	vadd.f32 $5.000000000e-01, v15;
	v18 =	vmul.f32 $4.096000000e+03, v12;
	v16, _, _ =	vpop (xrf2)  }
0x4c4: {  	v30 =	vmul.f32 $2.441406250e-04, v8;
	v2 =	vmov s26;
	v19 =	vtrunc.f32 v19;
	v31, _, _ =	vpop (xrf2)  }
0x4c5: {  	v29 =	vsub.f32 v13, v18;
	v18 =	vcvt.f32.s32 v19;
	v19 =	vmul.f32 $2.441406250e-04, v31  }
0x4c6: {  	v34 =	vld [tilespmem:s28+$0xFFFFFFD0];
	v15 =	vtrunc.f32 v15;
	v30 =	vadd.f32 $5.000000000e-01, v30;
	v24 =	vmul.f32 $2.441406250e-04, v10  }
0x4c7: {  	v15 =	vcvt.f32.s32 v15;
	(xrf2) =	vadd.scan.msk.f32 $0xffff, v23;
	v23 =	vor.u32 $0x400, v20;
	v14 =	vmul.f32 $2.441406250e-04, v16  }
0x4c8: {  	v13 =	vor.u32 $0x400, v9;
	v63 =	vtrunc.f32 v30;
	v35 =	vadd.f32 $5.000000000e-01, v24  }
0x4c9: {  	v36 =	vld [tilespmem:s28+$0xFFFFFFE0];
	v15 =	vcvt.s32.f32 v15;
	v26 =	vadd.f32 $5.000000000e-01, v14;
	v32 =	vadd.f32 $5.000000000e-01, v19;
	v19, _, _ =	vpop (xrf2)  }
0x4ca: {  	v21 =	vcvt.s32.f32 v18;
	v18 =	vor.u32 $0x400, v22;
	v41 =	vtrunc.f32 v35;
	v24, _, _ =	vpop (xrf2)  }
0x4cb: {  	s30 =	simm.s32 $0xA;
	[tilespmem:v27+s18+$0x0] =	vst.idx.msk vm0, v29;
	v43 =	vmul.f32 $4.096000000e+03, v15;
	v33 =	vtrunc.f32 v26;
	v27, _, _ =	vpop (xrf2);
	(xrf2) =	vadd.scan.msk.f32 $0xffff, v34  }
0x4cc: {  	v37 =	vld [tilespmem:s28+$0xFFFFFFF0];
	s31 =	simm.s32 $0x3;
	v14 =	vmov s30;
	v26 =	vmul.f32 $4.096000000e+03, v21;
	v32 =	vtrunc.f32 v32  }
0x4cd: {  	v29 =	vmov s31;
	v32 =	vcvt.f32.s32 v32;
	v38 =	vmul.f32 $2.441406250e-04, v24  }
0x4ce: {  	v42 =	vld [tilespmem:s28+$0x20];
	v30 =	vor.u32 $0x400, v29;
	v33 =	vcvt.f32.s32 v33;
	v39 =	vsub.f32 v25, v26;
	(xrf2) =	vadd.scan.msk.f32 $0xffff, v36  }
0x4cf: {  	v40 =	vmul.f32 $2.441406250e-04, v19;
	v25 =	vcvt.s32.f32 v32;
	v62 =	vadd.f32 $5.000000000e-01, v38  }
0x4d0: {  	v26 =	vor.u32 $0x400, v11;
	v34 =	vcvt.f32.s32 v63;
	v33 =	vcvt.s32.f32 v33  }
0x4d1: {  	v40 =	vadd.f32 $5.000000000e-01, v40;
	(xrf2) =	vadd.scan.msk.f32 $0xffff, v37;
	v44 =	vmul.f32 $4.096000000e+03, v25;
	v32 =	vtrunc.f32 v62  }
0x4d2: {  	v35 =	vmul.f32 $2.441406250e-04, v27;
	[tilespmem:v20+s18+$0x0] =	vst.idx.msk vm0, v39;
	v38 =	vcvt.f32.s32 v32;
	v32 =	vsub.f32 v28, v43;
	v28 =	vld [tilespmem:s28+$0x10]  }
0x4d3: {  	s25 =	simm.s32 $0x13B40;
	s23 =	simm.s32 $0x8;
	s26 =	simm.s32 $0x10;
	v37 =	vcvt.f32.s32 v41;
	v20, _, _ =	vpop (xrf2);
	v36 =	vtrunc.f32 v40;
	(xrf2) =	vadd.scan.msk.f32 $0xffff, v42;
	v39 =	vsub.f32 v31, v44  }
.LBB2_35:
0x4d4: {  	s30 =	sadd.s32 $0x4, s26;
	v38 =	vcvt.s32.f32 v38  }
0x4d5: {  	v40 =	vld [tilespmem:s25+$0xFFFFFFC0];
	s31 =	sadd.s32 $0x6, s26;
	v41 =	vmov s23;
	v42, _, _ =	vpop (xrf2);
	v37 =	vcvt.s32.f32 v37;
	[tilespmem:v22+s18+$0x0] =	vst.idx.msk vm0, v32;
	v32 =	vmov v27;
	s28 =	smov.u32 s26;
	s29 =	sadd.s32 $0x8, s26  }
0x4d6: {  	p0 =	slt.u32 s26, $0x3F8;
	s21 =	sadd.s32 $0x1, s28;
	v31 =	vmov s30;
	v22 =	vld [tilespmem:s25+$0x10];
	s30 =	sadd.s32 $0x5, s28;
	v27 =	vmul.f32 $4.096000000e+03, v33;
	[tilespmem:v11+s18+$0x0] =	vst.idx.msk vm0, v39;
	v11 =	vmovc v4;
	v4 =	vmov s31  }
0x4d7: {  	v39 =	vmov s21;
	v43 =	vmov s30;
	v44 =	vld [tilespmem:s25+$0x30];
	v45 =	vmul.f32 $4.096000000e+03, v38;
	(xrf2) =	vadd.scan.msk.f32 $0xffff, v28  }
0x4d8: {  	v35 =	vadd.f32 $5.000000000e-01, v35;
	v28 =	vor.u32 $0x400, v41;
	v46 =	vld [tilespmem:s25+$0xFFFFFFD0];
	v47, _, _ =	vpop (xrf2);
	[tilespmem:v23+s18+$0x0] =	vst.idx.msk vm0, v21;
	v21 =	vcvt.f32.s32 v36  }
0x4d9: {  	v23 =	vld [tilespmem:s25+$0x0];
	v24 =	vsub.f32 v24, v45;
	v36 =	vmul.f32 $2.441406250e-04, v47;
	v45 =	vmul.f32 $2.441406250e-04, v20;
	[tilespmem:v17+s18+$0x0] =	vst.idx.msk vm0, v12;
	v12 =	vmovc v38  }
0x4da: {  	v35 =	vtrunc.f32 v35;
	v27 =	vsub.f32 v16, v27;
	v38 =	vmul.f32 $4.096000000e+03, v37;
	v17 =	vmovc v28;
	(xrf2) =	vadd.scan.msk.f32 $0xffff, v40  }
0x4db: {  	v48 =	vmul.f32 $2.441406250e-04, v42;
	v49 =	vcvt.s32.f32 v21;
	v40 =	vld [tilespmem:s25+$0xFFFFFFE0];
	v45 =	vadd.f32 $5.000000000e-01, v45;
	v16, _, _ =	vpop (xrf2);
	[tilespmem:v26+s18+$0x0] =	vst.idx.msk vm0, v25  }
0x4dc: {  	v34 =	vcvt.s32.f32 v34;
	s21 =	sadd.s32 $0x7, s23;
	v25 =	vor.u32 $0x400, v14;
	v28 =	vmovc v22;
	v21 =	vmul.f32 $2.441406250e-04, v16;
	[tilespmem:v29+s18+$0x0] =	vst.idx.msk vm0, v27  }
0x4dd: {  	v22 =	vmov s21;
	v29 =	vor.u32 $0x400, v6;
	(xrf2) =	vadd.scan.msk.f32 $0xffff, v44;
	v26 =	vtrunc.f32 v45  }
0x4de: {  	v45 =	vor.u32 $0x400, v5;
	v44 =	vld [tilespmem:s25+$0xFFFFFFF0];
	[tilespmem:v41+s18+$0x0] =	vst.idx.msk vm0, v24;
	v24 =	vadd.f32 $5.000000000e-01, v21;
	v21 =	vcvt.f32.s32 v26;
	v41, _, _ =	vpop (xrf2)  }
0x4df: {  	v27 =	vcvt.f32.s32 v35;
	v35 =	vsub.f32 v10, v38;
	v10 =	vmovc v47;
	v26 =	vmul.f32 $2.441406250e-04, v41;
	[tilespmem:v30+s18+$0x0] =	vst.idx.msk vm0, v33  }
0x4e0: {  	s21 =	sadd.s32 $0x2, s28;
	v30 =	vor.u32 $0x400, v22;
	v33 =	vmul.f32 $4.096000000e+03, v49;
	(xrf2) =	vadd.scan.msk.f32 $0xffff, v23;
	v21 =	vcvt.s32.f32 v21  }
0x4e1: {  	v47 =	vmov s21;
	v38 =	vmul.f32 $4.096000000e+03, v34;
	v26 =	vadd.f32 $5.000000000e-01, v26;
	v50, _, _ =	vpop (xrf2);
	[tilespmem:v9+s18+$0x0] =	vst.idx.msk vm0, v35  }
0x4e2: {  	v51 =	vtrunc.f32 v24;
	v23 =	vor.u32 $0x400, v7;
	v9 =	vmovc v14;
	v35 =	vmul.f32 $4.096000000e+03, v21;
	[tilespmem:v13+s18+$0x0] =	vst.idx.msk vm0, v37;
	v13 =	vmovc v25  }
0x4e3: {  	v14 =	vadd.f32 $5.000000000e-01, v36;
	(xrf2) =	vadd.scan.msk.f32 $0xffff, v46;
	v25 =	vtrunc.f32 v26;
	v26 =	vsub.f32 v8, v38;
	v8 =	vmovc v42  }
0x4e4: {  	v24, _, _ =	vpop (xrf2);
	v36 =	vsub.f32 v20, v35;
	v20 =	vcvt.f32.s32 v25;
	[tilespmem:v18+s18+$0x0] =	vst.idx.msk vm0, v15;
	v15 =	vcvt.s32.f32 v27  }
0x4e5: {  	v19 =	vsub.f32 v19, v33;
	v35 =	vmul.f32 $2.441406250e-04, v50;
	v18 =	vmul.f32 $2.441406250e-04, v24;
	[tilespmem:v6+s18+$0x0] =	vst.idx.msk vm0, v26;
	v6 =	vmovc v3  }
0x4e6: {  	v14 =	vtrunc.f32 v14;
	v26 =	vor.u32 $0x400, v11;
	v3 =	vmovc v39;
	(xrf2) =	vadd.scan.msk.f32 $0xffff, v40;
	v25 =	vcvt.s32.f32 v20  }
0x4e7: {  	s21 =	sadd.s32 $0x3, s23;
	s23 =	smov.u32 s28;
	v39 =	vadd.f32 $5.000000000e-01, v35;
	v40 =	vmul.f32 $4.096000000e+03, v15;
	v37 =	vadd.f32 $5.000000000e-01, v18;
	v33 =	vld [tilespmem:s25+$0x20];
	v27, _, _ =	vpop (xrf2);
	[tilespmem:v29+s18+$0x0] =	vst.idx.msk vm0, v34  }
.Ltmp21:
0x4e8: {  	v42 =	vcvt.f32.s32 v51;
	v29 =	vmov s21;
	v35 =	vmul.f32 $2.441406250e-04, v27;
	[tilespmem:v5+s18+$0x0] =	vst.idx.msk vm0, v19;
	v5 =	vmovc v2;
	v2 =	vmovc v43;
	(pc) =	sbr.rel @p0 .LBB2_35-.Ltmp21, $4  }
0x4e9: {  	v34 =	vadd.f32 $5.000000000e-01, v48;
	v43 =	vmul.f32 $4.096000000e+03, v25;
	v19 =	vtrunc.f32 v37;
	(xrf2) =	vadd.scan.msk.f32 $0xffff, v44;
	v18 =	vmovc v30  }
0x4ea: {  	v32 =	vsub.f32 v32, v40;
	v37 =	vcvt.f32.s32 v14;
	v38 =	vcvt.f32.s32 v19;
	v20, _, _ =	vpop (xrf2);
	[tilespmem:v7+s18+$0x0] =	vst.idx.msk vm0, v36  }
0x4eb: {  	v40 =	vtrunc.f32 v34;
	v30 =	vor.u32 $0x400, v29;
	v14 =	vmovc v47;
	v36 =	vtrunc.f32 v39;
	v7 =	vmovc v31;
	[tilespmem:v45+s18+$0x0] =	vst.idx.msk vm0, v49  }
0x4ec: {  	s26 =	smov.u32 s29;
	s25 =	sadd.s32 $0x80, s25;
	v34 =	vcvt.f32.s32 v40;
	v39 =	vsub.f32 v41, v43;
	(xrf2) =	vadd.scan.msk.f32 $0xffff, v33;
	v33 =	vcvt.s32.f32 v42;
	v19 =	vmovc v50  }
0x4ed: {  	_ =	sdelay $0x3  }
0x4ee: {  	v31 =	vcvt.s32.f32 v38;
	v40 =	vmov s23  }
0x4ef: {  	s21 =	sadd.s32 $0x7, s23;
	v37 =	vcvt.s32.f32 v37;
	v35 =	vadd.f32 $5.000000000e-01, v35;
	[tilespmem:v22+s18+$0x0] =	vst.idx.msk vm0, v32;
	v55 =	vcvt.f32.s32 v36  }
0x4f0: {  	v41, _, _ =	vpop (xrf2);
	v56 =	vmul.f32 $2.441406250e-04, v20;
	[tilespmem:v23+s18+$0x0] =	vst.idx.msk vm0, v21;
	v46 =	vor.u32 $0x400, v5;
	v38 =	vmov s21  }
0x4f1: {  	s25 =	sadd.s32 $0x3, s23;
	v42 =	vmul.f32 $4.096000000e+03, v33;
	[tilespmem:v11+s18+$0x0] =	vst.idx.msk vm0, v39;
	v11 =	vor.u32 $0x400, v40;
	v23 =	vmul.f32 $2.441406250e-04, v41  }
0x4f2: {  	(xrf2) =	vadd.scan.msk.f32 $0xffff, v28;
	v63 =	vcvt.s32.f32 v34;
	v21 =	vmov s25;
	v43 =	vmul.f32 $4.096000000e+03, v31  }
0x4f3: {  	[tilespmem:v17+s18+$0x0] =	vst.idx.msk vm0, v12;
	v35 =	vtrunc.f32 v35;
	v58 =	vmul.f32 $4.096000000e+03, v37;
	v32 =	vadd.f32 $5.000000000e-01, v56  }
0x4f4: {  	[tilespmem:v18+s18+$0x0] =	vst.idx.msk vm0, v15;
	v34 =	vor.u32 $0x400, v38;
	v22, _, _ =	vpop (xrf2);
	v59 =	vsub.f32 v16, v42;
	v16 =	vcvt.s32.f32 v55  }
0x4f5: {  	[tilespmem:v26+s18+$0x0] =	vst.idx.msk vm0, v25;
	v45 =	vmul.f32 $4.096000000e+03, v63;
	v57 =	vmul.f32 $2.441406250e-04, v22;
	v24 =	vsub.f32 v24, v43;
	v39, _, _ =	vpop (xrf2)  }
0x4f6: {  	v42 =	vor.u32 $0x400, v6;
	v61 =	vtrunc.f32 v32;
	v43 =	vcvt.f32.s32 v35;
	[tilespmem:v29+s18+$0x0] =	vst.idx.msk vm0, v59;
	v28, _, _ =	vpop (xrf2)  }
0x4f7: {  	v10 =	vsub.f32 v10, v58;
	v25 =	vcvt.f32.s32 v61;
	[tilespmem:v40+s18+$0x0] =	vst.idx.msk vm0, v24;
	v62 =	vmul.f32 $2.441406250e-04, v28  }
0x4f8: {  	v47 =	vmul.f32 $4.096000000e+03, v16;
	[tilespmem:v30+s18+$0x0] =	vst.idx.msk vm0, v33;
	v52 =	vadd.f32 $5.000000000e-01, v57;
	v60 =	vmul.f32 $2.441406250e-04, v39  }
0x4f9: {  	v8 =	vsub.f32 v8, v45;
	[tilespmem:v9+s18+$0x0] =	vst.idx.msk vm0, v10;
	v24 =	vcvt.s32.f32 v43;
	v44 =	vadd.f32 $5.000000000e-01, v62  }
0x4fa: {  	v25 =	vcvt.s32.f32 v25;
	[tilespmem:v13+s18+$0x0] =	vst.idx.msk vm0, v37;
	v57 =	vtrunc.f32 v52;
	v17 =	vadd.f32 $5.000000000e-01, v60  }
0x4fb: {  	v59 =	vor.u32 $0x400, v7;
	[tilespmem:v6+s18+$0x0] =	vst.idx.msk vm0, v8;
	v58 =	vmul.f32 $4.096000000e+03, v24;
	v48 =	vtrunc.f32 v44  }
0x4fc: {  	v54 =	vsub.f32 v19, v47;
	[tilespmem:v11+s18+$0x0] =	vst.idx.msk vm0, v31;
	v49 =	vtrunc.f32 v17;
	v9 =	vcvt.f32.s32 v48  }
0x4fd: {  	[tilespmem:v42+s18+$0x0] =	vst.idx.msk vm0, v63;
	v51 =	vmul.f32 $4.096000000e+03, v25;
	v50, _, _ =	vpop (xrf2);
	v63 =	vsub.f32 v27, v58;
	v10 =	vcvt.f32.s32 v49  }
0x4fe: {  	[tilespmem:v5+s18+$0x0] =	vst.idx.msk vm0, v54;
	v53 =	vmul.f32 $2.441406250e-04, v50;
	v62 =	vadd.f32 $5.000000000e-01, v23;
	v55 =	vcvt.s32.f32 v9  }
0x4ff: {  	[tilespmem:v46+s18+$0x0] =	vst.idx.msk vm0, v16;
	v56 =	vsub.f32 v20, v51;
	v20 =	vcvt.f32.s32 v57;
	v10 =	vcvt.s32.f32 v10  }
0x500: {  	v26 =	vor.u32 $0x400, v21;
	[tilespmem:v38+s18+$0x0] =	vst.idx.msk vm0, v63;
	v23 =	vtrunc.f32 v62;
	v60 =	vmul.f32 $4.096000000e+03, v55  }
0x501: {  	[tilespmem:v7+s18+$0x0] =	vst.idx.msk vm0, v56;
	v15 =	vadd.f32 $5.000000000e-01, v53;
	v27 =	vmul.f32 $4.096000000e+03, v10;
	v9 =	vcvt.s32.f32 v20  }
0x502: {  	v61 =	vor.u32 $0x400, v4;
	[tilespmem:v34+s18+$0x0] =	vst.idx.msk vm0, v24;
	v29 =	vcvt.f32.s32 v23;
	v5 =	vsub.f32 v28, v60  }
0x503: {  	[tilespmem:v59+s18+$0x0] =	vst.idx.msk vm0, v25;
	v30 =	vtrunc.f32 v15;
	v33 =	vsub.f32 v39, v27;
	v32 =	vmul.f32 $4.096000000e+03, v9  }
0x504: {  	v12 =	vcvt.f32.s32 v30;
	v28 =	vor.u32 $0x400, v14;
	[tilespmem:v4+s18+$0x0] =	vst.idx.msk vm0, v5;
	v5 =	vcvt.s32.f32 v29  }
0x505: {  	[tilespmem:v21+s18+$0x0] =	vst.idx.msk vm0, v33;
	v35 =	vsub.f32 v22, v32  }
0x506: {  	v37 =	vor.u32 $0x400, v3;
	v36 =	vcvt.s32.f32 v12;
	[tilespmem:v26+s18+$0x0] =	vst.idx.msk vm0, v10;
	v38 =	vmul.f32 $4.096000000e+03, v5  }
0x507: {  	[tilespmem:v14+s18+$0x0] =	vst.idx.msk vm0, v35  }
0x508: {  	v39 =	vor.u32 $0x400, v2;
	v40 =	vmul.f32 $4.096000000e+03, v36;
	[tilespmem:v61+s18+$0x0] =	vst.idx.msk vm0, v55;
	v41 =	vsub.f32 v41, v38  }
0x509: {  	[tilespmem:v28+s18+$0x0] =	vst.idx.msk vm0, v9  }
0x50a: {  	[tilespmem:v3+s18+$0x0] =	vst.idx.msk vm0, v41;
	v3 =	vsub.f32 v50, v40  }
0x50b: {  	[tilespmem:v37+s18+$0x0] =	vst.idx.msk vm0, v5  }
0x50c: {  	[tilespmem:v2+s18+$0x0] =	vst.idx.msk vm0, v3  }
0x50d: {  	[tilespmem:v39+s18+$0x0] =	vst.idx.msk vm0, v36  }
0x50e: {  	s28 =	simm.s32 $0x80;
	s25 =	simm.s32 $0x400;
	s26 =	rddreg [dreg:$0x19]  }
0x50f: {  	[spmem:s26] =	stream.strided.scatter [tilespmem:s18], [sflag:$0x5], $0x800, s25, s28, $0x38;
	[tilespmem:$0x19200] =	vst v63  }
0x510: {  	_ =	swait.ge [sflag:s19], $0x800  }
0x511: {  	[sflag:s19] =	ssyncset.done $0x0  }
0x512: {  	[sflag:s19] =	ssyncadd.s32 $0xFFFFF800  }
0x513: {  	s29 =	simm.s32 $0x18200;
	[bflag:$0x0] =	sbarrier.arrive $0xFFFF  }
0x514: {  	[tilespmem:s29], [sflag:$0x1] =	stream.linear.gather [spmem:s24], $0x80, $0x38;
	[tilespmem:$0x19200] =	vst v63  }
0x515: {  	s30 =	rddreg [dreg:$0x1c]  }
0x516: {  	s31 =	simm.s32 $0x18280;
	s25 =	rddreg [dreg:$0x1d]  }
0x517: {  	[tilespmem:s31], [sflag:$0x1] =	stream.linear.gather [spmem:s30], $0x80, $0x38;
	[tilespmem:$0x19200] =	vst v63  }
0x518: {  	s26 =	simm.s32 $0x18300;
	s28 =	rddreg [dreg:$0x1e]  }
0x519: {  	[tilespmem:s26], [sflag:$0x1] =	stream.linear.gather [spmem:s25], $0x80, $0x38;
	[tilespmem:$0x19200] =	vst v63  }
0x51a: {  	s29 =	simm.s32 $0x18380;
	s23 =	sld [smem:$0x7FD]  }
0x51b: {  	[tilespmem:s29], [sflag:$0x1] =	stream.linear.gather [spmem:s28], $0x80, $0x38;
	[tilespmem:$0x19200] =	vst v63  }
0x51c: {  	s30 =	rddreg [dreg:$0x1f];
	s31 =	simm.s32 $0x18400  }
0x51d: {  	[tilespmem:s31], [sflag:$0x1] =	stream.linear.gather [spmem:s30], $0x80, $0x38;
	[tilespmem:$0x19200] =	vst v63  }
0x51e: {  	s25 =	simm.s32 $0x18480  }
0x51f: {  	[tilespmem:s25], [sflag:$0x1] =	stream.linear.gather [spmem:s23], $0x80, $0x38;
	[tilespmem:$0x19200] =	vst v63  }
0x520: {  	s26 =	simm.s32 $0x18500  }
0x521: {  	[tilespmem:s26], [sflag:$0x1] =	stream.linear.gather [spmem:s0], $0x80, $0x38;
	[tilespmem:$0x19200] =	vst v63  }
0x522: {  	s28 =	simm.s32 $0x18580  }
0x523: {  	[tilespmem:s28], [sflag:$0x1] =	stream.linear.gather [spmem:s1], $0x80, $0x38;
	[tilespmem:$0x19200] =	vst v63  }
0x524: {  	s29 =	simm.s32 $0x18600  }
0x525: {  	[tilespmem:s29], [sflag:$0x1] =	stream.linear.gather [spmem:s2], $0x80, $0x38;
	[tilespmem:$0x19200] =	vst v63  }
0x526: {  	s30 =	simm.s32 $0x18680  }
0x527: {  	[tilespmem:s30], [sflag:$0x1] =	stream.linear.gather [spmem:s3], $0x80, $0x38;
	[tilespmem:$0x19200] =	vst v63  }
0x528: {  	s31 =	simm.s32 $0x18700  }
0x529: {  	[tilespmem:s31], [sflag:$0x1] =	stream.linear.gather [spmem:s4], $0x80, $0x38;
	[tilespmem:$0x19200] =	vst v63  }
0x52a: {  	s23 =	simm.s32 $0x18780  }
0x52b: {  	[tilespmem:s23], [sflag:$0x1] =	stream.linear.gather [spmem:s5], $0x80, $0x38;
	[tilespmem:$0x19200] =	vst v63  }
0x52c: {  	s25 =	simm.s32 $0x18800  }
0x52d: {  	[tilespmem:s25], [sflag:$0x1] =	stream.linear.gather [spmem:s6], $0x80, $0x38;
	[tilespmem:$0x19200] =	vst v63  }
0x52e: {  	s26 =	simm.s32 $0x18880  }
0x52f: {  	[tilespmem:s26], [sflag:$0x1] =	stream.linear.gather [spmem:s7], $0x80, $0x38;
	[tilespmem:$0x19200] =	vst v63  }
0x530: {  	s28 =	simm.s32 $0x18900  }
0x531: {  	[tilespmem:s28], [sflag:$0x1] =	stream.linear.gather [spmem:s8], $0x80, $0x38;
	[tilespmem:$0x19200] =	vst v63  }
0x532: {  	s29 =	simm.s32 $0x18980  }
0x533: {  	[tilespmem:s29], [sflag:$0x1] =	stream.linear.gather [spmem:s9], $0x80, $0x38;
	[tilespmem:$0x19200] =	vst v63  }
0x534: {  	_ =	swait.ge [sflag:s11], $0x80  }
0x535: {  	[sflag:s11] =	ssyncset.done $0x0  }
0x536: {  	[sflag:s11] =	ssyncadd.s32 $0xFFFFFF80  }
0x537: {  	_ =	swait.ge [sflag:s11], $0x80  }
0x538: {  	[sflag:s11] =	ssyncset.done $0x0  }
0x539: {  	[sflag:s11] =	ssyncadd.s32 $0xFFFFFF80  }
0x53a: {  	_ =	swait.ge [sflag:s11], $0x80  }
0x53b: {  	[sflag:s11] =	ssyncset.done $0x0  }
0x53c: {  	[sflag:s11] =	ssyncadd.s32 $0xFFFFFF80  }
0x53d: {  	_ =	swait.ge [sflag:s11], $0x80  }
0x53e: {  	[sflag:s11] =	ssyncset.done $0x0  }
0x53f: {  	[sflag:s11] =	ssyncadd.s32 $0xFFFFFF80  }
0x540: {  	_ =	swait.ge [sflag:s11], $0x80  }
0x541: {  	[sflag:s11] =	ssyncset.done $0x0  }
0x542: {  	[sflag:s11] =	ssyncadd.s32 $0xFFFFFF80  }
0x543: {  	_ =	swait.ge [sflag:s11], $0x80  }
0x544: {  	[sflag:s11] =	ssyncset.done $0x0  }
0x545: {  	[sflag:s11] =	ssyncadd.s32 $0xFFFFFF80  }
0x546: {  	_ =	swait.ge [sflag:s11], $0x80  }
0x547: {  	[sflag:s11] =	ssyncset.done $0x0  }
0x548: {  	[sflag:s11] =	ssyncadd.s32 $0xFFFFFF80  }
0x549: {  	_ =	swait.ge [sflag:s11], $0x80  }
0x54a: {  	[sflag:s11] =	ssyncset.done $0x0  }
0x54b: {  	[sflag:s11] =	ssyncadd.s32 $0xFFFFFF80  }
0x54c: {  	_ =	swait.ge [sflag:s11], $0x80  }
0x54d: {  	[sflag:s11] =	ssyncset.done $0x0  }
0x54e: {  	[sflag:s11] =	ssyncadd.s32 $0xFFFFFF80  }
0x54f: {  	_ =	swait.ge [sflag:s11], $0x80  }
0x550: {  	[sflag:s11] =	ssyncset.done $0x0  }
0x551: {  	[sflag:s11] =	ssyncadd.s32 $0xFFFFFF80  }
0x552: {  	_ =	swait.ge [sflag:s11], $0x80  }
0x553: {  	[sflag:s11] =	ssyncset.done $0x0  }
0x554: {  	[sflag:s11] =	ssyncadd.s32 $0xFFFFFF80  }
0x555: {  	_ =	swait.ge [sflag:s11], $0x80  }
0x556: {  	[sflag:s11] =	ssyncset.done $0x0  }
0x557: {  	[sflag:s11] =	ssyncadd.s32 $0xFFFFFF80  }
0x558: {  	_ =	swait.ge [sflag:s11], $0x80  }
0x559: {  	[sflag:s11] =	ssyncset.done $0x0  }
0x55a: {  	[sflag:s11] =	ssyncadd.s32 $0xFFFFFF80  }
0x55b: {  	_ =	swait.ge [sflag:s11], $0x80  }
0x55c: {  	[sflag:s11] =	ssyncset.done $0x0  }
0x55d: {  	[sflag:s11] =	ssyncadd.s32 $0xFFFFFF80  }
0x55e: {  	_ =	swait.ge [sflag:s11], $0x80  }
0x55f: {  	[sflag:s11] =	ssyncset.done $0x0  }
0x560: {  	[sflag:s11] =	ssyncadd.s32 $0xFFFFFF80  }
0x561: {  	_ =	swait.ge [sflag:s11], $0x80  }
0x562: {  	[sflag:s11] =	ssyncset.done $0x0  }
0x563: {  	[sflag:s11] =	ssyncadd.s32 $0xFFFFFF80  }
0x564: {  	v2 =	vld [tilespmem:$0x18200]  }
0x565: {  	v3 =	vld [tilespmem:$0x18280]  }
0x566: {  	v4 =	vld [tilespmem:$0x18300]  }
0x567: {  	v5 =	vld [tilespmem:$0x18380]  }
0x568: {  	v11 =	vld [tilespmem:$0x18400]  }
0x569: {  	v12 =	vld [tilespmem:$0x18480]  }
0x56a: {  	v13 =	vld [tilespmem:$0x18500]  }
0x56b: {  	v15 =	vld [tilespmem:$0x18580]  }
0x56c: {  	v18 =	vld [tilespmem:$0x18600]  }
0x56d: {  	v20 =	vld [tilespmem:$0x18680]  }
0x56e: {  	v33 =	vld [tilespmem:$0x18700]  }
0x56f: {  	v42 =	vld [tilespmem:$0x18780]  }
0x570: {  	v43 =	vld [tilespmem:$0x18800]  }
0x571: {  	v44 =	vld [tilespmem:$0x18880]  }
0x572: {  	v45 =	vld [tilespmem:$0x18900]  }
0x573: {  	v46 =	vld [tilespmem:$0x18980]  }
0x574: {  	v7 =	vld [tilespmem:$0x18210]  }
0x575: {  	v9 =	vld [tilespmem:$0x18290]  }
0x576: {  	v21 =	vld [tilespmem:$0x18310]  }
0x577: {  	v22 =	vld [tilespmem:$0x18390]  }
0x578: {  	v23 =	vld [tilespmem:$0x18410]  }
0x579: {  	v24 =	vld [tilespmem:$0x18490]  }
0x57a: {  	v25 =	vld [tilespmem:$0x18510]  }
0x57b: {  	v26 =	vld [tilespmem:$0x18590]  }
0x57c: {  	v27 =	vld [tilespmem:$0x18610]  }
0x57d: {  	v28 =	vld [tilespmem:$0x18690]  }
0x57e: {  	v29 =	vld [tilespmem:$0x18710]  }
0x57f: {  	v30 =	vld [tilespmem:$0x18790]  }
0x580: {  	v32 =	vld [tilespmem:$0x18810]  }
0x581: {  	v47 =	vld [tilespmem:$0x18890]  }
0x582: {  	v48 =	vld [tilespmem:$0x18910]  }
0x583: {  	v49 =	vld [tilespmem:$0x18990]  }
0x584: {  	v10 =	vld [tilespmem:$0x18220]  }
0x585: {  	v35 =	vld [tilespmem:$0x182A0]  }
0x586: {  	v36 =	vld [tilespmem:$0x18320]  }
0x587: {  	v37 =	vld [tilespmem:$0x183A0]  }
0x588: {  	v38 =	vld [tilespmem:$0x18420]  }
0x589: {  	v39 =	vld [tilespmem:$0x184A0]  }
0x58a: {  	v40 =	vld [tilespmem:$0x18520]  }
0x58b: {  	v41 =	vld [tilespmem:$0x185A0]  }
0x58c: {  	v50 =	vld [tilespmem:$0x18230]  }
0x58d: {  	v51 =	vld [tilespmem:$0x182B0]  }
0x58e: {  	v52 =	vld [tilespmem:$0x18330]  }
0x58f: {  	v53 =	vld [tilespmem:$0x183B0]  }
0x590: {  	v54 =	vld [tilespmem:$0x18430]  }
0x591: {  	v55 =	vld [tilespmem:$0x184B0]  }
0x592: {  	v56 =	vld [tilespmem:$0x18530]  }
0x593: {  	v57 =	vld [tilespmem:$0x185B0]  }
0x594: {  	v58 =	vld [tilespmem:$0x18630]  }
0x595: {  	v59 =	vld [tilespmem:$0x186B0]  }
0x596: {  	v60 =	vld [tilespmem:$0x18730]  }
0x597: {  	v61 =	vld [tilespmem:$0x187B0]  }
0x598: {  	v62 =	vld [tilespmem:$0x18830]  }
0x599: {  	v63 =	vld [tilespmem:$0x188B0]  }
0x59a: {  	v6 =	vld [tilespmem:$0x18930]  }
0x59b: {  	v16 =	vld [tilespmem:$0x189B0]  }
0x59c: {  	v14 =	vld [tilespmem:$0x18240]  }
0x59d: {  	v8 =	vld [tilespmem:$0x182C0]  }
0x59e: {  	v17 =	vld [tilespmem:$0x18340]  }
0x59f: {  	v19 =	vld [tilespmem:$0x183C0]  }
0x5a0: {  	v31 =	vld [tilespmem:$0x18440]  }
0x5a1: {  	v34 =	vld [tilespmem:$0x184C0]  }
0x5a2: {  	[tilespmem:$0x1FF60] =	vst v42;
	v42 =	vld [tilespmem:$0x18620]  }
0x5a3: {  	[tilespmem:$0x1FF70] =	vst v43;
	v43 =	vld [tilespmem:$0x186A0]  }
0x5a4: {  	[tilespmem:$0x1FF80] =	vst v44;
	v44 =	vld [tilespmem:$0x18720]  }
0x5a5: {  	[tilespmem:$0x1FFA0] =	vst v45;
	v45 =	vld [tilespmem:$0x187A0]  }
0x5a6: {  	[tilespmem:$0x1FFC0] =	vst v46;
	v46 =	vld [tilespmem:$0x18820]  }
0x5a7: {  	[tilespmem:$0x1FF90] =	vst v47;
	v47 =	vld [tilespmem:$0x188A0]  }
0x5a8: {  	[tilespmem:$0x1FFB0] =	vst v48;
	v48 =	vld [tilespmem:$0x18920]  }
0x5a9: {  	[tilespmem:$0x1FFD0] =	vst v49;
	v49 =	vld [tilespmem:$0x189A0]  }
0x5aa: {  	[tilespmem:$0x1FFE0] =	vst v34;
	v34 =	vld [tilespmem:$0x18540]  }
0x5ab: {  	v2 =	vadd.f32 v3, v2;
	v3 =	vld [tilespmem:$0x185C0]  }
0x5ac: {  	v7 =	vadd.f32 v9, v7;
	v9 =	vld [tilespmem:$0x18640];
	v50 =	vadd.f32 v51, v50  }
0x5ad: {  	v2 =	vadd.f32 v4, v2;
	v4 =	vadd.f32 v35, v10;
	v10 =	vld [tilespmem:$0x186C0]  }
0x5ae: {  	v35 =	vadd.f32 v21, v7;
	v21 =	vld [tilespmem:$0x18740]  }
0x5af: {  	v7 =	vld [tilespmem:$0x187C0];
	v50 =	vadd.f32 v52, v50  }
0x5b0: {  	v2 =	vadd.f32 v5, v2;
	v5 =	vld [tilespmem:$0x18840]  }
0x5b1: {  	v51 =	vadd.f32 v53, v50;
	v50 =	vld [tilespmem:$0x182F0]  }
0x5b2: {  	v4 =	vadd.f32 v36, v4;
	v22 =	vadd.f32 v22, v35;
	v35 =	vld [tilespmem:$0x185E0]  }
0x5b3: {  	v8 =	vadd.f32 v8, v14;
	[tilespmem:$0x1FFF0] =	vst v34;
	v34 =	vld [tilespmem:$0x182E0]  }
0x5b4: {  	v36 =	vadd.f32 v37, v4;
	v4 =	vld [tilespmem:$0x188C0]  }
0x5b5: {  	v8 =	vadd.f32 v17, v8;
	v2 =	vadd.f32 v11, v2;
	v11 =	vld [tilespmem:$0x18940]  }
0x5b6: {  	v22 =	vadd.f32 v23, v22;
	v23 =	vadd.f32 v54, v51;
	v54 =	vld [tilespmem:$0x182D0]  }
0x5b7: {  	v8 =	vadd.f32 v19, v8;
	v37 =	vld [tilespmem:$0x188D0]  }
0x5b8: {  	v51 =	vld [tilespmem:$0x1FFD0]  }
0x5b9: {  	v8 =	vadd.f32 v31, v8;
	v31 =	vld [tilespmem:$0x1FFE0]  }
0x5ba: {  	v12 =	vadd.f32 v12, v2;
	v2 =	vld [tilespmem:$0x189C0]  }
0x5bb: {  	v22 =	vadd.f32 v24, v22;
	v24 =	vld [tilespmem:$0x18250]  }
0x5bc: {  	v52 =	vadd.f32 v38, v36;
	v36 =	vld [tilespmem:$0x187D0]  }
0x5bd: {  	v23 =	vadd.f32 v55, v23;
	v55 =	vld [tilespmem:$0x183E0]  }
0x5be: {  	v22 =	vadd.f32 v25, v22;
	v25 =	vld [tilespmem:$0x18350]  }
0x5bf: {  	v12 =	vadd.f32 v13, v12;
	v53 =	vadd.f32 v39, v52;
	v52 =	vld [tilespmem:$0x18360]  }
0x5c0: {  	v39 =	vld [tilespmem:$0x1FFF0]  }
0x5c1: {  	v23 =	vadd.f32 v56, v23;
	v12 =	vadd.f32 v15, v12;
	v15 =	vld [tilespmem:$0x183D0]  }
0x5c2: {  	v22 =	vadd.f32 v26, v22;
	v26 =	vld [tilespmem:$0x18450]  }
0x5c3: {  	v23 =	vadd.f32 v57, v23;
	v57 =	vld [tilespmem:$0x1FF60]  }
0x5c4: {  	v13 =	vadd.f32 v40, v53;
	v53 =	vld [tilespmem:$0x18370]  }
0x5c5: {  	v8 =	vadd.f32 v31, v8;
	v40 =	vld [tilespmem:$0x185F0];
	v54 =	vadd.f32 v54, v24  }
0x5c6: {  	v12 =	vadd.f32 v18, v12;
	v13 =	vadd.f32 v41, v13;
	v18 =	vld [tilespmem:$0x184D0]  }
0x5c7: {  	v22 =	vadd.f32 v27, v22;
	v27 =	vld [tilespmem:$0x18550];
	v23 =	vadd.f32 v58, v23  }
0x5c8: {  	v58 =	vld [tilespmem:$0x1FF70];
	v8 =	vadd.f32 v39, v8;
	v12 =	vadd.f32 v20, v12  }
0x5c9: {  	v41 =	vld [tilespmem:$0x18660];
	v13 =	vadd.f32 v42, v13;
	v22 =	vadd.f32 v28, v22  }
0x5ca: {  	v20 =	vld [tilespmem:$0x185D0];
	v23 =	vadd.f32 v59, v23;
	v3 =	vadd.f32 v3, v8  }
0x5cb: {  	v28 =	vld [tilespmem:$0x18650];
	v12 =	vadd.f32 v33, v12;
	v13 =	vadd.f32 v43, v13  }
0x5cc: {  	v59 =	vld [tilespmem:$0x1FF80];
	v22 =	vadd.f32 v29, v22;
	v23 =	vadd.f32 v60, v23  }
0x5cd: {  	v33 =	vld [tilespmem:$0x186D0];
	v3 =	vadd.f32 v9, v3;
	v13 =	vadd.f32 v44, v13  }
0x5ce: {  	v60 =	vld [tilespmem:$0x1FF90];
	v12 =	vadd.f32 v57, v12;
	v22 =	vadd.f32 v30, v22  }
0x5cf: {  	v23 =	vadd.f32 v61, v23;
	v61 =	vld [tilespmem:$0x18260];
	v13 =	vadd.f32 v45, v13  }
0x5d0: {  	v29 =	vld [tilespmem:$0x18750];
	v3 =	vadd.f32 v10, v3;
	v12 =	vadd.f32 v58, v12  }
0x5d1: {  	v23 =	vadd.f32 v62, v23;
	v13 =	vadd.f32 v46, v13;
	v46 =	vld [tilespmem:$0x18270]  }
0x5d2: {  	v57 =	vld [tilespmem:$0x183F0];
	v22 =	vadd.f32 v32, v22;
	v3 =	vadd.f32 v21, v3  }
0x5d3: {  	v62 =	vld [tilespmem:$0x1FFA0];
	v12 =	vadd.f32 v59, v12;
	v23 =	vadd.f32 v63, v23  }
0x5d4: {  	v45 =	vld [tilespmem:$0x1FFB0];
	v22 =	vadd.f32 v60, v22;
	v56 =	vadd.f32 v34, v61  }
0x5d5: {  	v59 =	vld [tilespmem:$0x18460];
	v3 =	vadd.f32 v7, v3;
	v6 =	vadd.f32 v6, v23  }
0x5d6: {  	v60 =	vld [tilespmem:$0x18470];
	v17 =	vadd.f32 v52, v56;
	v58 =	vadd.f32 v50, v46  }
0x5d7: {  	v61 =	vld [tilespmem:$0x184E0];
	v6 =	vadd.f32 v16, v6;
	v16 =	vadd.f32 v25, v54  }
0x5d8: {  	v63 =	vld [tilespmem:$0x18560];
	v17 =	vadd.f32 v55, v17;
	v14 =	vadd.f32 v53, v58  }
0x5d9: {  	v12 =	vadd.f32 v62, v12;
	v62 =	vld [tilespmem:$0x184F0];
	v15 =	vadd.f32 v15, v16  }
0x5da: {  	v43 =	vld [tilespmem:$0x18670];
	v17 =	vadd.f32 v59, v17;
	v14 =	vadd.f32 v57, v14  }
0x5db: {  	v34 =	vld [tilespmem:$0x18570];
	v13 =	vadd.f32 v47, v13;
	v15 =	vadd.f32 v26, v15  }
0x5dc: {  	v30 =	vld [tilespmem:$0x18850];
	v16 =	vadd.f32 v61, v17;
	v14 =	vadd.f32 v60, v14  }
0x5dd: {  	v44 =	vld [tilespmem:$0x186E0];
	v22 =	vadd.f32 v45, v22;
	v15 =	vadd.f32 v18, v15  }
0x5de: {  	v47 =	vld [tilespmem:$0x1FFC0];
	v42 =	vadd.f32 v63, v16;
	v14 =	vadd.f32 v62, v14  }
0x5df: {  	v32 =	vld [tilespmem:$0x18950];
	v13 =	vadd.f32 v48, v13;
	v15 =	vadd.f32 v27, v15  }
0x5e0: {  	v45 =	vld [tilespmem:$0x186F0];
	v8 =	vadd.f32 v35, v42;
	v14 =	vadd.f32 v34, v14  }
0x5e1: {  	v22 =	vadd.f32 v51, v22;
	v46 =	vld [tilespmem:$0x18760];
	v15 =	vadd.f32 v20, v15  }
0x5e2: {  	v48 =	vld [tilespmem:$0x187E0];
	v8 =	vadd.f32 v41, v8;
	v14 =	vadd.f32 v40, v14  }
0x5e3: {  	v12 =	vadd.f32 v47, v12;
	v47 =	vld [tilespmem:$0x18770];
	v15 =	vadd.f32 v28, v15  }
0x5e4: {  	v50 =	vld [tilespmem:$0x18860];
	v8 =	vadd.f32 v44, v8;
	v14 =	vadd.f32 v43, v14  }
0x5e5: {  	v13 =	vadd.f32 v49, v13;
	v49 =	vld [tilespmem:$0x187F0];
	v15 =	vadd.f32 v33, v15  }
0x5e6: {  	v52 =	vld [tilespmem:$0x18870];
	v51 =	vadd.f32 v46, v8;
	v9 =	vadd.f32 v45, v14  }
0x5e7: {  	v3 =	vadd.f32 v5, v3;
	v54 =	vld [tilespmem:$0x188E0];
	v15 =	vadd.f32 v29, v15  }
0x5e8: {  	v56 =	vld [tilespmem:$0x188F0];
	v55 =	vadd.f32 v48, v51;
	v9 =	vadd.f32 v47, v9  }
0x5e9: {  	v3 =	vadd.f32 v4, v3;
	v58 =	vld [tilespmem:$0x18960];
	v53 =	vadd.f32 v36, v15  }
0x5ea: {  	v61 =	vld [tilespmem:$0x189E0];
	v59 =	vadd.f32 v50, v55;
	v9 =	vadd.f32 v49, v9  }
0x5eb: {  	v3 =	vadd.f32 v11, v3;
	v60 =	vld [tilespmem:$0x18970];
	v57 =	vadd.f32 v30, v53  }
0x5ec: {  	v38 =	vld [tilespmem:$0x189D0];
	v4 =	vadd.f32 v54, v59;
	v8 =	vadd.f32 v52, v9  }
0x5ed: {  	[tilespmem:$0x17A30] =	vst v6;
	v2 =	vadd.f32 v2, v3;
	v62 =	vld [tilespmem:$0x189F0];
	v10 =	vadd.f32 v37, v57  }
0x5ee: {  	[tilespmem:$0x17A10] =	vst v22;
	v3 =	vadd.f32 v58, v4;
	v7 =	vadd.f32 v56, v8  }
0x5ef: {  	[tilespmem:$0x17A20] =	vst v13;
	v10 =	vadd.f32 v32, v10  }
0x5f0: {  	[tilespmem:$0x17A40] =	vst v2;
	v2 =	vadd.f32 v61, v3;
	v5 =	vadd.f32 v60, v7  }
0x5f1: {  	[tilespmem:$0x17A00] =	vst v12;
	v63 =	vadd.f32 v38, v10  }
0x5f2: {  	[tilespmem:$0x17A60] =	vst v2;
	v3 =	vadd.f32 v62, v5  }
0x5f3: {  	[tilespmem:$0x17A50] =	vst v63  }
0x5f4: {  	s30 =	rddreg [dreg:$0x1a];
	[tilespmem:$0x17A70] =	vst v3  }
0x5f5: {  	[hbm4b:s30+s22] =	stream.linear.scatter [tilespmem:s18], [sflag:$0x5], $0x80, $0x38;
	[tilespmem:$0x19200] =	vst v63  }
0x5f6: {  	_ =	swait.ge [sflag:s19], $0x80  }
0x5f7: {  	s20 =	sadd.s32 $0x1, s20;
	s31 =	rddreg [dreg:$0x1b]  }
0x5f8: {  	p0 =	sne.s32 s20, s31  }
.Ltmp22:
0x5f9: {  	_ = 	snop;
	(pc) =	sbr.rel @p0 .LBB2_1-.Ltmp22, $3  }
0x5fa: {  	_ =	sdelay $0x1  }
0x5fb: {  	[sflag:s19] =	ssyncset.done $0x0  }
0x5fc: {  	[sflag:s19] =	ssyncadd.s32 $0xFFFFFF80  }
0x5fd: {  	_ =	sfence.sel $0x180000  }
0x5fe: {  	[bflag:$0x0] =	sbarrier.arrive $0xFFFF  }
0x5ff: {  	_ =	strace $0x90000047  }
0x600: {  	s0 =	stileid.u32;
	[bflag:$0x2] =	sbarrier.arrive $0xFFFF  }
0x601: {  	p0 =	sne.s32 s0, $0x0;
	s0 =	rddreg [dreg:$0x4]  }
0x602: {  	s0 =	sadd.s32 @!p0 $0x100000, s0  }
0x603: {  	[sflag:s0] =	ssyncadd.tile.s32 @!p0 $0x1;
	_ =	shalt  }
.Lfunc_end2:
_tile_overlayer_lowered:
.L_overlay_start_2:
0x604: {  	(tag) =	ssettag $0x2  }
0x605: {  	s0 =	rddreg [dreg:$0x0];
	s2 =	stileid.u32  }
0x606: {  	s1 =	rddreg [dreg:$0x1];
	p0 =	sne.s32 s2, $0x0  }
0x607: {  	s3 =	rddreg [dreg:$0x2];
	[bflag:$0x3] =	sbarrier.arrive $0xFFFF;
	s2 =	simm.s32 @!p0 $0x1C05  }
0x608: {  	[timem:s3], [sflag:s2] =	dma.local @!p0 [hbm:s0], s1  }
0x609: {  	s0 =	simm.s32 @!p0 $0x5  }
0x60a: {  	_ =	swait.ge @!p0 [sflag:s0], s1  }
0x60b: {  	s1 =	ssub.s32 @!p0 $0x0, s1;
	[sflag:s0] =	ssyncset.done @!p0 $0x0  }
0x60c: {  	[sflag:s0] =	ssyncadd.s32 @!p0 s1  }
0x60d: {  	[bflag:$0x3] =	sbarrier.arrive $0xFFFF  }
0x60e: {  	_ =	shalt  }

</sc_bundles>
